<compile_context>
chip_gen: v7x
topology: tpu7x:2x2x1
jax: 0.10.2.dev20260603
libtpu: 0.0.44.dev20260713+nightly
codegen_flags: <defaults>
</compile_context>

<pallas_src>
import functools

import jax
import jax.numpy as jnp
from jax import lax
from jax.experimental import pallas as pl
from jax.experimental.pallas import tpu as pltpu
from jax.experimental.pallas import tpu_sc as plsc

NC = 2
NS = 16
L = 16
NW = NC * NS

_SC_PARAMS = pltpu.CompilerParams(needs_layout_passes=False,
                                 use_tc_tiling_on_sc=False)


def _zero_chunk(NP):
    rpt = NP // NS
    for zc in (128, 64, 32, 16, 8):
        if rpt % zc == 0:
            return zc
    return 8


def _zero_acc(zb_v, acc_sh, s, *, NP, QD):
    RPT = NP // NS
    ZC = zb_v.shape[0]
    z = jnp.zeros((L,), jnp.float32)

    def _zb(i, carry):
        for q in range(QD):
            zb_v[i, pl.ds(q * L, L)] = z
        return carry
    lax.fori_loop(0, ZC, _zb, 0)

    def _za(k, carry):
        pltpu.sync_copy(zb_v, acc_sh.at[pl.ds(s * RPT + k * ZC, ZC)])
        return carry
    lax.fori_loop(0, RPT // ZC, _za, 0)


@functools.lru_cache(maxsize=None)
def _feat_agg(NP, E, D, B):
    DH = D // 2
    NB = E // (NS * B)
    assert NB * NS * B == E and DH % L == 0 and B <= 128
    T = NB * B
    ZC = _zero_chunk(NP)
    QD = DH // L
    mesh = plsc.VectorSubcoreMesh(core_axis_name="c", subcore_axis_name="s")
    NBUF = 4
    assert NB % NBUF == 0 and NB >= 2 * NBUF

    def body(g_hbm, src_h, dst_h, w_h, out_hbm,
             src_v, dst_v, w_v, rows_v, zb_v, acc_sh, *sems):
        gs, ss = sems[:NBUF], sems[NBUF:]
        c = lax.axis_index("c")
        s = lax.axis_index("s")
        _zero_acc(zb_v, acc_sh, s, NP=NP, QD=QD)
        plsc.subcore_barrier()

        pltpu.sync_copy(src_h.at[pl.ds(s * NB, NB)], src_v)
        pltpu.sync_copy(dst_h.at[pl.ds(s * NB, NB)], dst_v)
        pltpu.sync_copy(w_h.at[pl.ds(s * T, T)], w_v)

        def gat(jj, b):
            return pltpu.async_copy(g_hbm.at[c].at[src_v.at[jj]],
                                    rows_v.at[b], gs[b])

        def gat_wait(jj, b):
            pltpu.make_async_copy(g_hbm.at[c].at[src_v.at[jj]],
                                  rows_v.at[b], gs[b]).wait()

        def sca(jj, b):
            return pltpu.async_copy(rows_v.at[b], acc_sh.at[dst_v.at[jj]],
                                    ss[b], add=True)

        def sca_wait(jj, b):
            pltpu.make_async_copy(rows_v.at[b], acc_sh.at[dst_v.at[jj]],
                                  ss[b]).wait()

        gat(0, 0)
        gat(1, 1)

        def _group(g, carry):
            for u in range(NBUF):
                jj = g * NBUF + u
                gat_wait(jj, u)

                @plsc.parallel_loop(0, B, step=1, unroll=4)
                def _scl(e):
                    idx = jnp.full((L,), jj * B + e, dtype=jnp.int32)
                    wv = plsc.load_gather(w_v, [idx])
                    for q in range(QD):
                        rows_v[u, e, pl.ds(q * L, L)] = (
                            rows_v[u, e, pl.ds(q * L, L)] * wv)

                @pl.when(jj >= 1)
                def _():
                    sca_wait(jj - 1, (u + NBUF - 1) % NBUF)

                @pl.when(jj + 2 < NB)
                def _():
                    gat(jj + 2, (u + 2) % NBUF)

                sca(jj, u)
            return carry
        lax.fori_loop(0, NB // NBUF, _group, 0)
        sca_wait(NB - 1, NBUF - 1)

        plsc.subcore_barrier()
        RPT = NP // NS
        pltpu.sync_copy(acc_sh.at[pl.ds(s * RPT, RPT)],
                        out_hbm.at[c, pl.ds(s * RPT, RPT)])

    return pl.kernel(
        body,
        out_type=jax.ShapeDtypeStruct((NC, NP, DH), jnp.float32),
        mesh=mesh,
        compiler_params=_SC_PARAMS,
        scratch_types=[
            pltpu.VMEM((NB, B), jnp.int32),
            pltpu.VMEM((NB, B), jnp.int32),
            pltpu.VMEM((T,), jnp.float32),
            pltpu.VMEM((NBUF, B, DH), jnp.float32),
            pltpu.VMEM((ZC, DH), jnp.float32),
            pltpu.VMEM_SHARED((NP, DH), jnp.float32),
        ] + [pltpu.SemaphoreType.DMA] * (2 * NBUF),
    )


@functools.lru_cache(maxsize=None)
def _deg_agg(NP, E, B):
    D = L
    NB = E // (NW * B)
    assert NB * NW * B == E
    T = NB * B
    ZC = _zero_chunk(NP)
    mesh = plsc.VectorSubcoreMesh(core_axis_name="c", subcore_axis_name="s")
    NBUF = 2
    assert NB % NBUF == 0

    def body(dst_h, w_h, out_hbm, dst_v, w_v, rows_v, zb_v, acc_sh, *sems):
        c = lax.axis_index("c")
        s = lax.axis_index("s")
        wid = c * NS + s
        _zero_acc(zb_v, acc_sh, s, NP=NP, QD=1)
        plsc.subcore_barrier()

        pltpu.sync_copy(dst_h.at[pl.ds(wid * NB, NB)], dst_v)
        pltpu.sync_copy(w_h.at[pl.ds(wid * T, T)], w_v)

        def _group(g, carry):
            for u in range(NBUF):
                jj = g * NBUF + u

                @pl.when(jj >= NBUF)
                def _():
                    pltpu.make_async_copy(
                        rows_v.at[u], acc_sh.at[dst_v.at[jj - NBUF]],
                        sems[u]).wait()

                @plsc.parallel_loop(0, B, step=1, unroll=4)
                def _bld(e):
                    idx = jnp.full((L,), jj * B + e, dtype=jnp.int32)
                    rows_v[u, e, pl.ds(0, L)] = plsc.load_gather(w_v, [idx])

                pltpu.async_copy(rows_v.at[u], acc_sh.at[dst_v.at[jj]],
                                 sems[u], add=True)
            return carry
        lax.fori_loop(0, NB // NBUF, _group, 0)
        for u in range(NBUF):
            pltpu.make_async_copy(rows_v.at[u],
                                  acc_sh.at[dst_v.at[NB - NBUF + u]],
                                  sems[u]).wait()

        plsc.subcore_barrier()
        RPT = NP // NS
        pltpu.sync_copy(acc_sh.at[pl.ds(s * RPT, RPT)],
                        out_hbm.at[c, pl.ds(s * RPT, RPT)])

    return pl.kernel(
        body,
        out_type=jax.ShapeDtypeStruct((NC, NP, D), jnp.float32),
        mesh=mesh,
        compiler_params=_SC_PARAMS,
        scratch_types=[
            pltpu.VMEM((NB, B), jnp.int32),
            pltpu.VMEM((T,), jnp.float32),
            pltpu.VMEM((NBUF, B, D), jnp.float32),
            pltpu.VMEM((ZC, D), jnp.float32),
            pltpu.VMEM_SHARED((NP, D), jnp.float32),
        ] + [pltpu.SemaphoreType.DMA] * NBUF,
    )



def _deg_stats(degp_ref):
    deg = 1.0 + degp_ref[0, :, 0] + degp_ref[1, :, 0]
    return lax.rsqrt(deg), 1.0 / deg


def _tc1_body(x_ref, w1_ref, degp_ref, g1_ref, s1_ref):
    h = jnp.dot(x_ref[...], w1_ref[...], preferred_element_type=jnp.float32)
    dis, invd = _deg_stats(degp_ref)
    g = h * dis[:, None]
    DH = g.shape[1] // 2
    g1_ref[0] = g[:, :DH]
    g1_ref[1] = g[:, DH:]
    s1_ref[...] = h * invd[:, None]


def _tc2_body(p1_ref, s1_ref, degp_ref, b1_ref, w2_ref, g2_ref, s2_ref):
    dis, invd = _deg_stats(degp_ref)
    p1 = jnp.concatenate([p1_ref[0], p1_ref[1]], axis=1)
    h1 = jnp.maximum(p1 * dis[:, None] + s1_ref[...] + b1_ref[...], 0.0)
    h2 = jnp.dot(h1, w2_ref[...], preferred_element_type=jnp.float32)
    g = h2 * dis[:, None]
    DH = g.shape[1] // 2
    g2_ref[0] = g[:, :DH]
    g2_ref[1] = g[:, DH:]
    s2_ref[...] = h2 * invd[:, None]


def _tc3_body(p2_ref, s2_ref, degp_ref, b2_ref, out_ref, *, C):
    dis, _ = _deg_stats(degp_ref)
    p2 = jnp.concatenate([p2_ref[0], p2_ref[1]], axis=1)
    o = p2 * dis[:, None] + s2_ref[...] + b2_ref[...]
    col = lax.broadcasted_iota(jnp.int32, o.shape, 1)
    om = jnp.where(col < C, o, jnp.float32(-1e30))
    m = jnp.max(om, axis=1, keepdims=True)
    lse = jnp.log(jnp.sum(jnp.exp(om - m), axis=1, keepdims=True)) + m
    out_ref[...] = (om - lse)[:, :C]



def kernel(x, edge_index, edge_weight, W1, b1, W2, b2):
    N, F = x.shape
    H = W1.shape[1]
    C = W2.shape[1]
    E = edge_weight.shape[0]
    CP = ((C + 2 * L - 1) // (2 * L)) * (2 * L)
    HH, CH = H // 2, CP // 2

    NP = ((N + 8 * NS - 1) // (8 * NS)) * (8 * NS)
    B = 100
    assert E % (NW * B) == 0

    src2 = edge_index[0].reshape(E // B, B)
    dst2 = edge_index[1].reshape(E // B, B)
    wflat = edge_weight

    W2p = jnp.pad(W2, ((0, 0), (0, CP - C)))
    b1r = b1.reshape(1, H)
    b2p = jnp.pad(b2, (0, CP - C)).reshape(1, CP)

    BD = 100
    dst2d = edge_index[1].reshape(E // BD, BD)
    degp = _deg_agg(NP, E, BD)(dst2d, wflat)

    R = 1000
    grid = (N // R,)
    f32 = jnp.float32

    g1, s1 = pl.pallas_call(
        _tc1_body,
        grid=grid,
        in_specs=[pl.BlockSpec((R, F), lambda i: (i, 0)),
                  pl.BlockSpec((F, H), lambda i: (0, 0)),
                  pl.BlockSpec((NC, R, L), lambda i: (0, i, 0))],
        out_specs=[pl.BlockSpec((NC, R, HH), lambda i: (0, i, 0)),
                   pl.BlockSpec((R, H), lambda i: (i, 0))],
        out_shape=[jax.ShapeDtypeStruct((NC, N, HH), f32),
                   jax.ShapeDtypeStruct((N, H), f32)],
    )(x, W1, degp)

    p1 = _feat_agg(NP, E, H, B)(g1, src2, dst2, wflat)

    g2, s2 = pl.pallas_call(
        _tc2_body,
        grid=grid,
        in_specs=[pl.BlockSpec((NC, R, HH), lambda i: (0, i, 0)),
                  pl.BlockSpec((R, H), lambda i: (i, 0)),
                  pl.BlockSpec((NC, R, L), lambda i: (0, i, 0)),
                  pl.BlockSpec((1, H), lambda i: (0, 0)),
                  pl.BlockSpec((H, CP), lambda i: (0, 0))],
        out_specs=[pl.BlockSpec((NC, R, CH), lambda i: (0, i, 0)),
                   pl.BlockSpec((R, CP), lambda i: (i, 0))],
        out_shape=[jax.ShapeDtypeStruct((NC, N, CH), f32),
                   jax.ShapeDtypeStruct((N, CP), f32)],
    )(p1, s1, degp, b1r, W2p)

    p2 = _feat_agg(NP, E, CP, B)(g2, src2, dst2, wflat)

    out = pl.pallas_call(
        functools.partial(_tc3_body, C=C),
        grid=grid,
        in_specs=[pl.BlockSpec((NC, R, CH), lambda i: (0, i, 0)),
                  pl.BlockSpec((R, CP), lambda i: (i, 0)),
                  pl.BlockSpec((NC, R, L), lambda i: (0, i, 0)),
                  pl.BlockSpec((1, CP), lambda i: (0, 0))],
        out_specs=pl.BlockSpec((R, C), lambda i: (i, 0)),
        out_shape=jax.ShapeDtypeStruct((N, C), f32),
    )(p2, s2, degp, b2p)

    return out

# --- scband reference (transcript-rebuilt; emitter-appended) ---
"""Pipeline reference for scband-net-17600775979412 (READ-ONLY COPY).

The authoritative reference and input builder live on the scoring server;
editing this copy changes nothing except your own understanding.
"""

import jax, jax.numpy as jnp
import numpy as np

N = 10000
E = 320000
F_IN = 128
H = 128
C = 40


def setup_inputs(seed: int = 0) -> dict:
    key = jax.random.key(seed)
    ks = jax.random.split(key, 7)
    x = jax.random.normal(ks[0], (N, F_IN), dtype=jnp.float32)
    edge_index = jax.random.randint(ks[1], (2, E), 0, N, dtype=jnp.int32)
    edge_weight = jax.random.uniform(ks[2], (E,), dtype=jnp.float32)
    W1 = jax.random.normal(ks[3], (F_IN, H), dtype=jnp.float32) * (1.0 / np.sqrt(F_IN))
    b1 = jnp.zeros((H,), dtype=jnp.float32)
    W2 = jax.random.normal(ks[4], (H, C), dtype=jnp.float32) * (1.0 / np.sqrt(H))
    b2 = jnp.zeros((C,), dtype=jnp.float32)
    return {"x": x, "edge_index": edge_index, "edge_weight": edge_weight,
            "W1": W1, "b1": b1, "W2": W2, "b2": b2}


def _gcn_conv(x, W, b, src, dst, w, num_nodes):
    # PyG GCNConv with normalize=True: x @ W, then sym-normalized weighted aggregation, then bias
    h = x @ W
    deg = jax.ops.segment_sum(w, dst, num_segments=num_nodes)
    deg_inv_sqrt = jnp.where(deg > 0, deg ** -0.5, 0.0)
    norm = deg_inv_sqrt[src] * w * deg_inv_sqrt[dst]
    msg = h[src] * norm[:, None]
    out = jax.ops.segment_sum(msg, dst, num_segments=num_nodes)
    return out + b


def reference(x, edge_index, edge_weight, W1, b1, W2, b2):
    src = edge_index[0]
    dst = edge_index[1]
    # gcn_norm adds self loops with weight 1.0
    loop = jnp.arange(N, dtype=src.dtype)
    src_f = jnp.concatenate([src, loop])
    dst_f = jnp.concatenate([dst, loop])
    w_f = jnp.concatenate([edge_weight, jnp.ones((N,), dtype=edge_weight.dtype)])
    h = jax.nn.relu(_gcn_conv(x, W1, b1, src_f, dst_f, w_f, N))
    # dropout is identity in eval / deterministic reference
    out = _gcn_conv(h, W2, b2, src_f, dst_f, w_f, N)
    return jax.nn.log_softmax(out, axis=1)

if __name__ == "__main__":
    import jax
    _d = setup_inputs()
    print(jax.jit(kernel)(*tuple(_d.values())))

</pallas_src>

<mosaic_0001>
#map = affine_map<(d0, d1) -> (0, 0, 0)>
#map1 = affine_map<(d0, d1) -> (0, 0)>
#map2 = affine_map<(d0, d1) -> (0)>
module attributes {stable_mosaic.version = 14 : i64} {
  func.func @body(%arg0: i32, %arg1: i32, %arg2: memref<2x10000x64xf32, #tpu.memory_space<hbm>>, %arg3: memref<3200x100xi32, #tpu.memory_space<hbm>>, %arg4: memref<3200x100xi32, #tpu.memory_space<hbm>>, %arg5: memref<320000xf32, #tpu.memory_space<hbm>>, %arg6: memref<2x10112x64xf32, #tpu.memory_space<hbm>>, %arg7: memref<200x100xi32, #tpu.memory_space<vmem>>, %arg8: memref<200x100xi32, #tpu.memory_space<vmem>>, %arg9: memref<20000xf32, #tpu.memory_space<vmem>>, %arg10: memref<4x100x64xf32, #tpu.memory_space<vmem>>, %arg11: memref<8x64xf32, #tpu.memory_space<vmem>>, %arg12: memref<10112x64xf32, #tpu.memory_space<vmem_shared>>, %arg13: memref<!tpu.dma_semaphore, #tpu.memory_space<semaphore_mem>>, %arg14: memref<!tpu.dma_semaphore, #tpu.memory_space<semaphore_mem>>, %arg15: memref<!tpu.dma_semaphore, #tpu.memory_space<semaphore_mem>>, %arg16: memref<!tpu.dma_semaphore, #tpu.memory_space<semaphore_mem>>, %arg17: memref<!tpu.dma_semaphore, #tpu.memory_space<semaphore_mem>>, %arg18: memref<!tpu.dma_semaphore, #tpu.memory_space<semaphore_mem>>, %arg19: memref<!tpu.dma_semaphore, #tpu.memory_space<semaphore_mem>>, %arg20: memref<!tpu.dma_semaphore, #tpu.memory_space<semaphore_mem>>) attributes {dimension_semantics = [#tpu.dimension_semantics<core_parallel>, #tpu.dimension_semantics<subcore_parallel>], iteration_bounds = array<i64: 2, 16>, scalar_prefetch = 0 : i64, scratch_operands = 14 : i64, tpu.core_type = #tpu.core_type<sc_vector_subcore>, window_params = [{transform_indices = #map}, {transform_indices = #map1}, {transform_indices = #map1}, {transform_indices = #map2}, {transform_indices = #map}]} {
    %broadcast_in_dim3A = arith.constant 0.000000e+00 : f32
    %broadcast_in_dim3A_0 = vector.broadcast %broadcast_in_dim3A : f32 to vector<16xf32>
    %scan3A = arith.constant 0 : i32
    %scan3A_1 = arith.constant 0 : i32
    %scan3A_2 = arith.constant 8 : i32
    %scan3A_3 = arith.addi %scan3A_1, %scan3A_2 : i32
    %scan3A_4 = arith.constant 1 : i32
    scf.for %scan3A_70 = %scan3A_1 to %scan3A_3 step %scan3A_4  : i32 {
      %swap3A = arith.index_cast %scan3A_70 : i32 to index
      %swap3A_71 = arith.constant 0 : index
      %swap3A_72 = tpu.vector_load %arg11[%swap3A, %swap3A_71] {strides = array<i32>} : memref<8x64xf32, #tpu.memory_space<vmem>>, vector<16xf32>,
      tpu.vector_store %arg11[%swap3A, %swap3A_71], %broadcast_in_dim3A_0 {strides = array<i32>} : memref<8x64xf32, #tpu.memory_space<vmem>>, vector<16xf32>,
      %swap3A_73 = arith.index_cast %scan3A_70 : i32 to index
      %swap3A_74 = arith.constant 16 : index
      %swap3A_75 = tpu.vector_load %arg11[%swap3A_73, %swap3A_74] {strides = array<i32>} : memref<8x64xf32, #tpu.memory_space<vmem>>, vector<16xf32>,
      tpu.vector_store %arg11[%swap3A_73, %swap3A_74], %broadcast_in_dim3A_0 {strides = array<i32>} : memref<8x64xf32, #tpu.memory_space<vmem>>, vector<16xf32>,
      %swap3A_76 = arith.index_cast %scan3A_70 : i32 to index
      %swap3A_77 = arith.constant 32 : index
      %swap3A_78 = tpu.vector_load %arg11[%swap3A_76, %swap3A_77] {strides = array<i32>} : memref<8x64xf32, #tpu.memory_space<vmem>>, vector<16xf32>,
      tpu.vector_store %arg11[%swap3A_76, %swap3A_77], %broadcast_in_dim3A_0 {strides = array<i32>} : memref<8x64xf32, #tpu.memory_space<vmem>>, vector<16xf32>,
      %swap3A_79 = arith.index_cast %scan3A_70 : i32 to index
      %swap3A_80 = arith.constant 48 : index
      %swap3A_81 = tpu.vector_load %arg11[%swap3A_79, %swap3A_80] {strides = array<i32>} : memref<8x64xf32, #tpu.memory_space<vmem>>, vector<16xf32>,
      tpu.vector_store %arg11[%swap3A_79, %swap3A_80], %broadcast_in_dim3A_0 {strides = array<i32>} : memref<8x64xf32, #tpu.memory_space<vmem>>, vector<16xf32>,
    }
    %scan3A_5 = arith.constant 8 : i32
    %scan3A_6 = arith.constant 0 : i32
    %scan3A_7 = arith.constant 0 : i32
    %scan3A_8 = arith.constant 79 : i32
    %scan3A_9 = arith.addi %scan3A_7, %scan3A_8 : i32
    %scan3A_10 = arith.constant 1 : i32
    scf.for %scan3A_70 = %scan3A_7 to %scan3A_9 step %scan3A_10  : i32 {
      %mul3A_71 = arith.constant 632 : i32
      %mul3A_72 = arith.muli %arg1, %mul3A_71 : i32
      %mul3A_73 = arith.constant 8 : i32
      %mul3A_74 = arith.muli %scan3A_70, %mul3A_73 : i32
      %add3A = arith.addi %mul3A_72, %mul3A_74 : i32
      "tpu.region"() ({
        %run_scoped3A = tpu.sem_alloc : memref<!tpu.dma_semaphore, #tpu.memory_space<semaphore_mem>>
        %dma_start3A_75 = arith.constant 0 : i32
        %dma_start3A_76 = tpu.memref_slice %arg12[%add3A, %dma_start3A_75] : memref<10112x64xf32, #tpu.memory_space<vmem_shared>> -> memref<8x64xf32, #tpu.memory_space<vmem_shared>>
        %dma_start3A_77 = arith.constant 0 : i32
        %dma_start3A_78 = tpu.memref_slice %arg12[%add3A, %dma_start3A_77] : memref<10112x64xf32, #tpu.memory_space<vmem_shared>> -> memref<8x64xf32, #tpu.memory_space<vmem_shared>>
        tpu.enqueue_dma source(%arg11 : memref<8x64xf32, #tpu.memory_space<vmem>>) target(%dma_start3A_78 : memref<8x64xf32, #tpu.memory_space<vmem_shared>>) target_semaphore(%run_scoped3A : memref<!tpu.dma_semaphore, #tpu.memory_space<semaphore_mem>>)
        %dma_wait3A_79 = arith.constant 0 : i32
        %dma_wait3A_80 = tpu.memref_slice %arg12[%add3A, %dma_wait3A_79] : memref<10112x64xf32, #tpu.memory_space<vmem_shared>> -> memref<8x64xf32, #tpu.memory_space<vmem_shared>>
        %dma_wait3A_81 = arith.constant 0 : i32
        %dma_wait3A_82 = tpu.memref_slice %arg12[%add3A, %dma_wait3A_81] : memref<10112x64xf32, #tpu.memory_space<vmem_shared>> -> memref<8x64xf32, #tpu.memory_space<vmem_shared>>
        tpu.wait_dma2 semaphore(%run_scoped3A : memref<!tpu.dma_semaphore, #tpu.memory_space<semaphore_mem>>) src(%arg11 : memref<8x64xf32, #tpu.memory_space<vmem>>) dst(%dma_wait3A_82 : memref<8x64xf32, #tpu.memory_space<vmem_shared>>)
        tpu.yield
      }) : () -> ()
    }
    %scan3A_11 = arith.constant 79 : i32
    %barrier3A = arith.constant 0 : index
    tpu.barrier barrier_id(%barrier3A)
    %mul3A = arith.constant 200 : i32
    %mul3A_12 = arith.muli %arg1, %mul3A : i32
    "tpu.region"() ({
      %run_scoped3A = tpu.sem_alloc : memref<!tpu.dma_semaphore, #tpu.memory_space<semaphore_mem>>
      %dma_start3A_70 = arith.constant 0 : i32
      %dma_start3A_71 = tpu.memref_slice %arg3[%mul3A_12, %dma_start3A_70] : memref<3200x100xi32, #tpu.memory_space<hbm>> -> memref<200x100xi32, #tpu.memory_space<hbm>>
      %dma_start3A_72 = arith.constant 0 : i32
      %dma_start3A_73 = tpu.memref_slice %arg3[%mul3A_12, %dma_start3A_72] : memref<3200x100xi32, #tpu.memory_space<hbm>> -> memref<200x100xi32, #tpu.memory_space<hbm>>
      tpu.enqueue_dma source(%dma_start3A_73 : memref<200x100xi32, #tpu.memory_space<hbm>>) target(%arg7 : memref<200x100xi32, #tpu.memory_space<vmem>>) target_semaphore(%run_scoped3A : memref<!tpu.dma_semaphore, #tpu.memory_space<semaphore_mem>>)
      %dma_wait3A_74 = arith.constant 0 : i32
      %dma_wait3A_75 = tpu.memref_slice %arg3[%mul3A_12, %dma_wait3A_74] : memref<3200x100xi32, #tpu.memory_space<hbm>> -> memref<200x100xi32, #tpu.memory_space<hbm>>
      %dma_wait3A_76 = arith.constant 0 : i32
      %dma_wait3A_77 = tpu.memref_slice %arg3[%mul3A_12, %dma_wait3A_76] : memref<3200x100xi32, #tpu.memory_space<hbm>> -> memref<200x100xi32, #tpu.memory_space<hbm>>
      tpu.wait_dma2 semaphore(%run_scoped3A : memref<!tpu.dma_semaphore, #tpu.memory_space<semaphore_mem>>) src(%dma_wait3A_77 : memref<200x100xi32, #tpu.memory_space<hbm>>) dst(%arg7 : memref<200x100xi32, #tpu.memory_space<vmem>>)
      tpu.yield
    }) : () -> ()
    %mul3A_13 = arith.constant 200 : i32
    %mul3A_14 = arith.muli %arg1, %mul3A_13 : i32
    "tpu.region"() ({
      %run_scoped3A = tpu.sem_alloc : memref<!tpu.dma_semaphore, #tpu.memory_space<semaphore_mem>>
      %dma_start3A_70 = arith.constant 0 : i32
      %dma_start3A_71 = tpu.memref_slice %arg4[%mul3A_14, %dma_start3A_70] : memref<3200x100xi32, #tpu.memory_space<hbm>> -> memref<200x100xi32, #tpu.memory_space<hbm>>
      %dma_start3A_72 = arith.constant 0 : i32
      %dma_start3A_73 = tpu.memref_slice %arg4[%mul3A_14, %dma_start3A_72] : memref<3200x100xi32, #tpu.memory_space<hbm>> -> memref<200x100xi32, #tpu.memory_space<hbm>>
      tpu.enqueue_dma source(%dma_start3A_73 : memref<200x100xi32, #tpu.memory_space<hbm>>) target(%arg8 : memref<200x100xi32, #tpu.memory_space<vmem>>) target_semaphore(%run_scoped3A : memref<!tpu.dma_semaphore, #tpu.memory_space<semaphore_mem>>)
      %dma_wait3A_74 = arith.constant 0 : i32
      %dma_wait3A_75 = tpu.memref_slice %arg4[%mul3A_14, %dma_wait3A_74] : memref<3200x100xi32, #tpu.memory_space<hbm>> -> memref<200x100xi32, #tpu.memory_space<hbm>>
      %dma_wait3A_76 = arith.constant 0 : i32
      %dma_wait3A_77 = tpu.memref_slice %arg4[%mul3A_14, %dma_wait3A_76] : memref<3200x100xi32, #tpu.memory_space<hbm>> -> memref<200x100xi32, #tpu.memory_space<hbm>>
      tpu.wait_dma2 semaphore(%run_scoped3A : memref<!tpu.dma_semaphore, #tpu.memory_space<semaphore_mem>>) src(%dma_wait3A_77 : memref<200x100xi32, #tpu.memory_space<hbm>>) dst(%arg8 : memref<200x100xi32, #tpu.memory_space<vmem>>)
      tpu.yield
    }) : () -> ()
    %mul3A_15 = arith.constant 20000 : i32
    %mul3A_16 = arith.muli %arg1, %mul3A_15 : i32
    "tpu.region"() ({
      %run_scoped3A = tpu.sem_alloc : memref<!tpu.dma_semaphore, #tpu.memory_space<semaphore_mem>>
      %dma_start3A_70 = tpu.memref_slice %arg5[%mul3A_16] : memref<320000xf32, #tpu.memory_space<hbm>> -> memref<20000xf32, #tpu.memory_space<hbm>>
      %dma_start3A_71 = tpu.memref_slice %arg5[%mul3A_16] : memref<320000xf32, #tpu.memory_space<hbm>> -> memref<20000xf32, #tpu.memory_space<hbm>>
      tpu.enqueue_dma source(%dma_start3A_71 : memref<20000xf32, #tpu.memory_space<hbm>>) target(%arg9 : memref<20000xf32, #tpu.memory_space<vmem>>) target_semaphore(%run_scoped3A : memref<!tpu.dma_semaphore, #tpu.memory_space<semaphore_mem>>)
      %dma_wait3A_72 = tpu.memref_slice %arg5[%mul3A_16] : memref<320000xf32, #tpu.memory_space<hbm>> -> memref<20000xf32, #tpu.memory_space<hbm>>
      %dma_wait3A_73 = tpu.memref_slice %arg5[%mul3A_16] : memref<320000xf32, #tpu.memory_space<hbm>> -> memref<20000xf32, #tpu.memory_space<hbm>>
      tpu.wait_dma2 semaphore(%run_scoped3A : memref<!tpu.dma_semaphore, #tpu.memory_space<semaphore_mem>>) src(%dma_wait3A_73 : memref<20000xf32, #tpu.memory_space<hbm>>) dst(%arg9 : memref<20000xf32, #tpu.memory_space<vmem>>)
      tpu.yield
    }) : () -> ()
    %dma_start3A = arith.constant 0 : i32
    %dma_start3A_17 = arith.constant 0 : i32
    %dma_start3A_18 = arith.constant 0 : i32
    %dma_start3A_19 = arith.constant 0 : i32
    %dma_start3A_20 = tpu.memref_slice %arg10[%dma_start3A_17, %dma_start3A_18, %dma_start3A_19] : memref<4x100x64xf32, #tpu.memory_space<vmem>> -> memref<1x100x64xf32, #tpu.memory_space<vmem>>
    %dma_start3A_21 = tpu.memref_squeeze %dma_start3A_20 : memref<1x100x64xf32, #tpu.memory_space<vmem>> -> memref<100x64xf32, #tpu.memory_space<vmem>>
    %dma_start3A_22 = arith.constant 0 : i32
    %dma_start3A_23 = tpu.memref_slice %arg7[%dma_start3A, %dma_start3A_22] : memref<200x100xi32, #tpu.memory_space<vmem>> -> memref<1x100xi32, #tpu.memory_space<vmem>>
    %dma_start3A_24 = tpu.memref_squeeze %dma_start3A_23 : memref<1x100xi32, #tpu.memory_space<vmem>> -> memref<100xi32, #tpu.memory_space<vmem>>
    %dma_start3A_25 = arith.constant 0 : i32
    %dma_start3A_26 = arith.constant 0 : i32
    %dma_start3A_27 = tpu.memref_slice %arg2[%arg0, %dma_start3A_25, %dma_start3A_26] : memref<2x10000x64xf32, #tpu.memory_space<hbm>> -> memref<1x10000x64xf32, #tpu.memory_space<hbm>>
    %dma_start3A_28 = tpu.memref_squeeze %dma_start3A_27 : memref<1x10000x64xf32, #tpu.memory_space<hbm>> -> memref<10000x64xf32, #tpu.memory_space<hbm>>
    %dma_start3A_29 = arith.constant 0 : i32
    %dma_start3A_30 = arith.constant 0 : i32
    %dma_start3A_31 = tpu.memref_slice %dma_start3A_28[%dma_start3A_29, %dma_start3A_30] : memref<10000x64xf32, #tpu.memory_space<hbm>> -> memref<10000x64xf32, #tpu.memory_space<hbm>>
    tpu.enqueue_indirect_dma source(%dma_start3A_31 : memref<10000x64xf32, #tpu.memory_space<hbm>>) target(%dma_start3A_21 : memref<100x64xf32, #tpu.memory_space<vmem>>) offsets(%dma_start3A_24 : memref<100xi32, #tpu.memory_space<vmem>>) semaphore(%arg13 : memref<!tpu.dma_semaphore, #tpu.memory_space<semaphore_mem>>)
    %dma_start3A_32 = arith.constant 1 : i32
    %dma_start3A_33 = arith.constant 1 : i32
    %dma_start3A_34 = arith.constant 0 : i32
    %dma_start3A_35 = arith.constant 0 : i32
    %dma_start3A_36 = tpu.memref_slice %arg10[%dma_start3A_33, %dma_start3A_34, %dma_start3A_35] : memref<4x100x64xf32, #tpu.memory_space<vmem>> -> memref<1x100x64xf32, #tpu.memory_space<vmem>>
    %dma_start3A_37 = tpu.memref_squeeze %dma_start3A_36 : memref<1x100x64xf32, #tpu.memory_space<vmem>> -> memref<100x64xf32, #tpu.memory_space<vmem>>
    %dma_start3A_38 = arith.constant 0 : i32
    %dma_start3A_39 = tpu.memref_slice %arg7[%dma_start3A_32, %dma_start3A_38] : memref<200x100xi32, #tpu.memory_space<vmem>> -> memref<1x100xi32, #tpu.memory_space<vmem>>
    %dma_start3A_40 = tpu.memref_squeeze %dma_start3A_39 : memref<1x100xi32, #tpu.memory_space<vmem>> -> memref<100xi32, #tpu.memory_space<vmem>>
    %dma_start3A_41 = arith.constant 0 : i32
    %dma_start3A_42 = arith.constant 0 : i32
    %dma_start3A_43 = tpu.memref_slice %arg2[%arg0, %dma_start3A_41, %dma_start3A_42] : memref<2x10000x64xf32, #tpu.memory_space<hbm>> -> memref<1x10000x64xf32, #tpu.memory_space<hbm>>
    %dma_start3A_44 = tpu.memref_squeeze %dma_start3A_43 : memref<1x10000x64xf32, #tpu.memory_space<hbm>> -> memref<10000x64xf32, #tpu.memory_space<hbm>>
    %dma_start3A_45 = arith.constant 0 : i32
    %dma_start3A_46 = arith.constant 0 : i32
    %dma_start3A_47 = tpu.memref_slice %dma_start3A_44[%dma_start3A_45, %dma_start3A_46] : memref<10000x64xf32, #tpu.memory_space<hbm>> -> memref<10000x64xf32, #tpu.memory_space<hbm>>
    tpu.enqueue_indirect_dma source(%dma_start3A_47 : memref<10000x64xf32, #tpu.memory_space<hbm>>) target(%dma_start3A_37 : memref<100x64xf32, #tpu.memory_space<vmem>>) offsets(%dma_start3A_40 : memref<100xi32, #tpu.memory_space<vmem>>) semaphore(%arg14 : memref<!tpu.dma_semaphore, #tpu.memory_space<semaphore_mem>>)
    %scan3A_48 = arith.constant 0 : i32
    %scan3A_49 = arith.constant 0 : i32
    %scan3A_50 = arith.constant 50 : i32
    %scan3A_51 = arith.addi %scan3A_49, %scan3A_50 : i32
    %scan3A_52 = arith.constant 1 : i32
    scf.for %scan3A_70 = %scan3A_49 to %scan3A_51 step %scan3A_52  : i32 {
      %mul3A_71 = arith.constant 4 : i32
      %mul3A_72 = arith.muli %scan3A_70, %mul3A_71 : i32
      %add3A = arith.constant 0 : i32
      %add3A_73 = arith.addi %mul3A_72, %add3A : i32
      %dma_wait3A_74 = arith.constant 0 : i32
      %dma_wait3A_75 = arith.constant 0 : i32
      %dma_wait3A_76 = arith.constant 0 : i32
      %dma_wait3A_77 = tpu.memref_slice %arg10[%dma_wait3A_74, %dma_wait3A_75, %dma_wait3A_76] : memref<4x100x64xf32, #tpu.memory_space<vmem>> -> memref<1x100x64xf32, #tpu.memory_space<vmem>>
      %dma_wait3A_78 = tpu.memref_squeeze %dma_wait3A_77 : memref<1x100x64xf32, #tpu.memory_space<vmem>> -> memref<100x64xf32, #tpu.memory_space<vmem>>
      %dma_wait3A_79 = arith.constant 0 : i32
      %dma_wait3A_80 = tpu.memref_slice %arg7[%add3A_73, %dma_wait3A_79] : memref<200x100xi32, #tpu.memory_space<vmem>> -> memref<1x100xi32, #tpu.memory_space<vmem>>
      %dma_wait3A_81 = tpu.memref_squeeze %dma_wait3A_80 : memref<1x100xi32, #tpu.memory_space<vmem>> -> memref<100xi32, #tpu.memory_space<vmem>>
      %dma_wait3A_82 = arith.constant 0 : i32
      %dma_wait3A_83 = arith.constant 0 : i32
      %dma_wait3A_84 = tpu.memref_slice %arg2[%arg0, %dma_wait3A_82, %dma_wait3A_83] : memref<2x10000x64xf32, #tpu.memory_space<hbm>> -> memref<1x10000x64xf32, #tpu.memory_space<hbm>>
      %dma_wait3A_85 = tpu.memref_squeeze %dma_wait3A_84 : memref<1x10000x64xf32, #tpu.memory_space<hbm>> -> memref<10000x64xf32, #tpu.memory_space<hbm>>
      %dma_wait3A_86 = arith.constant 0 : i32
      %dma_wait3A_87 = arith.constant 0 : i32
      %dma_wait3A_88 = tpu.memref_slice %dma_wait3A_85[%dma_wait3A_86, %dma_wait3A_87] : memref<10000x64xf32, #tpu.memory_space<hbm>> -> memref<10000x64xf32, #tpu.memory_space<hbm>>
      tpu.wait_indirect_dma semaphore(%arg13 : memref<!tpu.dma_semaphore, #tpu.memory_space<semaphore_mem>>) src(%dma_wait3A_88 : memref<10000x64xf32, #tpu.memory_space<hbm>>) dst(%dma_wait3A_78 : memref<100x64xf32, #tpu.memory_space<vmem>>)
      %parallel_loop3A = arith.constant 0 : i32
      %parallel_loop3A_89 = arith.constant 100 : i32
      %parallel_loop3A_90 = arith.constant 1 : i32
      scf.for %parallel_loop3A_245 = %parallel_loop3A to %parallel_loop3A_89 step %parallel_loop3A_90  : i32 {
        %parallel_loop3A_246 = arith.constant 100 : i32
        %parallel_loop3A_247 = arith.muli %add3A_73, %parallel_loop3A_246 : i32
        %parallel_loop3A_248 = arith.addi %parallel_loop3A_247, %parallel_loop3A_245 : i32
        %parallel_loop3A_249 = vector.broadcast %parallel_loop3A_248 : i32 to vector<16xi32>
        %parallel_loop3A_250 = tpu.vector_load_idx %arg9[%parallel_loop3A_249] : memref<20000xf32, #tpu.memory_space<vmem>>[vector<16xi32>], vector<16xf32>,
        %parallel_loop3A_251 = arith.constant 0 : i32
        %parallel_loop3A_252 = arith.index_cast %parallel_loop3A_251 : i32 to index
        %parallel_loop3A_253 = arith.index_cast %parallel_loop3A_245 : i32 to index
        %parallel_loop3A_254 = arith.constant 0 : index
        %parallel_loop3A_255 = tpu.vector_load %arg10[%parallel_loop3A_252, %parallel_loop3A_253, %parallel_loop3A_254] {strides = array<i32>} : memref<4x100x64xf32, #tpu.memory_space<vmem>>, vector<16xf32>,
        %parallel_loop3A_256 = arith.mulf %parallel_loop3A_255, %parallel_loop3A_250 : vector<16xf32>
        %parallel_loop3A_257 = arith.constant 0 : i32
        %parallel_loop3A_258 = arith.index_cast %parallel_loop3A_257 : i32 to index
        %parallel_loop3A_259 = arith.index_cast %parallel_loop3A_245 : i32 to index
        %parallel_loop3A_260 = arith.constant 0 : index
        %parallel_loop3A_261 = tpu.vector_load %arg10[%parallel_loop3A_258, %parallel_loop3A_259, %parallel_loop3A_260] {strides = array<i32>} : memref<4x100x64xf32, #tpu.memory_space<vmem>>, vector<16xf32>,
        tpu.vector_store %arg10[%parallel_loop3A_258, %parallel_loop3A_259, %parallel_loop3A_260], %parallel_loop3A_256 {strides = array<i32>} : memref<4x100x64xf32, #tpu.memory_space<vmem>>, vector<16xf32>,
        %parallel_loop3A_262 = arith.constant 0 : i32
        %parallel_loop3A_263 = arith.index_cast %parallel_loop3A_262 : i32 to index
        %parallel_loop3A_264 = arith.index_cast %parallel_loop3A_245 : i32 to index
        %parallel_loop3A_265 = arith.constant 16 : index
        %parallel_loop3A_266 = tpu.vector_load %arg10[%parallel_loop3A_263, %parallel_loop3A_264, %parallel_loop3A_265] {strides = array<i32>} : memref<4x100x64xf32, #tpu.memory_space<vmem>>, vector<16xf32>,
        %parallel_loop3A_267 = arith.mulf %parallel_loop3A_266, %parallel_loop3A_250 : vector<16xf32>
        %parallel_loop3A_268 = arith.constant 0 : i32
        %parallel_loop3A_269 = arith.index_cast %parallel_loop3A_268 : i32 to index
        %parallel_loop3A_270 = arith.index_cast %parallel_loop3A_245 : i32 to index
        %parallel_loop3A_271 = arith.constant 16 : index
        %parallel_loop3A_272 = tpu.vector_load %arg10[%parallel_loop3A_269, %parallel_loop3A_270, %parallel_loop3A_271] {strides = array<i32>} : memref<4x100x64xf32, #tpu.memory_space<vmem>>, vector<16xf32>,
        tpu.vector_store %arg10[%parallel_loop3A_269, %parallel_loop3A_270, %parallel_loop3A_271], %parallel_loop3A_267 {strides = array<i32>} : memref<4x100x64xf32, #tpu.memory_space<vmem>>, vector<16xf32>,
        %parallel_loop3A_273 = arith.constant 0 : i32
        %parallel_loop3A_274 = arith.index_cast %parallel_loop3A_273 : i32 to index
        %parallel_loop3A_275 = arith.index_cast %parallel_loop3A_245 : i32 to index
        %parallel_loop3A_276 = arith.constant 32 : index
        %parallel_loop3A_277 = tpu.vector_load %arg10[%parallel_loop3A_274, %parallel_loop3A_275, %parallel_loop3A_276] {strides = array<i32>} : memref<4x100x64xf32, #tpu.memory_space<vmem>>, vector<16xf32>,
        %parallel_loop3A_278 = arith.mulf %parallel_loop3A_277, %parallel_loop3A_250 : vector<16xf32>
        %parallel_loop3A_279 = arith.constant 0 : i32
        %parallel_loop3A_280 = arith.index_cast %parallel_loop3A_279 : i32 to index
        %parallel_loop3A_281 = arith.index_cast %parallel_loop3A_245 : i32 to index
        %parallel_loop3A_282 = arith.constant 32 : index
        %parallel_loop3A_283 = tpu.vector_load %arg10[%parallel_loop3A_280, %parallel_loop3A_281, %parallel_loop3A_282] {strides = array<i32>} : memref<4x100x64xf32, #tpu.memory_space<vmem>>, vector<16xf32>,
        tpu.vector_store %arg10[%parallel_loop3A_280, %parallel_loop3A_281, %parallel_loop3A_282], %parallel_loop3A_278 {strides = array<i32>} : memref<4x100x64xf32, #tpu.memory_space<vmem>>, vector<16xf32>,
        %parallel_loop3A_284 = arith.constant 0 : i32
        %parallel_loop3A_285 = arith.index_cast %parallel_loop3A_284 : i32 to index
        %parallel_loop3A_286 = arith.index_cast %parallel_loop3A_245 : i32 to index
        %parallel_loop3A_287 = arith.constant 48 : index
        %parallel_loop3A_288 = tpu.vector_load %arg10[%parallel_loop3A_285, %parallel_loop3A_286, %parallel_loop3A_287] {strides = array<i32>} : memref<4x100x64xf32, #tpu.memory_space<vmem>>, vector<16xf32>,
        %parallel_loop3A_289 = arith.mulf %parallel_loop3A_288, %parallel_loop3A_250 : vector<16xf32>
        %parallel_loop3A_290 = arith.constant 0 : i32
        %parallel_loop3A_291 = arith.index_cast %parallel_loop3A_290 : i32 to index
        %parallel_loop3A_292 = arith.index_cast %parallel_loop3A_245 : i32 to index
        %parallel_loop3A_293 = arith.constant 48 : index
        %parallel_loop3A_294 = tpu.vector_load %arg10[%parallel_loop3A_291, %parallel_loop3A_292, %parallel_loop3A_293] {strides = array<i32>} : memref<4x100x64xf32, #tpu.memory_space<vmem>>, vector<16xf32>,
        tpu.vector_store %arg10[%parallel_loop3A_291, %parallel_loop3A_292, %parallel_loop3A_293], %parallel_loop3A_289 {strides = array<i32>} : memref<4x100x64xf32, #tpu.memory_space<vmem>>, vector<16xf32>,
      } {sc.loop_unroll_factor = 4 : i64, sc.parallel_access}
      %ge3A = arith.constant 1 : i32
      %ge3A_91 = arith.cmpi sge, %add3A_73, %ge3A : i32
      %convert_element_type3A = arith.extui %ge3A_91 : i1 to i32
      %cond3A = arith.constant 0 : i32
      %cond3A_92 = arith.cmpi ne, %convert_element_type3A, %cond3A : i32
      scf.if %cond3A_92 {
        %sub3A = arith.constant 1 : i32
        %sub3A_245 = arith.subi %add3A_73, %sub3A : i32
        %dma_wait3A_246 = arith.constant 3 : i32
        %dma_wait3A_247 = arith.constant 0 : i32
        %dma_wait3A_248 = arith.constant 0 : i32
        %dma_wait3A_249 = tpu.memref_slice %arg10[%dma_wait3A_246, %dma_wait3A_247, %dma_wait3A_248] : memref<4x100x64xf32, #tpu.memory_space<vmem>> -> memref<1x100x64xf32, #tpu.memory_space<vmem>>
        %dma_wait3A_250 = tpu.memref_squeeze %dma_wait3A_249 : memref<1x100x64xf32, #tpu.memory_space<vmem>> -> memref<100x64xf32, #tpu.memory_space<vmem>>
        %dma_wait3A_251 = arith.constant 0 : i32
        %dma_wait3A_252 = tpu.memref_slice %arg8[%sub3A_245, %dma_wait3A_251] : memref<200x100xi32, #tpu.memory_space<vmem>> -> memref<1x100xi32, #tpu.memory_space<vmem>>
        %dma_wait3A_253 = tpu.memref_squeeze %dma_wait3A_252 : memref<1x100xi32, #tpu.memory_space<vmem>> -> memref<100xi32, #tpu.memory_space<vmem>>
        %dma_wait3A_254 = arith.constant 0 : i32
        %dma_wait3A_255 = arith.constant 0 : i32
        %dma_wait3A_256 = tpu.memref_slice %arg12[%dma_wait3A_254, %dma_wait3A_255] : memref<10112x64xf32, #tpu.memory_space<vmem_shared>> -> memref<10112x64xf32, #tpu.memory_space<vmem_shared>>
        tpu.wait_indirect_dma semaphore(%arg20 : memref<!tpu.dma_semaphore, #tpu.memory_space<semaphore_mem>>) src(%dma_wait3A_250 : memref<100x64xf32, #tpu.memory_space<vmem>>) dst(%dma_wait3A_256 : memref<10112x64xf32, #tpu.memory_space<vmem_shared>>)
      } else {
      }
      %add3A_93 = arith.constant 2 : i32
      %add3A_94 = arith.addi %add3A_73, %add3A_93 : i32
      %lt3A = arith.constant 200 : i32
      %lt3A_95 = arith.cmpi slt, %add3A_94, %lt3A : i32
      %convert_element_type3A_96 = arith.extui %lt3A_95 : i1 to i32
      %cond3A_97 = arith.constant 0 : i32
      %cond3A_98 = arith.cmpi ne, %convert_element_type3A_96, %cond3A_97 : i32
      scf.if %cond3A_98 {
        %add3A_245 = arith.constant 2 : i32
        %add3A_246 = arith.addi %add3A_73, %add3A_245 : i32
        %dma_start3A_247 = arith.constant 2 : i32
        %dma_start3A_248 = arith.constant 0 : i32
        %dma_start3A_249 = arith.constant 0 : i32
        %dma_start3A_250 = tpu.memref_slice %arg10[%dma_start3A_247, %dma_start3A_248, %dma_start3A_249] : memref<4x100x64xf32, #tpu.memory_space<vmem>> -> memref<1x100x64xf32, #tpu.memory_space<vmem>>
        %dma_start3A_251 = tpu.memref_squeeze %dma_start3A_250 : memref<1x100x64xf32, #tpu.memory_space<vmem>> -> memref<100x64xf32, #tpu.memory_space<vmem>>
        %dma_start3A_252 = arith.constant 0 : i32
        %dma_start3A_253 = tpu.memref_slice %arg7[%add3A_246, %dma_start3A_252] : memref<200x100xi32, #tpu.memory_space<vmem>> -> memref<1x100xi32, #tpu.memory_space<vmem>>
        %dma_start3A_254 = tpu.memref_squeeze %dma_start3A_253 : memref<1x100xi32, #tpu.memory_space<vmem>> -> memref<100xi32, #tpu.memory_space<vmem>>
        %dma_start3A_255 = arith.constant 0 : i32
        %dma_start3A_256 = arith.constant 0 : i32
        %dma_start3A_257 = tpu.memref_slice %arg2[%arg0, %dma_start3A_255, %dma_start3A_256] : memref<2x10000x64xf32, #tpu.memory_space<hbm>> -> memref<1x10000x64xf32, #tpu.memory_space<hbm>>
        %dma_start3A_258 = tpu.memref_squeeze %dma_start3A_257 : memref<1x10000x64xf32, #tpu.memory_space<hbm>> -> memref<10000x64xf32, #tpu.memory_space<hbm>>
        %dma_start3A_259 = arith.constant 0 : i32
        %dma_start3A_260 = arith.constant 0 : i32
        %dma_start3A_261 = tpu.memref_slice %dma_start3A_258[%dma_start3A_259, %dma_start3A_260] : memref<10000x64xf32, #tpu.memory_space<hbm>> -> memref<10000x64xf32, #tpu.memory_space<hbm>>
        tpu.enqueue_indirect_dma source(%dma_start3A_261 : memref<10000x64xf32, #tpu.memory_space<hbm>>) target(%dma_start3A_251 : memref<100x64xf32, #tpu.memory_space<vmem>>) offsets(%dma_start3A_254 : memref<100xi32, #tpu.memory_space<vmem>>) semaphore(%arg15 : memref<!tpu.dma_semaphore, #tpu.memory_space<semaphore_mem>>)
      } else {
      }
      %dma_start3A_99 = arith.constant 0 : i32
      %dma_start3A_100 = arith.constant 0 : i32
      %dma_start3A_101 = arith.constant 0 : i32
      %dma_start3A_102 = tpu.memref_slice %arg10[%dma_start3A_99, %dma_start3A_100, %dma_start3A_101] : memref<4x100x64xf32, #tpu.memory_space<vmem>> -> memref<1x100x64xf32, #tpu.memory_space<vmem>>
      %dma_start3A_103 = tpu.memref_squeeze %dma_start3A_102 : memref<1x100x64xf32, #tpu.memory_space<vmem>> -> memref<100x64xf32, #tpu.memory_space<vmem>>
      %dma_start3A_104 = arith.constant 0 : i32
      %dma_start3A_105 = tpu.memref_slice %arg8[%add3A_73, %dma_start3A_104] : memref<200x100xi32, #tpu.memory_space<vmem>> -> memref<1x100xi32, #tpu.memory_space<vmem>>
      %dma_start3A_106 = tpu.memref_squeeze %dma_start3A_105 : memref<1x100xi32, #tpu.memory_space<vmem>> -> memref<100xi32, #tpu.memory_space<vmem>>
      %dma_start3A_107 = arith.constant 0 : i32
      %dma_start3A_108 = arith.constant 0 : i32
      %dma_start3A_109 = tpu.memref_slice %arg12[%dma_start3A_107, %dma_start3A_108] : memref<10112x64xf32, #tpu.memory_space<vmem_shared>> -> memref<10112x64xf32, #tpu.memory_space<vmem_shared>>
      tpu.enqueue_indirect_dma source(%dma_start3A_103 : memref<100x64xf32, #tpu.memory_space<vmem>>) target(%dma_start3A_109 : memref<10112x64xf32, #tpu.memory_space<vmem_shared>>) offsets(%dma_start3A_106 : memref<100xi32, #tpu.memory_space<vmem>>) semaphore(%arg17 : memref<!tpu.dma_semaphore, #tpu.memory_space<semaphore_mem>>) {add = true}
      %mul3A_110 = arith.constant 4 : i32
      %mul3A_111 = arith.muli %scan3A_70, %mul3A_110 : i32
      %add3A_112 = arith.constant 1 : i32
      %add3A_113 = arith.addi %mul3A_111, %add3A_112 : i32
      %dma_wait3A_114 = arith.constant 1 : i32
      %dma_wait3A_115 = arith.constant 0 : i32
      %dma_wait3A_116 = arith.constant 0 : i32
      %dma_wait3A_117 = tpu.memref_slice %arg10[%dma_wait3A_114, %dma_wait3A_115, %dma_wait3A_116] : memref<4x100x64xf32, #tpu.memory_space<vmem>> -> memref<1x100x64xf32, #tpu.memory_space<vmem>>
      %dma_wait3A_118 = tpu.memref_squeeze %dma_wait3A_117 : memref<1x100x64xf32, #tpu.memory_space<vmem>> -> memref<100x64xf32, #tpu.memory_space<vmem>>
      %dma_wait3A_119 = arith.constant 0 : i32
      %dma_wait3A_120 = tpu.memref_slice %arg7[%add3A_113, %dma_wait3A_119] : memref<200x100xi32, #tpu.memory_space<vmem>> -> memref<1x100xi32, #tpu.memory_space<vmem>>
      %dma_wait3A_121 = tpu.memref_squeeze %dma_wait3A_120 : memref<1x100xi32, #tpu.memory_space<vmem>> -> memref<100xi32, #tpu.memory_space<vmem>>
      %dma_wait3A_122 = arith.constant 0 : i32
      %dma_wait3A_123 = arith.constant 0 : i32
      %dma_wait3A_124 = tpu.memref_slice %arg2[%arg0, %dma_wait3A_122, %dma_wait3A_123] : memref<2x10000x64xf32, #tpu.memory_space<hbm>> -> memref<1x10000x64xf32, #tpu.memory_space<hbm>>
      %dma_wait3A_125 = tpu.memref_squeeze %dma_wait3A_124 : memref<1x10000x64xf32, #tpu.memory_space<hbm>> -> memref<10000x64xf32, #tpu.memory_space<hbm>>
      %dma_wait3A_126 = arith.constant 0 : i32
      %dma_wait3A_127 = arith.constant 0 : i32
      %dma_wait3A_128 = tpu.memref_slice %dma_wait3A_125[%dma_wait3A_126, %dma_wait3A_127] : memref<10000x64xf32, #tpu.memory_space<hbm>> -> memref<10000x64xf32, #tpu.memory_space<hbm>>
      tpu.wait_indirect_dma semaphore(%arg14 : memref<!tpu.dma_semaphore, #tpu.memory_space<semaphore_mem>>) src(%dma_wait3A_128 : memref<10000x64xf32, #tpu.memory_space<hbm>>) dst(%dma_wait3A_118 : memref<100x64xf32, #tpu.memory_space<vmem>>)
      %parallel_loop3A_129 = arith.constant 0 : i32
      %parallel_loop3A_130 = arith.constant 100 : i32
      %parallel_loop3A_131 = arith.constant 1 : i32
      scf.for %parallel_loop3A_245 = %parallel_loop3A_129 to %parallel_loop3A_130 step %parallel_loop3A_131  : i32 {
        %parallel_loop3A_246 = arith.constant 100 : i32
        %parallel_loop3A_247 = arith.muli %add3A_113, %parallel_loop3A_246 : i32
        %parallel_loop3A_248 = arith.addi %parallel_loop3A_247, %parallel_loop3A_245 : i32
        %parallel_loop3A_249 = vector.broadcast %parallel_loop3A_248 : i32 to vector<16xi32>
        %parallel_loop3A_250 = tpu.vector_load_idx %arg9[%parallel_loop3A_249] : memref<20000xf32, #tpu.memory_space<vmem>>[vector<16xi32>], vector<16xf32>,
        %parallel_loop3A_251 = arith.constant 1 : i32
        %parallel_loop3A_252 = arith.index_cast %parallel_loop3A_251 : i32 to index
        %parallel_loop3A_253 = arith.index_cast %parallel_loop3A_245 : i32 to index
        %parallel_loop3A_254 = arith.constant 0 : index
        %parallel_loop3A_255 = tpu.vector_load %arg10[%parallel_loop3A_252, %parallel_loop3A_253, %parallel_loop3A_254] {strides = array<i32>} : memref<4x100x64xf32, #tpu.memory_space<vmem>>, vector<16xf32>,
        %parallel_loop3A_256 = arith.mulf %parallel_loop3A_255, %parallel_loop3A_250 : vector<16xf32>
        %parallel_loop3A_257 = arith.constant 1 : i32
        %parallel_loop3A_258 = arith.index_cast %parallel_loop3A_257 : i32 to index
        %parallel_loop3A_259 = arith.index_cast %parallel_loop3A_245 : i32 to index
        %parallel_loop3A_260 = arith.constant 0 : index
        %parallel_loop3A_261 = tpu.vector_load %arg10[%parallel_loop3A_258, %parallel_loop3A_259, %parallel_loop3A_260] {strides = array<i32>} : memref<4x100x64xf32, #tpu.memory_space<vmem>>, vector<16xf32>,
        tpu.vector_store %arg10[%parallel_loop3A_258, %parallel_loop3A_259, %parallel_loop3A_260], %parallel_loop3A_256 {strides = array<i32>} : memref<4x100x64xf32, #tpu.memory_space<vmem>>, vector<16xf32>,
        %parallel_loop3A_262 = arith.constant 1 : i32
        %parallel_loop3A_263 = arith.index_cast %parallel_loop3A_262 : i32 to index
        %parallel_loop3A_264 = arith.index_cast %parallel_loop3A_245 : i32 to index
        %parallel_loop3A_265 = arith.constant 16 : index
        %parallel_loop3A_266 = tpu.vector_load %arg10[%parallel_loop3A_263, %parallel_loop3A_264, %parallel_loop3A_265] {strides = array<i32>} : memref<4x100x64xf32, #tpu.memory_space<vmem>>, vector<16xf32>,
        %parallel_loop3A_267 = arith.mulf %parallel_loop3A_266, %parallel_loop3A_250 : vector<16xf32>
        %parallel_loop3A_268 = arith.constant 1 : i32
        %parallel_loop3A_269 = arith.index_cast %parallel_loop3A_268 : i32 to index
        %parallel_loop3A_270 = arith.index_cast %parallel_loop3A_245 : i32 to index
        %parallel_loop3A_271 = arith.constant 16 : index
        %parallel_loop3A_272 = tpu.vector_load %arg10[%parallel_loop3A_269, %parallel_loop3A_270, %parallel_loop3A_271] {strides = array<i32>} : memref<4x100x64xf32, #tpu.memory_space<vmem>>, vector<16xf32>,
        tpu.vector_store %arg10[%parallel_loop3A_269, %parallel_loop3A_270, %parallel_loop3A_271], %parallel_loop3A_267 {strides = array<i32>} : memref<4x100x64xf32, #tpu.memory_space<vmem>>, vector<16xf32>,
        %parallel_loop3A_273 = arith.constant 1 : i32
        %parallel_loop3A_274 = arith.index_cast %parallel_loop3A_273 : i32 to index
        %parallel_loop3A_275 = arith.index_cast %parallel_loop3A_245 : i32 to index
        %parallel_loop3A_276 = arith.constant 32 : index
        %parallel_loop3A_277 = tpu.vector_load %arg10[%parallel_loop3A_274, %parallel_loop3A_275, %parallel_loop3A_276] {strides = array<i32>} : memref<4x100x64xf32, #tpu.memory_space<vmem>>, vector<16xf32>,
        %parallel_loop3A_278 = arith.mulf %parallel_loop3A_277, %parallel_loop3A_250 : vector<16xf32>
        %parallel_loop3A_279 = arith.constant 1 : i32
        %parallel_loop3A_280 = arith.index_cast %parallel_loop3A_279 : i32 to index
        %parallel_loop3A_281 = arith.index_cast %parallel_loop3A_245 : i32 to index
        %parallel_loop3A_282 = arith.constant 32 : index
        %parallel_loop3A_283 = tpu.vector_load %arg10[%parallel_loop3A_280, %parallel_loop3A_281, %parallel_loop3A_282] {strides = array<i32>} : memref<4x100x64xf32, #tpu.memory_space<vmem>>, vector<16xf32>,
        tpu.vector_store %arg10[%parallel_loop3A_280, %parallel_loop3A_281, %parallel_loop3A_282], %parallel_loop3A_278 {strides = array<i32>} : memref<4x100x64xf32, #tpu.memory_space<vmem>>, vector<16xf32>,
        %parallel_loop3A_284 = arith.constant 1 : i32
        %parallel_loop3A_285 = arith.index_cast %parallel_loop3A_284 : i32 to index
        %parallel_loop3A_286 = arith.index_cast %parallel_loop3A_245 : i32 to index
        %parallel_loop3A_287 = arith.constant 48 : index
        %parallel_loop3A_288 = tpu.vector_load %arg10[%parallel_loop3A_285, %parallel_loop3A_286, %parallel_loop3A_287] {strides = array<i32>} : memref<4x100x64xf32, #tpu.memory_space<vmem>>, vector<16xf32>,
        %parallel_loop3A_289 = arith.mulf %parallel_loop3A_288, %parallel_loop3A_250 : vector<16xf32>
        %parallel_loop3A_290 = arith.constant 1 : i32
        %parallel_loop3A_291 = arith.index_cast %parallel_loop3A_290 : i32 to index
        %parallel_loop3A_292 = arith.index_cast %parallel_loop3A_245 : i32 to index
        %parallel_loop3A_293 = arith.constant 48 : index
        %parallel_loop3A_294 = tpu.vector_load %arg10[%parallel_loop3A_291, %parallel_loop3A_292, %parallel_loop3A_293] {strides = array<i32>} : memref<4x100x64xf32, #tpu.memory_space<vmem>>, vector<16xf32>,
        tpu.vector_store %arg10[%parallel_loop3A_291, %parallel_loop3A_292, %parallel_loop3A_293], %parallel_loop3A_289 {strides = array<i32>} : memref<4x100x64xf32, #tpu.memory_space<vmem>>, vector<16xf32>,
      } {sc.loop_unroll_factor = 4 : i64, sc.parallel_access}
      %ge3A_132 = arith.constant 1 : i32
      %ge3A_133 = arith.cmpi sge, %add3A_113, %ge3A_132 : i32
      %convert_element_type3A_134 = arith.extui %ge3A_133 : i1 to i32
      %cond3A_135 = arith.constant 0 : i32
      %cond3A_136 = arith.cmpi ne, %convert_element_type3A_134, %cond3A_135 : i32
      scf.if %cond3A_136 {
        %sub3A = arith.constant 1 : i32
        %sub3A_245 = arith.subi %add3A_113, %sub3A : i32
        %dma_wait3A_246 = arith.constant 0 : i32
        %dma_wait3A_247 = arith.constant 0 : i32
        %dma_wait3A_248 = arith.constant 0 : i32
        %dma_wait3A_249 = tpu.memref_slice %arg10[%dma_wait3A_246, %dma_wait3A_247, %dma_wait3A_248] : memref<4x100x64xf32, #tpu.memory_space<vmem>> -> memref<1x100x64xf32, #tpu.memory_space<vmem>>
        %dma_wait3A_250 = tpu.memref_squeeze %dma_wait3A_249 : memref<1x100x64xf32, #tpu.memory_space<vmem>> -> memref<100x64xf32, #tpu.memory_space<vmem>>
        %dma_wait3A_251 = arith.constant 0 : i32
        %dma_wait3A_252 = tpu.memref_slice %arg8[%sub3A_245, %dma_wait3A_251] : memref<200x100xi32, #tpu.memory_space<vmem>> -> memref<1x100xi32, #tpu.memory_space<vmem>>
        %dma_wait3A_253 = tpu.memref_squeeze %dma_wait3A_252 : memref<1x100xi32, #tpu.memory_space<vmem>> -> memref<100xi32, #tpu.memory_space<vmem>>
        %dma_wait3A_254 = arith.constant 0 : i32
        %dma_wait3A_255 = arith.constant 0 : i32
        %dma_wait3A_256 = tpu.memref_slice %arg12[%dma_wait3A_254, %dma_wait3A_255] : memref<10112x64xf32, #tpu.memory_space<vmem_shared>> -> memref<10112x64xf32, #tpu.memory_space<vmem_shared>>
        tpu.wait_indirect_dma semaphore(%arg17 : memref<!tpu.dma_semaphore, #tpu.memory_space<semaphore_mem>>) src(%dma_wait3A_250 : memref<100x64xf32, #tpu.memory_space<vmem>>) dst(%dma_wait3A_256 : memref<10112x64xf32, #tpu.memory_space<vmem_shared>>)
      } else {
      }
      %add3A_137 = arith.constant 2 : i32
      %add3A_138 = arith.addi %add3A_113, %add3A_137 : i32
      %lt3A_139 = arith.constant 200 : i32
      %lt3A_140 = arith.cmpi slt, %add3A_138, %lt3A_139 : i32
      %convert_element_type3A_141 = arith.extui %lt3A_140 : i1 to i32
      %cond3A_142 = arith.constant 0 : i32
      %cond3A_143 = arith.cmpi ne, %convert_element_type3A_141, %cond3A_142 : i32
      scf.if %cond3A_143 {
        %add3A_245 = arith.constant 2 : i32
        %add3A_246 = arith.addi %add3A_113, %add3A_245 : i32
        %dma_start3A_247 = arith.constant 3 : i32
        %dma_start3A_248 = arith.constant 0 : i32
        %dma_start3A_249 = arith.constant 0 : i32
        %dma_start3A_250 = tpu.memref_slice %arg10[%dma_start3A_247, %dma_start3A_248, %dma_start3A_249] : memref<4x100x64xf32, #tpu.memory_space<vmem>> -> memref<1x100x64xf32, #tpu.memory_space<vmem>>
        %dma_start3A_251 = tpu.memref_squeeze %dma_start3A_250 : memref<1x100x64xf32, #tpu.memory_space<vmem>> -> memref<100x64xf32, #tpu.memory_space<vmem>>
        %dma_start3A_252 = arith.constant 0 : i32
        %dma_start3A_253 = tpu.memref_slice %arg7[%add3A_246, %dma_start3A_252] : memref<200x100xi32, #tpu.memory_space<vmem>> -> memref<1x100xi32, #tpu.memory_space<vmem>>
        %dma_start3A_254 = tpu.memref_squeeze %dma_start3A_253 : memref<1x100xi32, #tpu.memory_space<vmem>> -> memref<100xi32, #tpu.memory_space<vmem>>
        %dma_start3A_255 = arith.constant 0 : i32
        %dma_start3A_256 = arith.constant 0 : i32
        %dma_start3A_257 = tpu.memref_slice %arg2[%arg0, %dma_start3A_255, %dma_start3A_256] : memref<2x10000x64xf32, #tpu.memory_space<hbm>> -> memref<1x10000x64xf32, #tpu.memory_space<hbm>>
        %dma_start3A_258 = tpu.memref_squeeze %dma_start3A_257 : memref<1x10000x64xf32, #tpu.memory_space<hbm>> -> memref<10000x64xf32, #tpu.memory_space<hbm>>
        %dma_start3A_259 = arith.constant 0 : i32
        %dma_start3A_260 = arith.constant 0 : i32
        %dma_start3A_261 = tpu.memref_slice %dma_start3A_258[%dma_start3A_259, %dma_start3A_260] : memref<10000x64xf32, #tpu.memory_space<hbm>> -> memref<10000x64xf32, #tpu.memory_space<hbm>>
        tpu.enqueue_indirect_dma source(%dma_start3A_261 : memref<10000x64xf32, #tpu.memory_space<hbm>>) target(%dma_start3A_251 : memref<100x64xf32, #tpu.memory_space<vmem>>) offsets(%dma_start3A_254 : memref<100xi32, #tpu.memory_space<vmem>>) semaphore(%arg16 : memref<!tpu.dma_semaphore, #tpu.memory_space<semaphore_mem>>)
      } else {
      }
      %dma_start3A_144 = arith.constant 1 : i32
      %dma_start3A_145 = arith.constant 0 : i32
      %dma_start3A_146 = arith.constant 0 : i32
      %dma_start3A_147 = tpu.memref_slice %arg10[%dma_start3A_144, %dma_start3A_145, %dma_start3A_146] : memref<4x100x64xf32, #tpu.memory_space<vmem>> -> memref<1x100x64xf32, #tpu.memory_space<vmem>>
      %dma_start3A_148 = tpu.memref_squeeze %dma_start3A_147 : memref<1x100x64xf32, #tpu.memory_space<vmem>> -> memref<100x64xf32, #tpu.memory_space<vmem>>
      %dma_start3A_149 = arith.constant 0 : i32
      %dma_start3A_150 = tpu.memref_slice %arg8[%add3A_113, %dma_start3A_149] : memref<200x100xi32, #tpu.memory_space<vmem>> -> memref<1x100xi32, #tpu.memory_space<vmem>>
      %dma_start3A_151 = tpu.memref_squeeze %dma_start3A_150 : memref<1x100xi32, #tpu.memory_space<vmem>> -> memref<100xi32, #tpu.memory_space<vmem>>
      %dma_start3A_152 = arith.constant 0 : i32
      %dma_start3A_153 = arith.constant 0 : i32
      %dma_start3A_154 = tpu.memref_slice %arg12[%dma_start3A_152, %dma_start3A_153] : memref<10112x64xf32, #tpu.memory_space<vmem_shared>> -> memref<10112x64xf32, #tpu.memory_space<vmem_shared>>
      tpu.enqueue_indirect_dma source(%dma_start3A_148 : memref<100x64xf32, #tpu.memory_space<vmem>>) target(%dma_start3A_154 : memref<10112x64xf32, #tpu.memory_space<vmem_shared>>) offsets(%dma_start3A_151 : memref<100xi32, #tpu.memory_space<vmem>>) semaphore(%arg18 : memref<!tpu.dma_semaphore, #tpu.memory_space<semaphore_mem>>) {add = true}
      %mul3A_155 = arith.constant 4 : i32
      %mul3A_156 = arith.muli %scan3A_70, %mul3A_155 : i32
      %add3A_157 = arith.constant 2 : i32
      %add3A_158 = arith.addi %mul3A_156, %add3A_157 : i32
      %dma_wait3A_159 = arith.constant 2 : i32
      %dma_wait3A_160 = arith.constant 0 : i32
      %dma_wait3A_161 = arith.constant 0 : i32
      %dma_wait3A_162 = tpu.memref_slice %arg10[%dma_wait3A_159, %dma_wait3A_160, %dma_wait3A_161] : memref<4x100x64xf32, #tpu.memory_space<vmem>> -> memref<1x100x64xf32, #tpu.memory_space<vmem>>
      %dma_wait3A_163 = tpu.memref_squeeze %dma_wait3A_162 : memref<1x100x64xf32, #tpu.memory_space<vmem>> -> memref<100x64xf32, #tpu.memory_space<vmem>>
      %dma_wait3A_164 = arith.constant 0 : i32
      %dma_wait3A_165 = tpu.memref_slice %arg7[%add3A_158, %dma_wait3A_164] : memref<200x100xi32, #tpu.memory_space<vmem>> -> memref<1x100xi32, #tpu.memory_space<vmem>>
      %dma_wait3A_166 = tpu.memref_squeeze %dma_wait3A_165 : memref<1x100xi32, #tpu.memory_space<vmem>> -> memref<100xi32, #tpu.memory_space<vmem>>
      %dma_wait3A_167 = arith.constant 0 : i32
      %dma_wait3A_168 = arith.constant 0 : i32
      %dma_wait3A_169 = tpu.memref_slice %arg2[%arg0, %dma_wait3A_167, %dma_wait3A_168] : memref<2x10000x64xf32, #tpu.memory_space<hbm>> -> memref<1x10000x64xf32, #tpu.memory_space<hbm>>
      %dma_wait3A_170 = tpu.memref_squeeze %dma_wait3A_169 : memref<1x10000x64xf32, #tpu.memory_space<hbm>> -> memref<10000x64xf32, #tpu.memory_space<hbm>>
      %dma_wait3A_171 = arith.constant 0 : i32
      %dma_wait3A_172 = arith.constant 0 : i32
      %dma_wait3A_173 = tpu.memref_slice %dma_wait3A_170[%dma_wait3A_171, %dma_wait3A_172] : memref<10000x64xf32, #tpu.memory_space<hbm>> -> memref<10000x64xf32, #tpu.memory_space<hbm>>
      tpu.wait_indirect_dma semaphore(%arg15 : memref<!tpu.dma_semaphore, #tpu.memory_space<semaphore_mem>>) src(%dma_wait3A_173 : memref<10000x64xf32, #tpu.memory_space<hbm>>) dst(%dma_wait3A_163 : memref<100x64xf32, #tpu.memory_space<vmem>>)
      %parallel_loop3A_174 = arith.constant 0 : i32
      %parallel_loop3A_175 = arith.constant 100 : i32
      %parallel_loop3A_176 = arith.constant 1 : i32
      scf.for %parallel_loop3A_245 = %parallel_loop3A_174 to %parallel_loop3A_175 step %parallel_loop3A_176  : i32 {
        %parallel_loop3A_246 = arith.constant 100 : i32
        %parallel_loop3A_247 = arith.muli %add3A_158, %parallel_loop3A_246 : i32
        %parallel_loop3A_248 = arith.addi %parallel_loop3A_247, %parallel_loop3A_245 : i32
        %parallel_loop3A_249 = vector.broadcast %parallel_loop3A_248 : i32 to vector<16xi32>
        %parallel_loop3A_250 = tpu.vector_load_idx %arg9[%parallel_loop3A_249] : memref<20000xf32, #tpu.memory_space<vmem>>[vector<16xi32>], vector<16xf32>,
        %parallel_loop3A_251 = arith.constant 2 : i32
        %parallel_loop3A_252 = arith.index_cast %parallel_loop3A_251 : i32 to index
        %parallel_loop3A_253 = arith.index_cast %parallel_loop3A_245 : i32 to index
        %parallel_loop3A_254 = arith.constant 0 : index
        %parallel_loop3A_255 = tpu.vector_load %arg10[%parallel_loop3A_252, %parallel_loop3A_253, %parallel_loop3A_254] {strides = array<i32>} : memref<4x100x64xf32, #tpu.memory_space<vmem>>, vector<16xf32>,
        %parallel_loop3A_256 = arith.mulf %parallel_loop3A_255, %parallel_loop3A_250 : vector<16xf32>
        %parallel_loop3A_257 = arith.constant 2 : i32
        %parallel_loop3A_258 = arith.index_cast %parallel_loop3A_257 : i32 to index
        %parallel_loop3A_259 = arith.index_cast %parallel_loop3A_245 : i32 to index
        %parallel_loop3A_260 = arith.constant 0 : index
        %parallel_loop3A_261 = tpu.vector_load %arg10[%parallel_loop3A_258, %parallel_loop3A_259, %parallel_loop3A_260] {strides = array<i32>} : memref<4x100x64xf32, #tpu.memory_space<vmem>>, vector<16xf32>,
        tpu.vector_store %arg10[%parallel_loop3A_258, %parallel_loop3A_259, %parallel_loop3A_260], %parallel_loop3A_256 {strides = array<i32>} : memref<4x100x64xf32, #tpu.memory_space<vmem>>, vector<16xf32>,
        %parallel_loop3A_262 = arith.constant 2 : i32
        %parallel_loop3A_263 = arith.index_cast %parallel_loop3A_262 : i32 to index
        %parallel_loop3A_264 = arith.index_cast %parallel_loop3A_245 : i32 to index
        %parallel_loop3A_265 = arith.constant 16 : index
        %parallel_loop3A_266 = tpu.vector_load %arg10[%parallel_loop3A_263, %parallel_loop3A_264, %parallel_loop3A_265] {strides = array<i32>} : memref<4x100x64xf32, #tpu.memory_space<vmem>>, vector<16xf32>,
        %parallel_loop3A_267 = arith.mulf %parallel_loop3A_266, %parallel_loop3A_250 : vector<16xf32>
        %parallel_loop3A_268 = arith.constant 2 : i32
        %parallel_loop3A_269 = arith.index_cast %parallel_loop3A_268 : i32 to index
        %parallel_loop3A_270 = arith.index_cast %parallel_loop3A_245 : i32 to index
        %parallel_loop3A_271 = arith.constant 16 : index
        %parallel_loop3A_272 = tpu.vector_load %arg10[%parallel_loop3A_269, %parallel_loop3A_270, %parallel_loop3A_271] {strides = array<i32>} : memref<4x100x64xf32, #tpu.memory_space<vmem>>, vector<16xf32>,
        tpu.vector_store %arg10[%parallel_loop3A_269, %parallel_loop3A_270, %parallel_loop3A_271], %parallel_loop3A_267 {strides = array<i32>} : memref<4x100x64xf32, #tpu.memory_space<vmem>>, vector<16xf32>,
        %parallel_loop3A_273 = arith.constant 2 : i32
        %parallel_loop3A_274 = arith.index_cast %parallel_loop3A_273 : i32 to index
        %parallel_loop3A_275 = arith.index_cast %parallel_loop3A_245 : i32 to index
        %parallel_loop3A_276 = arith.constant 32 : index
        %parallel_loop3A_277 = tpu.vector_load %arg10[%parallel_loop3A_274, %parallel_loop3A_275, %parallel_loop3A_276] {strides = array<i32>} : memref<4x100x64xf32, #tpu.memory_space<vmem>>, vector<16xf32>,
        %parallel_loop3A_278 = arith.mulf %parallel_loop3A_277, %parallel_loop3A_250 : vector<16xf32>
        %parallel_loop3A_279 = arith.constant 2 : i32
        %parallel_loop3A_280 = arith.index_cast %parallel_loop3A_279 : i32 to index
        %parallel_loop3A_281 = arith.index_cast %parallel_loop3A_245 : i32 to index
        %parallel_loop3A_282 = arith.constant 32 : index
        %parallel_loop3A_283 = tpu.vector_load %arg10[%parallel_loop3A_280, %parallel_loop3A_281, %parallel_loop3A_282] {strides = array<i32>} : memref<4x100x64xf32, #tpu.memory_space<vmem>>, vector<16xf32>,
        tpu.vector_store %arg10[%parallel_loop3A_280, %parallel_loop3A_281, %parallel_loop3A_282], %parallel_loop3A_278 {strides = array<i32>} : memref<4x100x64xf32, #tpu.memory_space<vmem>>, vector<16xf32>,
        %parallel_loop3A_284 = arith.constant 2 : i32
        %parallel_loop3A_285 = arith.index_cast %parallel_loop3A_284 : i32 to index
        %parallel_loop3A_286 = arith.index_cast %parallel_loop3A_245 : i32 to index
        %parallel_loop3A_287 = arith.constant 48 : index
        %parallel_loop3A_288 = tpu.vector_load %arg10[%parallel_loop3A_285, %parallel_loop3A_286, %parallel_loop3A_287] {strides = array<i32>} : memref<4x100x64xf32, #tpu.memory_space<vmem>>, vector<16xf32>,
        %parallel_loop3A_289 = arith.mulf %parallel_loop3A_288, %parallel_loop3A_250 : vector<16xf32>
        %parallel_loop3A_290 = arith.constant 2 : i32
        %parallel_loop3A_291 = arith.index_cast %parallel_loop3A_290 : i32 to index
        %parallel_loop3A_292 = arith.index_cast %parallel_loop3A_245 : i32 to index
        %parallel_loop3A_293 = arith.constant 48 : index
        %parallel_loop3A_294 = tpu.vector_load %arg10[%parallel_loop3A_291, %parallel_loop3A_292, %parallel_loop3A_293] {strides = array<i32>} : memref<4x100x64xf32, #tpu.memory_space<vmem>>, vector<16xf32>,
        tpu.vector_store %arg10[%parallel_loop3A_291, %parallel_loop3A_292, %parallel_loop3A_293], %parallel_loop3A_289 {strides = array<i32>} : memref<4x100x64xf32, #tpu.memory_space<vmem>>, vector<16xf32>,
      } {sc.loop_unroll_factor = 4 : i64, sc.parallel_access}
      %ge3A_177 = arith.constant 1 : i32
      %ge3A_178 = arith.cmpi sge, %add3A_158, %ge3A_177 : i32
      %convert_element_type3A_179 = arith.extui %ge3A_178 : i1 to i32
      %cond3A_180 = arith.constant 0 : i32
      %cond3A_181 = arith.cmpi ne, %convert_element_type3A_179, %cond3A_180 : i32
      scf.if %cond3A_181 {
        %sub3A = arith.constant 1 : i32
        %sub3A_245 = arith.subi %add3A_158, %sub3A : i32
        %dma_wait3A_246 = arith.constant 1 : i32
        %dma_wait3A_247 = arith.constant 0 : i32
        %dma_wait3A_248 = arith.constant 0 : i32
        %dma_wait3A_249 = tpu.memref_slice %arg10[%dma_wait3A_246, %dma_wait3A_247, %dma_wait3A_248] : memref<4x100x64xf32, #tpu.memory_space<vmem>> -> memref<1x100x64xf32, #tpu.memory_space<vmem>>
        %dma_wait3A_250 = tpu.memref_squeeze %dma_wait3A_249 : memref<1x100x64xf32, #tpu.memory_space<vmem>> -> memref<100x64xf32, #tpu.memory_space<vmem>>
        %dma_wait3A_251 = arith.constant 0 : i32
        %dma_wait3A_252 = tpu.memref_slice %arg8[%sub3A_245, %dma_wait3A_251] : memref<200x100xi32, #tpu.memory_space<vmem>> -> memref<1x100xi32, #tpu.memory_space<vmem>>
        %dma_wait3A_253 = tpu.memref_squeeze %dma_wait3A_252 : memref<1x100xi32, #tpu.memory_space<vmem>> -> memref<100xi32, #tpu.memory_space<vmem>>
        %dma_wait3A_254 = arith.constant 0 : i32
        %dma_wait3A_255 = arith.constant 0 : i32
        %dma_wait3A_256 = tpu.memref_slice %arg12[%dma_wait3A_254, %dma_wait3A_255] : memref<10112x64xf32, #tpu.memory_space<vmem_shared>> -> memref<10112x64xf32, #tpu.memory_space<vmem_shared>>
        tpu.wait_indirect_dma semaphore(%arg18 : memref<!tpu.dma_semaphore, #tpu.memory_space<semaphore_mem>>) src(%dma_wait3A_250 : memref<100x64xf32, #tpu.memory_space<vmem>>) dst(%dma_wait3A_256 : memref<10112x64xf32, #tpu.memory_space<vmem_shared>>)
      } else {
      }
      %add3A_182 = arith.constant 2 : i32
      %add3A_183 = arith.addi %add3A_158, %add3A_182 : i32
      %lt3A_184 = arith.constant 200 : i32
      %lt3A_185 = arith.cmpi slt, %add3A_183, %lt3A_184 : i32
      %convert_element_type3A_186 = arith.extui %lt3A_185 : i1 to i32
      %cond3A_187 = arith.constant 0 : i32
      %cond3A_188 = arith.cmpi ne, %convert_element_type3A_186, %cond3A_187 : i32
      scf.if %cond3A_188 {
        %add3A_245 = arith.constant 2 : i32
        %add3A_246 = arith.addi %add3A_158, %add3A_245 : i32
        %dma_start3A_247 = arith.constant 0 : i32
        %dma_start3A_248 = arith.constant 0 : i32
        %dma_start3A_249 = arith.constant 0 : i32
        %dma_start3A_250 = tpu.memref_slice %arg10[%dma_start3A_247, %dma_start3A_248, %dma_start3A_249] : memref<4x100x64xf32, #tpu.memory_space<vmem>> -> memref<1x100x64xf32, #tpu.memory_space<vmem>>
        %dma_start3A_251 = tpu.memref_squeeze %dma_start3A_250 : memref<1x100x64xf32, #tpu.memory_space<vmem>> -> memref<100x64xf32, #tpu.memory_space<vmem>>
        %dma_start3A_252 = arith.constant 0 : i32
        %dma_start3A_253 = tpu.memref_slice %arg7[%add3A_246, %dma_start3A_252] : memref<200x100xi32, #tpu.memory_space<vmem>> -> memref<1x100xi32, #tpu.memory_space<vmem>>
        %dma_start3A_254 = tpu.memref_squeeze %dma_start3A_253 : memref<1x100xi32, #tpu.memory_space<vmem>> -> memref<100xi32, #tpu.memory_space<vmem>>
        %dma_start3A_255 = arith.constant 0 : i32
        %dma_start3A_256 = arith.constant 0 : i32
        %dma_start3A_257 = tpu.memref_slice %arg2[%arg0, %dma_start3A_255, %dma_start3A_256] : memref<2x10000x64xf32, #tpu.memory_space<hbm>> -> memref<1x10000x64xf32, #tpu.memory_space<hbm>>
        %dma_start3A_258 = tpu.memref_squeeze %dma_start3A_257 : memref<1x10000x64xf32, #tpu.memory_space<hbm>> -> memref<10000x64xf32, #tpu.memory_space<hbm>>
        %dma_start3A_259 = arith.constant 0 : i32
        %dma_start3A_260 = arith.constant 0 : i32
        %dma_start3A_261 = tpu.memref_slice %dma_start3A_258[%dma_start3A_259, %dma_start3A_260] : memref<10000x64xf32, #tpu.memory_space<hbm>> -> memref<10000x64xf32, #tpu.memory_space<hbm>>
        tpu.enqueue_indirect_dma source(%dma_start3A_261 : memref<10000x64xf32, #tpu.memory_space<hbm>>) target(%dma_start3A_251 : memref<100x64xf32, #tpu.memory_space<vmem>>) offsets(%dma_start3A_254 : memref<100xi32, #tpu.memory_space<vmem>>) semaphore(%arg13 : memref<!tpu.dma_semaphore, #tpu.memory_space<semaphore_mem>>)
      } else {
      }
      %dma_start3A_189 = arith.constant 2 : i32
      %dma_start3A_190 = arith.constant 0 : i32
      %dma_start3A_191 = arith.constant 0 : i32
      %dma_start3A_192 = tpu.memref_slice %arg10[%dma_start3A_189, %dma_start3A_190, %dma_start3A_191] : memref<4x100x64xf32, #tpu.memory_space<vmem>> -> memref<1x100x64xf32, #tpu.memory_space<vmem>>
      %dma_start3A_193 = tpu.memref_squeeze %dma_start3A_192 : memref<1x100x64xf32, #tpu.memory_space<vmem>> -> memref<100x64xf32, #tpu.memory_space<vmem>>
      %dma_start3A_194 = arith.constant 0 : i32
      %dma_start3A_195 = tpu.memref_slice %arg8[%add3A_158, %dma_start3A_194] : memref<200x100xi32, #tpu.memory_space<vmem>> -> memref<1x100xi32, #tpu.memory_space<vmem>>
      %dma_start3A_196 = tpu.memref_squeeze %dma_start3A_195 : memref<1x100xi32, #tpu.memory_space<vmem>> -> memref<100xi32, #tpu.memory_space<vmem>>
      %dma_start3A_197 = arith.constant 0 : i32
      %dma_start3A_198 = arith.constant 0 : i32
      %dma_start3A_199 = tpu.memref_slice %arg12[%dma_start3A_197, %dma_start3A_198] : memref<10112x64xf32, #tpu.memory_space<vmem_shared>> -> memref<10112x64xf32, #tpu.memory_space<vmem_shared>>
      tpu.enqueue_indirect_dma source(%dma_start3A_193 : memref<100x64xf32, #tpu.memory_space<vmem>>) target(%dma_start3A_199 : memref<10112x64xf32, #tpu.memory_space<vmem_shared>>) offsets(%dma_start3A_196 : memref<100xi32, #tpu.memory_space<vmem>>) semaphore(%arg19 : memref<!tpu.dma_semaphore, #tpu.memory_space<semaphore_mem>>) {add = true}
      %mul3A_200 = arith.constant 4 : i32
      %mul3A_201 = arith.muli %scan3A_70, %mul3A_200 : i32
      %add3A_202 = arith.constant 3 : i32
      %add3A_203 = arith.addi %mul3A_201, %add3A_202 : i32
      %dma_wait3A_204 = arith.constant 3 : i32
      %dma_wait3A_205 = arith.constant 0 : i32
      %dma_wait3A_206 = arith.constant 0 : i32
      %dma_wait3A_207 = tpu.memref_slice %arg10[%dma_wait3A_204, %dma_wait3A_205, %dma_wait3A_206] : memref<4x100x64xf32, #tpu.memory_space<vmem>> -> memref<1x100x64xf32, #tpu.memory_space<vmem>>
      %dma_wait3A_208 = tpu.memref_squeeze %dma_wait3A_207 : memref<1x100x64xf32, #tpu.memory_space<vmem>> -> memref<100x64xf32, #tpu.memory_space<vmem>>
      %dma_wait3A_209 = arith.constant 0 : i32
      %dma_wait3A_210 = tpu.memref_slice %arg7[%add3A_203, %dma_wait3A_209] : memref<200x100xi32, #tpu.memory_space<vmem>> -> memref<1x100xi32, #tpu.memory_space<vmem>>
      %dma_wait3A_211 = tpu.memref_squeeze %dma_wait3A_210 : memref<1x100xi32, #tpu.memory_space<vmem>> -> memref<100xi32, #tpu.memory_space<vmem>>
      %dma_wait3A_212 = arith.constant 0 : i32
      %dma_wait3A_213 = arith.constant 0 : i32
      %dma_wait3A_214 = tpu.memref_slice %arg2[%arg0, %dma_wait3A_212, %dma_wait3A_213] : memref<2x10000x64xf32, #tpu.memory_space<hbm>> -> memref<1x10000x64xf32, #tpu.memory_space<hbm>>
      %dma_wait3A_215 = tpu.memref_squeeze %dma_wait3A_214 : memref<1x10000x64xf32, #tpu.memory_space<hbm>> -> memref<10000x64xf32, #tpu.memory_space<hbm>>
      %dma_wait3A_216 = arith.constant 0 : i32
      %dma_wait3A_217 = arith.constant 0 : i32
      %dma_wait3A_218 = tpu.memref_slice %dma_wait3A_215[%dma_wait3A_216, %dma_wait3A_217] : memref<10000x64xf32, #tpu.memory_space<hbm>> -> memref<10000x64xf32, #tpu.memory_space<hbm>>
      tpu.wait_indirect_dma semaphore(%arg16 : memref<!tpu.dma_semaphore, #tpu.memory_space<semaphore_mem>>) src(%dma_wait3A_218 : memref<10000x64xf32, #tpu.memory_space<hbm>>) dst(%dma_wait3A_208 : memref<100x64xf32, #tpu.memory_space<vmem>>)
      %parallel_loop3A_219 = arith.constant 0 : i32
      %parallel_loop3A_220 = arith.constant 100 : i32
      %parallel_loop3A_221 = arith.constant 1 : i32
      scf.for %parallel_loop3A_245 = %parallel_loop3A_219 to %parallel_loop3A_220 step %parallel_loop3A_221  : i32 {
        %parallel_loop3A_246 = arith.constant 100 : i32
        %parallel_loop3A_247 = arith.muli %add3A_203, %parallel_loop3A_246 : i32
        %parallel_loop3A_248 = arith.addi %parallel_loop3A_247, %parallel_loop3A_245 : i32
        %parallel_loop3A_249 = vector.broadcast %parallel_loop3A_248 : i32 to vector<16xi32>
        %parallel_loop3A_250 = tpu.vector_load_idx %arg9[%parallel_loop3A_249] : memref<20000xf32, #tpu.memory_space<vmem>>[vector<16xi32>], vector<16xf32>,
        %parallel_loop3A_251 = arith.constant 3 : i32
        %parallel_loop3A_252 = arith.index_cast %parallel_loop3A_251 : i32 to index
        %parallel_loop3A_253 = arith.index_cast %parallel_loop3A_245 : i32 to index
        %parallel_loop3A_254 = arith.constant 0 : index
        %parallel_loop3A_255 = tpu.vector_load %arg10[%parallel_loop3A_252, %parallel_loop3A_253, %parallel_loop3A_254] {strides = array<i32>} : memref<4x100x64xf32, #tpu.memory_space<vmem>>, vector<16xf32>,
        %parallel_loop3A_256 = arith.mulf %parallel_loop3A_255, %parallel_loop3A_250 : vector<16xf32>
        %parallel_loop3A_257 = arith.constant 3 : i32
        %parallel_loop3A_258 = arith.index_cast %parallel_loop3A_257 : i32 to index
        %parallel_loop3A_259 = arith.index_cast %parallel_loop3A_245 : i32 to index
        %parallel_loop3A_260 = arith.constant 0 : index
        %parallel_loop3A_261 = tpu.vector_load %arg10[%parallel_loop3A_258, %parallel_loop3A_259, %parallel_loop3A_260] {strides = array<i32>} : memref<4x100x64xf32, #tpu.memory_space<vmem>>, vector<16xf32>,
        tpu.vector_store %arg10[%parallel_loop3A_258, %parallel_loop3A_259, %parallel_loop3A_260], %parallel_loop3A_256 {strides = array<i32>} : memref<4x100x64xf32, #tpu.memory_space<vmem>>, vector<16xf32>,
        %parallel_loop3A_262 = arith.constant 3 : i32
        %parallel_loop3A_263 = arith.index_cast %parallel_loop3A_262 : i32 to index
        %parallel_loop3A_264 = arith.index_cast %parallel_loop3A_245 : i32 to index
        %parallel_loop3A_265 = arith.constant 16 : index
        %parallel_loop3A_266 = tpu.vector_load %arg10[%parallel_loop3A_263, %parallel_loop3A_264, %parallel_loop3A_265] {strides = array<i32>} : memref<4x100x64xf32, #tpu.memory_space<vmem>>, vector<16xf32>,
        %parallel_loop3A_267 = arith.mulf %parallel_loop3A_266, %parallel_loop3A_250 : vector<16xf32>
        %parallel_loop3A_268 = arith.constant 3 : i32
        %parallel_loop3A_269 = arith.index_cast %parallel_loop3A_268 : i32 to index
        %parallel_loop3A_270 = arith.index_cast %parallel_loop3A_245 : i32 to index
        %parallel_loop3A_271 = arith.constant 16 : index
        %parallel_loop3A_272 = tpu.vector_load %arg10[%parallel_loop3A_269, %parallel_loop3A_270, %parallel_loop3A_271] {strides = array<i32>} : memref<4x100x64xf32, #tpu.memory_space<vmem>>, vector<16xf32>,
        tpu.vector_store %arg10[%parallel_loop3A_269, %parallel_loop3A_270, %parallel_loop3A_271], %parallel_loop3A_267 {strides = array<i32>} : memref<4x100x64xf32, #tpu.memory_space<vmem>>, vector<16xf32>,
        %parallel_loop3A_273 = arith.constant 3 : i32
        %parallel_loop3A_274 = arith.index_cast %parallel_loop3A_273 : i32 to index
        %parallel_loop3A_275 = arith.index_cast %parallel_loop3A_245 : i32 to index
        %parallel_loop3A_276 = arith.constant 32 : index
        %parallel_loop3A_277 = tpu.vector_load %arg10[%parallel_loop3A_274, %parallel_loop3A_275, %parallel_loop3A_276] {strides = array<i32>} : memref<4x100x64xf32, #tpu.memory_space<vmem>>, vector<16xf32>,
        %parallel_loop3A_278 = arith.mulf %parallel_loop3A_277, %parallel_loop3A_250 : vector<16xf32>
        %parallel_loop3A_279 = arith.constant 3 : i32
        %parallel_loop3A_280 = arith.index_cast %parallel_loop3A_279 : i32 to index
        %parallel_loop3A_281 = arith.index_cast %parallel_loop3A_245 : i32 to index
        %parallel_loop3A_282 = arith.constant 32 : index
        %parallel_loop3A_283 = tpu.vector_load %arg10[%parallel_loop3A_280, %parallel_loop3A_281, %parallel_loop3A_282] {strides = array<i32>} : memref<4x100x64xf32, #tpu.memory_space<vmem>>, vector<16xf32>,
        tpu.vector_store %arg10[%parallel_loop3A_280, %parallel_loop3A_281, %parallel_loop3A_282], %parallel_loop3A_278 {strides = array<i32>} : memref<4x100x64xf32, #tpu.memory_space<vmem>>, vector<16xf32>,
        %parallel_loop3A_284 = arith.constant 3 : i32
        %parallel_loop3A_285 = arith.index_cast %parallel_loop3A_284 : i32 to index
        %parallel_loop3A_286 = arith.index_cast %parallel_loop3A_245 : i32 to index
        %parallel_loop3A_287 = arith.constant 48 : index
        %parallel_loop3A_288 = tpu.vector_load %arg10[%parallel_loop3A_285, %parallel_loop3A_286, %parallel_loop3A_287] {strides = array<i32>} : memref<4x100x64xf32, #tpu.memory_space<vmem>>, vector<16xf32>,
        %parallel_loop3A_289 = arith.mulf %parallel_loop3A_288, %parallel_loop3A_250 : vector<16xf32>
        %parallel_loop3A_290 = arith.constant 3 : i32
        %parallel_loop3A_291 = arith.index_cast %parallel_loop3A_290 : i32 to index
        %parallel_loop3A_292 = arith.index_cast %parallel_loop3A_245 : i32 to index
        %parallel_loop3A_293 = arith.constant 48 : index
        %parallel_loop3A_294 = tpu.vector_load %arg10[%parallel_loop3A_291, %parallel_loop3A_292, %parallel_loop3A_293] {strides = array<i32>} : memref<4x100x64xf32, #tpu.memory_space<vmem>>, vector<16xf32>,
        tpu.vector_store %arg10[%parallel_loop3A_291, %parallel_loop3A_292, %parallel_loop3A_293], %parallel_loop3A_289 {strides = array<i32>} : memref<4x100x64xf32, #tpu.memory_space<vmem>>, vector<16xf32>,
      } {sc.loop_unroll_factor = 4 : i64, sc.parallel_access}
      %ge3A_222 = arith.constant 1 : i32
      %ge3A_223 = arith.cmpi sge, %add3A_203, %ge3A_222 : i32
      %convert_element_type3A_224 = arith.extui %ge3A_223 : i1 to i32
      %cond3A_225 = arith.constant 0 : i32
      %cond3A_226 = arith.cmpi ne, %convert_element_type3A_224, %cond3A_225 : i32
      scf.if %cond3A_226 {
        %sub3A = arith.constant 1 : i32
        %sub3A_245 = arith.subi %add3A_203, %sub3A : i32
        %dma_wait3A_246 = arith.constant 2 : i32
        %dma_wait3A_247 = arith.constant 0 : i32
        %dma_wait3A_248 = arith.constant 0 : i32
        %dma_wait3A_249 = tpu.memref_slice %arg10[%dma_wait3A_246, %dma_wait3A_247, %dma_wait3A_248] : memref<4x100x64xf32, #tpu.memory_space<vmem>> -> memref<1x100x64xf32, #tpu.memory_space<vmem>>
        %dma_wait3A_250 = tpu.memref_squeeze %dma_wait3A_249 : memref<1x100x64xf32, #tpu.memory_space<vmem>> -> memref<100x64xf32, #tpu.memory_space<vmem>>
        %dma_wait3A_251 = arith.constant 0 : i32
        %dma_wait3A_252 = tpu.memref_slice %arg8[%sub3A_245, %dma_wait3A_251] : memref<200x100xi32, #tpu.memory_space<vmem>> -> memref<1x100xi32, #tpu.memory_space<vmem>>
        %dma_wait3A_253 = tpu.memref_squeeze %dma_wait3A_252 : memref<1x100xi32, #tpu.memory_space<vmem>> -> memref<100xi32, #tpu.memory_space<vmem>>
        %dma_wait3A_254 = arith.constant 0 : i32
        %dma_wait3A_255 = arith.constant 0 : i32
        %dma_wait3A_256 = tpu.memref_slice %arg12[%dma_wait3A_254, %dma_wait3A_255] : memref<10112x64xf32, #tpu.memory_space<vmem_shared>> -> memref<10112x64xf32, #tpu.memory_space<vmem_shared>>
        tpu.wait_indirect_dma semaphore(%arg19 : memref<!tpu.dma_semaphore, #tpu.memory_space<semaphore_mem>>) src(%dma_wait3A_250 : memref<100x64xf32, #tpu.memory_space<vmem>>) dst(%dma_wait3A_256 : memref<10112x64xf32, #tpu.memory_space<vmem_shared>>)
      } else {
      }
      %add3A_227 = arith.constant 2 : i32
      %add3A_228 = arith.addi %add3A_203, %add3A_227 : i32
      %lt3A_229 = arith.constant 200 : i32
      %lt3A_230 = arith.cmpi slt, %add3A_228, %lt3A_229 : i32
      %convert_element_type3A_231 = arith.extui %lt3A_230 : i1 to i32
      %cond3A_232 = arith.constant 0 : i32
      %cond3A_233 = arith.cmpi ne, %convert_element_type3A_231, %cond3A_232 : i32
      scf.if %cond3A_233 {
        %add3A_245 = arith.constant 2 : i32
        %add3A_246 = arith.addi %add3A_203, %add3A_245 : i32
        %dma_start3A_247 = arith.constant 1 : i32
        %dma_start3A_248 = arith.constant 0 : i32
        %dma_start3A_249 = arith.constant 0 : i32
        %dma_start3A_250 = tpu.memref_slice %arg10[%dma_start3A_247, %dma_start3A_248, %dma_start3A_249] : memref<4x100x64xf32, #tpu.memory_space<vmem>> -> memref<1x100x64xf32, #tpu.memory_space<vmem>>
        %dma_start3A_251 = tpu.memref_squeeze %dma_start3A_250 : memref<1x100x64xf32, #tpu.memory_space<vmem>> -> memref<100x64xf32, #tpu.memory_space<vmem>>
        %dma_start3A_252 = arith.constant 0 : i32
        %dma_start3A_253 = tpu.memref_slice %arg7[%add3A_246, %dma_start3A_252] : memref<200x100xi32, #tpu.memory_space<vmem>> -> memref<1x100xi32, #tpu.memory_space<vmem>>
        %dma_start3A_254 = tpu.memref_squeeze %dma_start3A_253 : memref<1x100xi32, #tpu.memory_space<vmem>> -> memref<100xi32, #tpu.memory_space<vmem>>
        %dma_start3A_255 = arith.constant 0 : i32
        %dma_start3A_256 = arith.constant 0 : i32
        %dma_start3A_257 = tpu.memref_slice %arg2[%arg0, %dma_start3A_255, %dma_start3A_256] : memref<2x10000x64xf32, #tpu.memory_space<hbm>> -> memref<1x10000x64xf32, #tpu.memory_space<hbm>>
        %dma_start3A_258 = tpu.memref_squeeze %dma_start3A_257 : memref<1x10000x64xf32, #tpu.memory_space<hbm>> -> memref<10000x64xf32, #tpu.memory_space<hbm>>
        %dma_start3A_259 = arith.constant 0 : i32
        %dma_start3A_260 = arith.constant 0 : i32
        %dma_start3A_261 = tpu.memref_slice %dma_start3A_258[%dma_start3A_259, %dma_start3A_260] : memref<10000x64xf32, #tpu.memory_space<hbm>> -> memref<10000x64xf32, #tpu.memory_space<hbm>>
        tpu.enqueue_indirect_dma source(%dma_start3A_261 : memref<10000x64xf32, #tpu.memory_space<hbm>>) target(%dma_start3A_251 : memref<100x64xf32, #tpu.memory_space<vmem>>) offsets(%dma_start3A_254 : memref<100xi32, #tpu.memory_space<vmem>>) semaphore(%arg14 : memref<!tpu.dma_semaphore, #tpu.memory_space<semaphore_mem>>)
      } else {
      }
      %dma_start3A_234 = arith.constant 3 : i32
      %dma_start3A_235 = arith.constant 0 : i32
      %dma_start3A_236 = arith.constant 0 : i32
      %dma_start3A_237 = tpu.memref_slice %arg10[%dma_start3A_234, %dma_start3A_235, %dma_start3A_236] : memref<4x100x64xf32, #tpu.memory_space<vmem>> -> memref<1x100x64xf32, #tpu.memory_space<vmem>>
      %dma_start3A_238 = tpu.memref_squeeze %dma_start3A_237 : memref<1x100x64xf32, #tpu.memory_space<vmem>> -> memref<100x64xf32, #tpu.memory_space<vmem>>
      %dma_start3A_239 = arith.constant 0 : i32
      %dma_start3A_240 = tpu.memref_slice %arg8[%add3A_203, %dma_start3A_239] : memref<200x100xi32, #tpu.memory_space<vmem>> -> memref<1x100xi32, #tpu.memory_space<vmem>>
      %dma_start3A_241 = tpu.memref_squeeze %dma_start3A_240 : memref<1x100xi32, #tpu.memory_space<vmem>> -> memref<100xi32, #tpu.memory_space<vmem>>
      %dma_start3A_242 = arith.constant 0 : i32
      %dma_start3A_243 = arith.constant 0 : i32
      %dma_start3A_244 = tpu.memref_slice %arg12[%dma_start3A_242, %dma_start3A_243] : memref<10112x64xf32, #tpu.memory_space<vmem_shared>> -> memref<10112x64xf32, #tpu.memory_space<vmem_shared>>
      tpu.enqueue_indirect_dma source(%dma_start3A_238 : memref<100x64xf32, #tpu.memory_space<vmem>>) target(%dma_start3A_244 : memref<10112x64xf32, #tpu.memory_space<vmem_shared>>) offsets(%dma_start3A_241 : memref<100xi32, #tpu.memory_space<vmem>>) semaphore(%arg20 : memref<!tpu.dma_semaphore, #tpu.memory_space<semaphore_mem>>) {add = true}
    }
    %scan3A_53 = arith.constant 50 : i32
    %dma_wait3A = arith.constant 3 : i32
    %dma_wait3A_54 = arith.constant 199 : i32
    %dma_wait3A_55 = arith.constant 0 : i32
    %dma_wait3A_56 = arith.constant 0 : i32
    %dma_wait3A_57 = tpu.memref_slice %arg10[%dma_wait3A, %dma_wait3A_55, %dma_wait3A_56] : memref<4x100x64xf32, #tpu.memory_space<vmem>> -> memref<1x100x64xf32, #tpu.memory_space<vmem>>
    %dma_wait3A_58 = tpu.memref_squeeze %dma_wait3A_57 : memref<1x100x64xf32, #tpu.memory_space<vmem>> -> memref<100x64xf32, #tpu.memory_space<vmem>>
    %dma_wait3A_59 = arith.constant 0 : i32
    %dma_wait3A_60 = tpu.memref_slice %arg8[%dma_wait3A_54, %dma_wait3A_59] : memref<200x100xi32, #tpu.memory_space<vmem>> -> memref<1x100xi32, #tpu.memory_space<vmem>>
    %dma_wait3A_61 = tpu.memref_squeeze %dma_wait3A_60 : memref<1x100xi32, #tpu.memory_space<vmem>> -> memref<100xi32, #tpu.memory_space<vmem>>
    %dma_wait3A_62 = arith.constant 0 : i32
    %dma_wait3A_63 = arith.constant 0 : i32
    %dma_wait3A_64 = tpu.memref_slice %arg12[%dma_wait3A_62, %dma_wait3A_63] : memref<10112x64xf32, #tpu.memory_space<vmem_shared>> -> memref<10112x64xf32, #tpu.memory_space<vmem_shared>>
    tpu.wait_indirect_dma semaphore(%arg20 : memref<!tpu.dma_semaphore, #tpu.memory_space<semaphore_mem>>) src(%dma_wait3A_58 : memref<100x64xf32, #tpu.memory_space<vmem>>) dst(%dma_wait3A_64 : memref<10112x64xf32, #tpu.memory_space<vmem_shared>>)
    %barrier3A_65 = arith.constant 0 : index
    tpu.barrier barrier_id(%barrier3A_65)
    %mul3A_66 = arith.constant 632 : i32
    %mul3A_67 = arith.muli %arg1, %mul3A_66 : i32
    %mul3A_68 = arith.constant 632 : i32
    %mul3A_69 = arith.muli %arg1, %mul3A_68 : i32
    "tpu.region"() ({
      %run_scoped3A = tpu.sem_alloc : memref<!tpu.dma_semaphore, #tpu.memory_space<semaphore_mem>>
      %dma_start3A_70 = arith.constant 0 : i32
      %dma_start3A_71 = tpu.memref_slice %arg6[%arg0, %mul3A_69, %dma_start3A_70] : memref<2x10112x64xf32, #tpu.memory_space<hbm>> -> memref<1x632x64xf32, #tpu.memory_space<hbm>>
      %dma_start3A_72 = tpu.memref_squeeze %dma_start3A_71 : memref<1x632x64xf32, #tpu.memory_space<hbm>> -> memref<632x64xf32, #tpu.memory_space<hbm>>
      %dma_start3A_73 = arith.constant 0 : i32
      %dma_start3A_74 = tpu.memref_slice %arg12[%mul3A_67, %dma_start3A_73] : memref<10112x64xf32, #tpu.memory_space<vmem_shared>> -> memref<632x64xf32, #tpu.memory_space<vmem_shared>>
      tpu.enqueue_dma source(%dma_start3A_74 : memref<632x64xf32, #tpu.memory_space<vmem_shared>>) target(%dma_start3A_72 : memref<632x64xf32, #tpu.memory_space<hbm>>) target_semaphore(%run_scoped3A : memref<!tpu.dma_semaphore, #tpu.memory_space<semaphore_mem>>)
      %dma_wait3A_75 = arith.constant 0 : i32
      %dma_wait3A_76 = tpu.memref_slice %arg6[%arg0, %mul3A_69, %dma_wait3A_75] : memref<2x10112x64xf32, #tpu.memory_space<hbm>> -> memref<1x632x64xf32, #tpu.memory_space<hbm>>
      %dma_wait3A_77 = tpu.memref_squeeze %dma_wait3A_76 : memref<1x632x64xf32, #tpu.memory_space<hbm>> -> memref<632x64xf32, #tpu.memory_space<hbm>>
      %dma_wait3A_78 = arith.constant 0 : i32
      %dma_wait3A_79 = tpu.memref_slice %arg12[%mul3A_67, %dma_wait3A_78] : memref<10112x64xf32, #tpu.memory_space<vmem_shared>> -> memref<632x64xf32, #tpu.memory_space<vmem_shared>>
      tpu.wait_dma2 semaphore(%run_scoped3A : memref<!tpu.dma_semaphore, #tpu.memory_space<semaphore_mem>>) src(%dma_wait3A_79 : memref<632x64xf32, #tpu.memory_space<vmem_shared>>) dst(%dma_wait3A_77 : memref<632x64xf32, #tpu.memory_space<hbm>>)
      tpu.yield
    }) : () -> ()
    return
  }
}

#map = affine_map<(d0, d1) -> (0, 0)>
#map1 = affine_map<(d0, d1) -> (0)>
#map2 = affine_map<(d0, d1) -> (0, 0, 0)>
module attributes {stable_mosaic.version = 14 : i64} {
  func.func @body(%arg0: i32, %arg1: i32, %arg2: memref<3200x100xi32, #tpu.memory_space<hbm>>, %arg3: memref<320000xf32, #tpu.memory_space<hbm>>, %arg4: memref<2x10112x16xf32, #tpu.memory_space<hbm>>, %arg5: memref<100x100xi32, #tpu.memory_space<vmem>>, %arg6: memref<10000xf32, #tpu.memory_space<vmem>>, %arg7: memref<2x100x16xf32, #tpu.memory_space<vmem>>, %arg8: memref<8x16xf32, #tpu.memory_space<vmem>>, %arg9: memref<10112x16xf32, #tpu.memory_space<vmem_shared>>, %arg10: memref<!tpu.dma_semaphore, #tpu.memory_space<semaphore_mem>>, %arg11: memref<!tpu.dma_semaphore, #tpu.memory_space<semaphore_mem>>) attributes {dimension_semantics = [#tpu.dimension_semantics<core_parallel>, #tpu.dimension_semantics<subcore_parallel>], iteration_bounds = array<i64: 2, 16>, scalar_prefetch = 0 : i64, scratch_operands = 7 : i64, tpu.core_type = #tpu.core_type<sc_vector_subcore>, window_params = [{transform_indices = #map}, {transform_indices = #map1}, {transform_indices = #map2}]} {
    %mul3A = arith.constant 16 : i32
    %mul3A_0 = arith.muli %arg0, %mul3A : i32
    %add3A = arith.addi %mul3A_0, %arg1 : i32
    %broadcast_in_dim3A = arith.constant 0.000000e+00 : f32
    %broadcast_in_dim3A_1 = vector.broadcast %broadcast_in_dim3A : f32 to vector<16xf32>
    %scan3A = arith.constant 0 : i32
    %scan3A_2 = arith.constant 0 : i32
    %scan3A_3 = arith.constant 8 : i32
    %scan3A_4 = arith.addi %scan3A_2, %scan3A_3 : i32
    %scan3A_5 = arith.constant 1 : i32
    scf.for %scan3A_51 = %scan3A_2 to %scan3A_4 step %scan3A_5  : i32 {
      %swap3A = arith.index_cast %scan3A_51 : i32 to index
      %swap3A_52 = arith.constant 0 : index
      %swap3A_53 = tpu.vector_load %arg8[%swap3A, %swap3A_52] {strides = array<i32>} : memref<8x16xf32, #tpu.memory_space<vmem>>, vector<16xf32>,
      tpu.vector_store %arg8[%swap3A, %swap3A_52], %broadcast_in_dim3A_1 {strides = array<i32>} : memref<8x16xf32, #tpu.memory_space<vmem>>, vector<16xf32>,
    }
    %scan3A_6 = arith.constant 8 : i32
    %scan3A_7 = arith.constant 0 : i32
    %scan3A_8 = arith.constant 0 : i32
    %scan3A_9 = arith.constant 79 : i32
    %scan3A_10 = arith.addi %scan3A_8, %scan3A_9 : i32
    %scan3A_11 = arith.constant 1 : i32
    scf.for %scan3A_51 = %scan3A_8 to %scan3A_10 step %scan3A_11  : i32 {
      %mul3A_52 = arith.constant 632 : i32
      %mul3A_53 = arith.muli %arg1, %mul3A_52 : i32
      %mul3A_54 = arith.constant 8 : i32
      %mul3A_55 = arith.muli %scan3A_51, %mul3A_54 : i32
      %add3A_56 = arith.addi %mul3A_53, %mul3A_55 : i32
      "tpu.region"() ({
        %run_scoped3A = tpu.sem_alloc : memref<!tpu.dma_semaphore, #tpu.memory_space<semaphore_mem>>
        %dma_start3A = arith.constant 0 : i32
        %dma_start3A_57 = tpu.memref_slice %arg9[%add3A_56, %dma_start3A] : memref<10112x16xf32, #tpu.memory_space<vmem_shared>> -> memref<8x16xf32, #tpu.memory_space<vmem_shared>>
        %dma_start3A_58 = arith.constant 0 : i32
        %dma_start3A_59 = tpu.memref_slice %arg9[%add3A_56, %dma_start3A_58] : memref<10112x16xf32, #tpu.memory_space<vmem_shared>> -> memref<8x16xf32, #tpu.memory_space<vmem_shared>>
        tpu.enqueue_dma source(%arg8 : memref<8x16xf32, #tpu.memory_space<vmem>>) target(%dma_start3A_59 : memref<8x16xf32, #tpu.memory_space<vmem_shared>>) target_semaphore(%run_scoped3A : memref<!tpu.dma_semaphore, #tpu.memory_space<semaphore_mem>>)
        %dma_wait3A_60 = arith.constant 0 : i32
        %dma_wait3A_61 = tpu.memref_slice %arg9[%add3A_56, %dma_wait3A_60] : memref<10112x16xf32, #tpu.memory_space<vmem_shared>> -> memref<8x16xf32, #tpu.memory_space<vmem_shared>>
        %dma_wait3A_62 = arith.constant 0 : i32
        %dma_wait3A_63 = tpu.memref_slice %arg9[%add3A_56, %dma_wait3A_62] : memref<10112x16xf32, #tpu.memory_space<vmem_shared>> -> memref<8x16xf32, #tpu.memory_space<vmem_shared>>
        tpu.wait_dma2 semaphore(%run_scoped3A : memref<!tpu.dma_semaphore, #tpu.memory_space<semaphore_mem>>) src(%arg8 : memref<8x16xf32, #tpu.memory_space<vmem>>) dst(%dma_wait3A_63 : memref<8x16xf32, #tpu.memory_space<vmem_shared>>)
        tpu.yield
      }) : () -> ()
    }
    %scan3A_12 = arith.constant 79 : i32
    %barrier3A = arith.constant 0 : index
    tpu.barrier barrier_id(%barrier3A)
    %mul3A_13 = arith.constant 100 : i32
    %mul3A_14 = arith.muli %add3A, %mul3A_13 : i32
    "tpu.region"() ({
      %run_scoped3A = tpu.sem_alloc : memref<!tpu.dma_semaphore, #tpu.memory_space<semaphore_mem>>
      %dma_start3A = arith.constant 0 : i32
      %dma_start3A_51 = tpu.memref_slice %arg2[%mul3A_14, %dma_start3A] : memref<3200x100xi32, #tpu.memory_space<hbm>> -> memref<100x100xi32, #tpu.memory_space<hbm>>
      %dma_start3A_52 = arith.constant 0 : i32
      %dma_start3A_53 = tpu.memref_slice %arg2[%mul3A_14, %dma_start3A_52] : memref<3200x100xi32, #tpu.memory_space<hbm>> -> memref<100x100xi32, #tpu.memory_space<hbm>>
      tpu.enqueue_dma source(%dma_start3A_53 : memref<100x100xi32, #tpu.memory_space<hbm>>) target(%arg5 : memref<100x100xi32, #tpu.memory_space<vmem>>) target_semaphore(%run_scoped3A : memref<!tpu.dma_semaphore, #tpu.memory_space<semaphore_mem>>)
      %dma_wait3A_54 = arith.constant 0 : i32
      %dma_wait3A_55 = tpu.memref_slice %arg2[%mul3A_14, %dma_wait3A_54] : memref<3200x100xi32, #tpu.memory_space<hbm>> -> memref<100x100xi32, #tpu.memory_space<hbm>>
      %dma_wait3A_56 = arith.constant 0 : i32
      %dma_wait3A_57 = tpu.memref_slice %arg2[%mul3A_14, %dma_wait3A_56] : memref<3200x100xi32, #tpu.memory_space<hbm>> -> memref<100x100xi32, #tpu.memory_space<hbm>>
      tpu.wait_dma2 semaphore(%run_scoped3A : memref<!tpu.dma_semaphore, #tpu.memory_space<semaphore_mem>>) src(%dma_wait3A_57 : memref<100x100xi32, #tpu.memory_space<hbm>>) dst(%arg5 : memref<100x100xi32, #tpu.memory_space<vmem>>)
      tpu.yield
    }) : () -> ()
    %mul3A_15 = arith.constant 10000 : i32
    %mul3A_16 = arith.muli %add3A, %mul3A_15 : i32
    "tpu.region"() ({
      %run_scoped3A = tpu.sem_alloc : memref<!tpu.dma_semaphore, #tpu.memory_space<semaphore_mem>>
      %dma_start3A = tpu.memref_slice %arg3[%mul3A_16] : memref<320000xf32, #tpu.memory_space<hbm>> -> memref<10000xf32, #tpu.memory_space<hbm>>
      %dma_start3A_51 = tpu.memref_slice %arg3[%mul3A_16] : memref<320000xf32, #tpu.memory_space<hbm>> -> memref<10000xf32, #tpu.memory_space<hbm>>
      tpu.enqueue_dma source(%dma_start3A_51 : memref<10000xf32, #tpu.memory_space<hbm>>) target(%arg6 : memref<10000xf32, #tpu.memory_space<vmem>>) target_semaphore(%run_scoped3A : memref<!tpu.dma_semaphore, #tpu.memory_space<semaphore_mem>>)
      %dma_wait3A_52 = tpu.memref_slice %arg3[%mul3A_16] : memref<320000xf32, #tpu.memory_space<hbm>> -> memref<10000xf32, #tpu.memory_space<hbm>>
      %dma_wait3A_53 = tpu.memref_slice %arg3[%mul3A_16] : memref<320000xf32, #tpu.memory_space<hbm>> -> memref<10000xf32, #tpu.memory_space<hbm>>
      tpu.wait_dma2 semaphore(%run_scoped3A : memref<!tpu.dma_semaphore, #tpu.memory_space<semaphore_mem>>) src(%dma_wait3A_53 : memref<10000xf32, #tpu.memory_space<hbm>>) dst(%arg6 : memref<10000xf32, #tpu.memory_space<vmem>>)
      tpu.yield
    }) : () -> ()
    %scan3A_17 = arith.constant 0 : i32
    %scan3A_18 = arith.constant 0 : i32
    %scan3A_19 = arith.constant 50 : i32
    %scan3A_20 = arith.addi %scan3A_18, %scan3A_19 : i32
    %scan3A_21 = arith.constant 1 : i32
    scf.for %scan3A_51 = %scan3A_18 to %scan3A_20 step %scan3A_21  : i32 {
      %mul3A_52 = arith.constant 2 : i32
      %mul3A_53 = arith.muli %scan3A_51, %mul3A_52 : i32
      %add3A_54 = arith.constant 0 : i32
      %add3A_55 = arith.addi %mul3A_53, %add3A_54 : i32
      %ge3A = arith.constant 2 : i32
      %ge3A_56 = arith.cmpi sge, %add3A_55, %ge3A : i32
      %convert_element_type3A = arith.extui %ge3A_56 : i1 to i32
      %cond3A = arith.constant 0 : i32
      %cond3A_57 = arith.cmpi ne, %convert_element_type3A, %cond3A : i32
      scf.if %cond3A_57 {
        %sub3A = arith.constant 2 : i32
        %sub3A_93 = arith.subi %add3A_55, %sub3A : i32
        %dma_wait3A_94 = arith.constant 0 : i32
        %dma_wait3A_95 = arith.constant 0 : i32
        %dma_wait3A_96 = arith.constant 0 : i32
        %dma_wait3A_97 = tpu.memref_slice %arg7[%dma_wait3A_94, %dma_wait3A_95, %dma_wait3A_96] : memref<2x100x16xf32, #tpu.memory_space<vmem>> -> memref<1x100x16xf32, #tpu.memory_space<vmem>>
        %dma_wait3A_98 = tpu.memref_squeeze %dma_wait3A_97 : memref<1x100x16xf32, #tpu.memory_space<vmem>> -> memref<100x16xf32, #tpu.memory_space<vmem>>
        %dma_wait3A_99 = arith.constant 0 : i32
        %dma_wait3A_100 = tpu.memref_slice %arg5[%sub3A_93, %dma_wait3A_99] : memref<100x100xi32, #tpu.memory_space<vmem>> -> memref<1x100xi32, #tpu.memory_space<vmem>>
        %dma_wait3A_101 = tpu.memref_squeeze %dma_wait3A_100 : memref<1x100xi32, #tpu.memory_space<vmem>> -> memref<100xi32, #tpu.memory_space<vmem>>
        %dma_wait3A_102 = arith.constant 0 : i32
        %dma_wait3A_103 = arith.constant 0 : i32
        %dma_wait3A_104 = tpu.memref_slice %arg9[%dma_wait3A_102, %dma_wait3A_103] : memref<10112x16xf32, #tpu.memory_space<vmem_shared>> -> memref<10112x16xf32, #tpu.memory_space<vmem_shared>>
        tpu.wait_indirect_dma semaphore(%arg10 : memref<!tpu.dma_semaphore, #tpu.memory_space<semaphore_mem>>) src(%dma_wait3A_98 : memref<100x16xf32, #tpu.memory_space<vmem>>) dst(%dma_wait3A_104 : memref<10112x16xf32, #tpu.memory_space<vmem_shared>>)
      } else {
      }
      %parallel_loop3A = arith.constant 0 : i32
      %parallel_loop3A_58 = arith.constant 100 : i32
      %parallel_loop3A_59 = arith.constant 1 : i32
      scf.for %parallel_loop3A_93 = %parallel_loop3A to %parallel_loop3A_58 step %parallel_loop3A_59  : i32 {
        %parallel_loop3A_94 = arith.constant 100 : i32
        %parallel_loop3A_95 = arith.muli %add3A_55, %parallel_loop3A_94 : i32
        %parallel_loop3A_96 = arith.addi %parallel_loop3A_95, %parallel_loop3A_93 : i32
        %parallel_loop3A_97 = vector.broadcast %parallel_loop3A_96 : i32 to vector<16xi32>
        %parallel_loop3A_98 = tpu.vector_load_idx %arg6[%parallel_loop3A_97] : memref<10000xf32, #tpu.memory_space<vmem>>[vector<16xi32>], vector<16xf32>,
        %parallel_loop3A_99 = arith.constant 0 : i32
        %parallel_loop3A_100 = arith.index_cast %parallel_loop3A_99 : i32 to index
        %parallel_loop3A_101 = arith.index_cast %parallel_loop3A_93 : i32 to index
        %parallel_loop3A_102 = arith.constant 0 : index
        %parallel_loop3A_103 = tpu.vector_load %arg7[%parallel_loop3A_100, %parallel_loop3A_101, %parallel_loop3A_102] {strides = array<i32>} : memref<2x100x16xf32, #tpu.memory_space<vmem>>, vector<16xf32>,
        tpu.vector_store %arg7[%parallel_loop3A_100, %parallel_loop3A_101, %parallel_loop3A_102], %parallel_loop3A_98 {strides = array<i32>} : memref<2x100x16xf32, #tpu.memory_space<vmem>>, vector<16xf32>,
      } {sc.loop_unroll_factor = 4 : i64, sc.parallel_access}
      %dma_start3A = arith.constant 0 : i32
      %dma_start3A_60 = arith.constant 0 : i32
      %dma_start3A_61 = arith.constant 0 : i32
      %dma_start3A_62 = tpu.memref_slice %arg7[%dma_start3A, %dma_start3A_60, %dma_start3A_61] : memref<2x100x16xf32, #tpu.memory_space<vmem>> -> memref<1x100x16xf32, #tpu.memory_space<vmem>>
      %dma_start3A_63 = tpu.memref_squeeze %dma_start3A_62 : memref<1x100x16xf32, #tpu.memory_space<vmem>> -> memref<100x16xf32, #tpu.memory_space<vmem>>
      %dma_start3A_64 = arith.constant 0 : i32
      %dma_start3A_65 = tpu.memref_slice %arg5[%add3A_55, %dma_start3A_64] : memref<100x100xi32, #tpu.memory_space<vmem>> -> memref<1x100xi32, #tpu.memory_space<vmem>>
      %dma_start3A_66 = tpu.memref_squeeze %dma_start3A_65 : memref<1x100xi32, #tpu.memory_space<vmem>> -> memref<100xi32, #tpu.memory_space<vmem>>
      %dma_start3A_67 = arith.constant 0 : i32
      %dma_start3A_68 = arith.constant 0 : i32
      %dma_start3A_69 = tpu.memref_slice %arg9[%dma_start3A_67, %dma_start3A_68] : memref<10112x16xf32, #tpu.memory_space<vmem_shared>> -> memref<10112x16xf32, #tpu.memory_space<vmem_shared>>
      tpu.enqueue_indirect_dma source(%dma_start3A_63 : memref<100x16xf32, #tpu.memory_space<vmem>>) target(%dma_start3A_69 : memref<10112x16xf32, #tpu.memory_space<vmem_shared>>) offsets(%dma_start3A_66 : memref<100xi32, #tpu.memory_space<vmem>>) semaphore(%arg10 : memref<!tpu.dma_semaphore, #tpu.memory_space<semaphore_mem>>) {add = true}
      %mul3A_70 = arith.constant 2 : i32
      %mul3A_71 = arith.muli %scan3A_51, %mul3A_70 : i32
      %add3A_72 = arith.constant 1 : i32
      %add3A_73 = arith.addi %mul3A_71, %add3A_72 : i32
      %ge3A_74 = arith.constant 2 : i32
      %ge3A_75 = arith.cmpi sge, %add3A_73, %ge3A_74 : i32
      %convert_element_type3A_76 = arith.extui %ge3A_75 : i1 to i32
      %cond3A_77 = arith.constant 0 : i32
      %cond3A_78 = arith.cmpi ne, %convert_element_type3A_76, %cond3A_77 : i32
      scf.if %cond3A_78 {
        %sub3A = arith.constant 2 : i32
        %sub3A_93 = arith.subi %add3A_73, %sub3A : i32
        %dma_wait3A_94 = arith.constant 1 : i32
        %dma_wait3A_95 = arith.constant 0 : i32
        %dma_wait3A_96 = arith.constant 0 : i32
        %dma_wait3A_97 = tpu.memref_slice %arg7[%dma_wait3A_94, %dma_wait3A_95, %dma_wait3A_96] : memref<2x100x16xf32, #tpu.memory_space<vmem>> -> memref<1x100x16xf32, #tpu.memory_space<vmem>>
        %dma_wait3A_98 = tpu.memref_squeeze %dma_wait3A_97 : memref<1x100x16xf32, #tpu.memory_space<vmem>> -> memref<100x16xf32, #tpu.memory_space<vmem>>
        %dma_wait3A_99 = arith.constant 0 : i32
        %dma_wait3A_100 = tpu.memref_slice %arg5[%sub3A_93, %dma_wait3A_99] : memref<100x100xi32, #tpu.memory_space<vmem>> -> memref<1x100xi32, #tpu.memory_space<vmem>>
        %dma_wait3A_101 = tpu.memref_squeeze %dma_wait3A_100 : memref<1x100xi32, #tpu.memory_space<vmem>> -> memref<100xi32, #tpu.memory_space<vmem>>
        %dma_wait3A_102 = arith.constant 0 : i32
        %dma_wait3A_103 = arith.constant 0 : i32
        %dma_wait3A_104 = tpu.memref_slice %arg9[%dma_wait3A_102, %dma_wait3A_103] : memref<10112x16xf32, #tpu.memory_space<vmem_shared>> -> memref<10112x16xf32, #tpu.memory_space<vmem_shared>>
        tpu.wait_indirect_dma semaphore(%arg11 : memref<!tpu.dma_semaphore, #tpu.memory_space<semaphore_mem>>) src(%dma_wait3A_98 : memref<100x16xf32, #tpu.memory_space<vmem>>) dst(%dma_wait3A_104 : memref<10112x16xf32, #tpu.memory_space<vmem_shared>>)
      } else {
      }
      %parallel_loop3A_79 = arith.constant 0 : i32
      %parallel_loop3A_80 = arith.constant 100 : i32
      %parallel_loop3A_81 = arith.constant 1 : i32
      scf.for %parallel_loop3A_93 = %parallel_loop3A_79 to %parallel_loop3A_80 step %parallel_loop3A_81  : i32 {
        %parallel_loop3A_94 = arith.constant 100 : i32
        %parallel_loop3A_95 = arith.muli %add3A_73, %parallel_loop3A_94 : i32
        %parallel_loop3A_96 = arith.addi %parallel_loop3A_95, %parallel_loop3A_93 : i32
        %parallel_loop3A_97 = vector.broadcast %parallel_loop3A_96 : i32 to vector<16xi32>
        %parallel_loop3A_98 = tpu.vector_load_idx %arg6[%parallel_loop3A_97] : memref<10000xf32, #tpu.memory_space<vmem>>[vector<16xi32>], vector<16xf32>,
        %parallel_loop3A_99 = arith.constant 1 : i32
        %parallel_loop3A_100 = arith.index_cast %parallel_loop3A_99 : i32 to index
        %parallel_loop3A_101 = arith.index_cast %parallel_loop3A_93 : i32 to index
        %parallel_loop3A_102 = arith.constant 0 : index
        %parallel_loop3A_103 = tpu.vector_load %arg7[%parallel_loop3A_100, %parallel_loop3A_101, %parallel_loop3A_102] {strides = array<i32>} : memref<2x100x16xf32, #tpu.memory_space<vmem>>, vector<16xf32>,
        tpu.vector_store %arg7[%parallel_loop3A_100, %parallel_loop3A_101, %parallel_loop3A_102], %parallel_loop3A_98 {strides = array<i32>} : memref<2x100x16xf32, #tpu.memory_space<vmem>>, vector<16xf32>,
      } {sc.loop_unroll_factor = 4 : i64, sc.parallel_access}
      %dma_start3A_82 = arith.constant 1 : i32
      %dma_start3A_83 = arith.constant 0 : i32
      %dma_start3A_84 = arith.constant 0 : i32
      %dma_start3A_85 = tpu.memref_slice %arg7[%dma_start3A_82, %dma_start3A_83, %dma_start3A_84] : memref<2x100x16xf32, #tpu.memory_space<vmem>> -> memref<1x100x16xf32, #tpu.memory_space<vmem>>
      %dma_start3A_86 = tpu.memref_squeeze %dma_start3A_85 : memref<1x100x16xf32, #tpu.memory_space<vmem>> -> memref<100x16xf32, #tpu.memory_space<vmem>>
      %dma_start3A_87 = arith.constant 0 : i32
      %dma_start3A_88 = tpu.memref_slice %arg5[%add3A_73, %dma_start3A_87] : memref<100x100xi32, #tpu.memory_space<vmem>> -> memref<1x100xi32, #tpu.memory_space<vmem>>
      %dma_start3A_89 = tpu.memref_squeeze %dma_start3A_88 : memref<1x100xi32, #tpu.memory_space<vmem>> -> memref<100xi32, #tpu.memory_space<vmem>>
      %dma_start3A_90 = arith.constant 0 : i32
      %dma_start3A_91 = arith.constant 0 : i32
      %dma_start3A_92 = tpu.memref_slice %arg9[%dma_start3A_90, %dma_start3A_91] : memref<10112x16xf32, #tpu.memory_space<vmem_shared>> -> memref<10112x16xf32, #tpu.memory_space<vmem_shared>>
      tpu.enqueue_indirect_dma source(%dma_start3A_86 : memref<100x16xf32, #tpu.memory_space<vmem>>) target(%dma_start3A_92 : memref<10112x16xf32, #tpu.memory_space<vmem_shared>>) offsets(%dma_start3A_89 : memref<100xi32, #tpu.memory_space<vmem>>) semaphore(%arg11 : memref<!tpu.dma_semaphore, #tpu.memory_space<semaphore_mem>>) {add = true}
    }
    %scan3A_22 = arith.constant 50 : i32
    %dma_wait3A = arith.constant 0 : i32
    %dma_wait3A_23 = arith.constant 98 : i32
    %dma_wait3A_24 = arith.constant 0 : i32
    %dma_wait3A_25 = arith.constant 0 : i32
    %dma_wait3A_26 = tpu.memref_slice %arg7[%dma_wait3A, %dma_wait3A_24, %dma_wait3A_25] : memref<2x100x16xf32, #tpu.memory_space<vmem>> -> memref<1x100x16xf32, #tpu.memory_space<vmem>>
    %dma_wait3A_27 = tpu.memref_squeeze %dma_wait3A_26 : memref<1x100x16xf32, #tpu.memory_space<vmem>> -> memref<100x16xf32, #tpu.memory_space<vmem>>
    %dma_wait3A_28 = arith.constant 0 : i32
    %dma_wait3A_29 = tpu.memref_slice %arg5[%dma_wait3A_23, %dma_wait3A_28] : memref<100x100xi32, #tpu.memory_space<vmem>> -> memref<1x100xi32, #tpu.memory_space<vmem>>
    %dma_wait3A_30 = tpu.memref_squeeze %dma_wait3A_29 : memref<1x100xi32, #tpu.memory_space<vmem>> -> memref<100xi32, #tpu.memory_space<vmem>>
    %dma_wait3A_31 = arith.constant 0 : i32
    %dma_wait3A_32 = arith.constant 0 : i32
    %dma_wait3A_33 = tpu.memref_slice %arg9[%dma_wait3A_31, %dma_wait3A_32] : memref<10112x16xf32, #tpu.memory_space<vmem_shared>> -> memref<10112x16xf32, #tpu.memory_space<vmem_shared>>
    tpu.wait_indirect_dma semaphore(%arg10 : memref<!tpu.dma_semaphore, #tpu.memory_space<semaphore_mem>>) src(%dma_wait3A_27 : memref<100x16xf32, #tpu.memory_space<vmem>>) dst(%dma_wait3A_33 : memref<10112x16xf32, #tpu.memory_space<vmem_shared>>)
    %dma_wait3A_34 = arith.constant 1 : i32
    %dma_wait3A_35 = arith.constant 99 : i32
    %dma_wait3A_36 = arith.constant 0 : i32
    %dma_wait3A_37 = arith.constant 0 : i32
    %dma_wait3A_38 = tpu.memref_slice %arg7[%dma_wait3A_34, %dma_wait3A_36, %dma_wait3A_37] : memref<2x100x16xf32, #tpu.memory_space<vmem>> -> memref<1x100x16xf32, #tpu.memory_space<vmem>>
    %dma_wait3A_39 = tpu.memref_squeeze %dma_wait3A_38 : memref<1x100x16xf32, #tpu.memory_space<vmem>> -> memref<100x16xf32, #tpu.memory_space<vmem>>
    %dma_wait3A_40 = arith.constant 0 : i32
    %dma_wait3A_41 = tpu.memref_slice %arg5[%dma_wait3A_35, %dma_wait3A_40] : memref<100x100xi32, #tpu.memory_space<vmem>> -> memref<1x100xi32, #tpu.memory_space<vmem>>
    %dma_wait3A_42 = tpu.memref_squeeze %dma_wait3A_41 : memref<1x100xi32, #tpu.memory_space<vmem>> -> memref<100xi32, #tpu.memory_space<vmem>>
    %dma_wait3A_43 = arith.constant 0 : i32
    %dma_wait3A_44 = arith.constant 0 : i32
    %dma_wait3A_45 = tpu.memref_slice %arg9[%dma_wait3A_43, %dma_wait3A_44] : memref<10112x16xf32, #tpu.memory_space<vmem_shared>> -> memref<10112x16xf32, #tpu.memory_space<vmem_shared>>
    tpu.wait_indirect_dma semaphore(%arg11 : memref<!tpu.dma_semaphore, #tpu.memory_space<semaphore_mem>>) src(%dma_wait3A_39 : memref<100x16xf32, #tpu.memory_space<vmem>>) dst(%dma_wait3A_45 : memref<10112x16xf32, #tpu.memory_space<vmem_shared>>)
    %barrier3A_46 = arith.constant 0 : index
    tpu.barrier barrier_id(%barrier3A_46)
    %mul3A_47 = arith.constant 632 : i32
    %mul3A_48 = arith.muli %arg1, %mul3A_47 : i32
    %mul3A_49 = arith.constant 632 : i32
    %mul3A_50 = arith.muli %arg1, %mul3A_49 : i32
    "tpu.region"() ({
      %run_scoped3A = tpu.sem_alloc : memref<!tpu.dma_semaphore, #tpu.memory_space<semaphore_mem>>
      %dma_start3A = arith.constant 0 : i32
      %dma_start3A_51 = tpu.memref_slice %arg4[%arg0, %mul3A_50, %dma_start3A] : memref<2x10112x16xf32, #tpu.memory_space<hbm>> -> memref<1x632x16xf32, #tpu.memory_space<hbm>>
      %dma_start3A_52 = tpu.memref_squeeze %dma_start3A_51 : memref<1x632x16xf32, #tpu.memory_space<hbm>> -> memref<632x16xf32, #tpu.memory_space<hbm>>
      %dma_start3A_53 = arith.constant 0 : i32
      %dma_start3A_54 = tpu.memref_slice %arg9[%mul3A_48, %dma_start3A_53] : memref<10112x16xf32, #tpu.memory_space<vmem_shared>> -> memref<632x16xf32, #tpu.memory_space<vmem_shared>>
      tpu.enqueue_dma source(%dma_start3A_54 : memref<632x16xf32, #tpu.memory_space<vmem_shared>>) target(%dma_start3A_52 : memref<632x16xf32, #tpu.memory_space<hbm>>) target_semaphore(%run_scoped3A : memref<!tpu.dma_semaphore, #tpu.memory_space<semaphore_mem>>)
      %dma_wait3A_55 = arith.constant 0 : i32
      %dma_wait3A_56 = tpu.memref_slice %arg4[%arg0, %mul3A_50, %dma_wait3A_55] : memref<2x10112x16xf32, #tpu.memory_space<hbm>> -> memref<1x632x16xf32, #tpu.memory_space<hbm>>
      %dma_wait3A_57 = tpu.memref_squeeze %dma_wait3A_56 : memref<1x632x16xf32, #tpu.memory_space<hbm>> -> memref<632x16xf32, #tpu.memory_space<hbm>>
      %dma_wait3A_58 = arith.constant 0 : i32
      %dma_wait3A_59 = tpu.memref_slice %arg9[%mul3A_48, %dma_wait3A_58] : memref<10112x16xf32, #tpu.memory_space<vmem_shared>> -> memref<632x16xf32, #tpu.memory_space<vmem_shared>>
      tpu.wait_dma2 semaphore(%run_scoped3A : memref<!tpu.dma_semaphore, #tpu.memory_space<semaphore_mem>>) src(%dma_wait3A_59 : memref<632x16xf32, #tpu.memory_space<vmem_shared>>) dst(%dma_wait3A_57 : memref<632x16xf32, #tpu.memory_space<hbm>>)
      tpu.yield
    }) : () -> ()
    return
  }
}

#map = affine_map<(d0, d1) -> (0, 0, 0)>
#map1 = affine_map<(d0, d1) -> (0, 0)>
#map2 = affine_map<(d0, d1) -> (0)>
module attributes {stable_mosaic.version = 14 : i64} {
  func.func @body(%arg0: i32, %arg1: i32, %arg2: memref<2x10000x32xf32, #tpu.memory_space<hbm>>, %arg3: memref<3200x100xi32, #tpu.memory_space<hbm>>, %arg4: memref<3200x100xi32, #tpu.memory_space<hbm>>, %arg5: memref<320000xf32, #tpu.memory_space<hbm>>, %arg6: memref<2x10112x32xf32, #tpu.memory_space<hbm>>, %arg7: memref<200x100xi32, #tpu.memory_space<vmem>>, %arg8: memref<200x100xi32, #tpu.memory_space<vmem>>, %arg9: memref<20000xf32, #tpu.memory_space<vmem>>, %arg10: memref<4x100x32xf32, #tpu.memory_space<vmem>>, %arg11: memref<8x32xf32, #tpu.memory_space<vmem>>, %arg12: memref<10112x32xf32, #tpu.memory_space<vmem_shared>>, %arg13: memref<!tpu.dma_semaphore, #tpu.memory_space<semaphore_mem>>, %arg14: memref<!tpu.dma_semaphore, #tpu.memory_space<semaphore_mem>>, %arg15: memref<!tpu.dma_semaphore, #tpu.memory_space<semaphore_mem>>, %arg16: memref<!tpu.dma_semaphore, #tpu.memory_space<semaphore_mem>>, %arg17: memref<!tpu.dma_semaphore, #tpu.memory_space<semaphore_mem>>, %arg18: memref<!tpu.dma_semaphore, #tpu.memory_space<semaphore_mem>>, %arg19: memref<!tpu.dma_semaphore, #tpu.memory_space<semaphore_mem>>, %arg20: memref<!tpu.dma_semaphore, #tpu.memory_space<semaphore_mem>>) attributes {dimension_semantics = [#tpu.dimension_semantics<core_parallel>, #tpu.dimension_semantics<subcore_parallel>], iteration_bounds = array<i64: 2, 16>, scalar_prefetch = 0 : i64, scratch_operands = 14 : i64, tpu.core_type = #tpu.core_type<sc_vector_subcore>, window_params = [{transform_indices = #map}, {transform_indices = #map1}, {transform_indices = #map1}, {transform_indices = #map2}, {transform_indices = #map}]} {
    %broadcast_in_dim3A = arith.constant 0.000000e+00 : f32
    %broadcast_in_dim3A_0 = vector.broadcast %broadcast_in_dim3A : f32 to vector<16xf32>
    %scan3A = arith.constant 0 : i32
    %scan3A_1 = arith.constant 0 : i32
    %scan3A_2 = arith.constant 8 : i32
    %scan3A_3 = arith.addi %scan3A_1, %scan3A_2 : i32
    %scan3A_4 = arith.constant 1 : i32
    scf.for %scan3A_70 = %scan3A_1 to %scan3A_3 step %scan3A_4  : i32 {
      %swap3A = arith.index_cast %scan3A_70 : i32 to index
      %swap3A_71 = arith.constant 0 : index
      %swap3A_72 = tpu.vector_load %arg11[%swap3A, %swap3A_71] {strides = array<i32>} : memref<8x32xf32, #tpu.memory_space<vmem>>, vector<16xf32>,
      tpu.vector_store %arg11[%swap3A, %swap3A_71], %broadcast_in_dim3A_0 {strides = array<i32>} : memref<8x32xf32, #tpu.memory_space<vmem>>, vector<16xf32>,
      %swap3A_73 = arith.index_cast %scan3A_70 : i32 to index
      %swap3A_74 = arith.constant 16 : index
      %swap3A_75 = tpu.vector_load %arg11[%swap3A_73, %swap3A_74] {strides = array<i32>} : memref<8x32xf32, #tpu.memory_space<vmem>>, vector<16xf32>,
      tpu.vector_store %arg11[%swap3A_73, %swap3A_74], %broadcast_in_dim3A_0 {strides = array<i32>} : memref<8x32xf32, #tpu.memory_space<vmem>>, vector<16xf32>,
    }
    %scan3A_5 = arith.constant 8 : i32
    %scan3A_6 = arith.constant 0 : i32
    %scan3A_7 = arith.constant 0 : i32
    %scan3A_8 = arith.constant 79 : i32
    %scan3A_9 = arith.addi %scan3A_7, %scan3A_8 : i32
    %scan3A_10 = arith.constant 1 : i32
    scf.for %scan3A_70 = %scan3A_7 to %scan3A_9 step %scan3A_10  : i32 {
      %mul3A_71 = arith.constant 632 : i32
      %mul3A_72 = arith.muli %arg1, %mul3A_71 : i32
      %mul3A_73 = arith.constant 8 : i32
      %mul3A_74 = arith.muli %scan3A_70, %mul3A_73 : i32
      %add3A = arith.addi %mul3A_72, %mul3A_74 : i32
      "tpu.region"() ({
        %run_scoped3A = tpu.sem_alloc : memref<!tpu.dma_semaphore, #tpu.memory_space<semaphore_mem>>
        %dma_start3A_75 = arith.constant 0 : i32
        %dma_start3A_76 = tpu.memref_slice %arg12[%add3A, %dma_start3A_75] : memref<10112x32xf32, #tpu.memory_space<vmem_shared>> -> memref<8x32xf32, #tpu.memory_space<vmem_shared>>
        %dma_start3A_77 = arith.constant 0 : i32
        %dma_start3A_78 = tpu.memref_slice %arg12[%add3A, %dma_start3A_77] : memref<10112x32xf32, #tpu.memory_space<vmem_shared>> -> memref<8x32xf32, #tpu.memory_space<vmem_shared>>
        tpu.enqueue_dma source(%arg11 : memref<8x32xf32, #tpu.memory_space<vmem>>) target(%dma_start3A_78 : memref<8x32xf32, #tpu.memory_space<vmem_shared>>) target_semaphore(%run_scoped3A : memref<!tpu.dma_semaphore, #tpu.memory_space<semaphore_mem>>)
        %dma_wait3A_79 = arith.constant 0 : i32
        %dma_wait3A_80 = tpu.memref_slice %arg12[%add3A, %dma_wait3A_79] : memref<10112x32xf32, #tpu.memory_space<vmem_shared>> -> memref<8x32xf32, #tpu.memory_space<vmem_shared>>
        %dma_wait3A_81 = arith.constant 0 : i32
        %dma_wait3A_82 = tpu.memref_slice %arg12[%add3A, %dma_wait3A_81] : memref<10112x32xf32, #tpu.memory_space<vmem_shared>> -> memref<8x32xf32, #tpu.memory_space<vmem_shared>>
        tpu.wait_dma2 semaphore(%run_scoped3A : memref<!tpu.dma_semaphore, #tpu.memory_space<semaphore_mem>>) src(%arg11 : memref<8x32xf32, #tpu.memory_space<vmem>>) dst(%dma_wait3A_82 : memref<8x32xf32, #tpu.memory_space<vmem_shared>>)
        tpu.yield
      }) : () -> ()
    }
    %scan3A_11 = arith.constant 79 : i32
    %barrier3A = arith.constant 0 : index
    tpu.barrier barrier_id(%barrier3A)
    %mul3A = arith.constant 200 : i32
    %mul3A_12 = arith.muli %arg1, %mul3A : i32
    "tpu.region"() ({
      %run_scoped3A = tpu.sem_alloc : memref<!tpu.dma_semaphore, #tpu.memory_space<semaphore_mem>>
      %dma_start3A_70 = arith.constant 0 : i32
      %dma_start3A_71 = tpu.memref_slice %arg3[%mul3A_12, %dma_start3A_70] : memref<3200x100xi32, #tpu.memory_space<hbm>> -> memref<200x100xi32, #tpu.memory_space<hbm>>
      %dma_start3A_72 = arith.constant 0 : i32
      %dma_start3A_73 = tpu.memref_slice %arg3[%mul3A_12, %dma_start3A_72] : memref<3200x100xi32, #tpu.memory_space<hbm>> -> memref<200x100xi32, #tpu.memory_space<hbm>>
      tpu.enqueue_dma source(%dma_start3A_73 : memref<200x100xi32, #tpu.memory_space<hbm>>) target(%arg7 : memref<200x100xi32, #tpu.memory_space<vmem>>) target_semaphore(%run_scoped3A : memref<!tpu.dma_semaphore, #tpu.memory_space<semaphore_mem>>)
      %dma_wait3A_74 = arith.constant 0 : i32
      %dma_wait3A_75 = tpu.memref_slice %arg3[%mul3A_12, %dma_wait3A_74] : memref<3200x100xi32, #tpu.memory_space<hbm>> -> memref<200x100xi32, #tpu.memory_space<hbm>>
      %dma_wait3A_76 = arith.constant 0 : i32
      %dma_wait3A_77 = tpu.memref_slice %arg3[%mul3A_12, %dma_wait3A_76] : memref<3200x100xi32, #tpu.memory_space<hbm>> -> memref<200x100xi32, #tpu.memory_space<hbm>>
      tpu.wait_dma2 semaphore(%run_scoped3A : memref<!tpu.dma_semaphore, #tpu.memory_space<semaphore_mem>>) src(%dma_wait3A_77 : memref<200x100xi32, #tpu.memory_space<hbm>>) dst(%arg7 : memref<200x100xi32, #tpu.memory_space<vmem>>)
      tpu.yield
    }) : () -> ()
    %mul3A_13 = arith.constant 200 : i32
    %mul3A_14 = arith.muli %arg1, %mul3A_13 : i32
    "tpu.region"() ({
      %run_scoped3A = tpu.sem_alloc : memref<!tpu.dma_semaphore, #tpu.memory_space<semaphore_mem>>
      %dma_start3A_70 = arith.constant 0 : i32
      %dma_start3A_71 = tpu.memref_slice %arg4[%mul3A_14, %dma_start3A_70] : memref<3200x100xi32, #tpu.memory_space<hbm>> -> memref<200x100xi32, #tpu.memory_space<hbm>>
      %dma_start3A_72 = arith.constant 0 : i32
      %dma_start3A_73 = tpu.memref_slice %arg4[%mul3A_14, %dma_start3A_72] : memref<3200x100xi32, #tpu.memory_space<hbm>> -> memref<200x100xi32, #tpu.memory_space<hbm>>
      tpu.enqueue_dma source(%dma_start3A_73 : memref<200x100xi32, #tpu.memory_space<hbm>>) target(%arg8 : memref<200x100xi32, #tpu.memory_space<vmem>>) target_semaphore(%run_scoped3A : memref<!tpu.dma_semaphore, #tpu.memory_space<semaphore_mem>>)
      %dma_wait3A_74 = arith.constant 0 : i32
      %dma_wait3A_75 = tpu.memref_slice %arg4[%mul3A_14, %dma_wait3A_74] : memref<3200x100xi32, #tpu.memory_space<hbm>> -> memref<200x100xi32, #tpu.memory_space<hbm>>
      %dma_wait3A_76 = arith.constant 0 : i32
      %dma_wait3A_77 = tpu.memref_slice %arg4[%mul3A_14, %dma_wait3A_76] : memref<3200x100xi32, #tpu.memory_space<hbm>> -> memref<200x100xi32, #tpu.memory_space<hbm>>
      tpu.wait_dma2 semaphore(%run_scoped3A : memref<!tpu.dma_semaphore, #tpu.memory_space<semaphore_mem>>) src(%dma_wait3A_77 : memref<200x100xi32, #tpu.memory_space<hbm>>) dst(%arg8 : memref<200x100xi32, #tpu.memory_space<vmem>>)
      tpu.yield
    }) : () -> ()
    %mul3A_15 = arith.constant 20000 : i32
    %mul3A_16 = arith.muli %arg1, %mul3A_15 : i32
    "tpu.region"() ({
      %run_scoped3A = tpu.sem_alloc : memref<!tpu.dma_semaphore, #tpu.memory_space<semaphore_mem>>
      %dma_start3A_70 = tpu.memref_slice %arg5[%mul3A_16] : memref<320000xf32, #tpu.memory_space<hbm>> -> memref<20000xf32, #tpu.memory_space<hbm>>
      %dma_start3A_71 = tpu.memref_slice %arg5[%mul3A_16] : memref<320000xf32, #tpu.memory_space<hbm>> -> memref<20000xf32, #tpu.memory_space<hbm>>
      tpu.enqueue_dma source(%dma_start3A_71 : memref<20000xf32, #tpu.memory_space<hbm>>) target(%arg9 : memref<20000xf32, #tpu.memory_space<vmem>>) target_semaphore(%run_scoped3A : memref<!tpu.dma_semaphore, #tpu.memory_space<semaphore_mem>>)
      %dma_wait3A_72 = tpu.memref_slice %arg5[%mul3A_16] : memref<320000xf32, #tpu.memory_space<hbm>> -> memref<20000xf32, #tpu.memory_space<hbm>>
      %dma_wait3A_73 = tpu.memref_slice %arg5[%mul3A_16] : memref<320000xf32, #tpu.memory_space<hbm>> -> memref<20000xf32, #tpu.memory_space<hbm>>
      tpu.wait_dma2 semaphore(%run_scoped3A : memref<!tpu.dma_semaphore, #tpu.memory_space<semaphore_mem>>) src(%dma_wait3A_73 : memref<20000xf32, #tpu.memory_space<hbm>>) dst(%arg9 : memref<20000xf32, #tpu.memory_space<vmem>>)
      tpu.yield
    }) : () -> ()
    %dma_start3A = arith.constant 0 : i32
    %dma_start3A_17 = arith.constant 0 : i32
    %dma_start3A_18 = arith.constant 0 : i32
    %dma_start3A_19 = arith.constant 0 : i32
    %dma_start3A_20 = tpu.memref_slice %arg10[%dma_start3A_17, %dma_start3A_18, %dma_start3A_19] : memref<4x100x32xf32, #tpu.memory_space<vmem>> -> memref<1x100x32xf32, #tpu.memory_space<vmem>>
    %dma_start3A_21 = tpu.memref_squeeze %dma_start3A_20 : memref<1x100x32xf32, #tpu.memory_space<vmem>> -> memref<100x32xf32, #tpu.memory_space<vmem>>
    %dma_start3A_22 = arith.constant 0 : i32
    %dma_start3A_23 = tpu.memref_slice %arg7[%dma_start3A, %dma_start3A_22] : memref<200x100xi32, #tpu.memory_space<vmem>> -> memref<1x100xi32, #tpu.memory_space<vmem>>
    %dma_start3A_24 = tpu.memref_squeeze %dma_start3A_23 : memref<1x100xi32, #tpu.memory_space<vmem>> -> memref<100xi32, #tpu.memory_space<vmem>>
    %dma_start3A_25 = arith.constant 0 : i32
    %dma_start3A_26 = arith.constant 0 : i32
    %dma_start3A_27 = tpu.memref_slice %arg2[%arg0, %dma_start3A_25, %dma_start3A_26] : memref<2x10000x32xf32, #tpu.memory_space<hbm>> -> memref<1x10000x32xf32, #tpu.memory_space<hbm>>
    %dma_start3A_28 = tpu.memref_squeeze %dma_start3A_27 : memref<1x10000x32xf32, #tpu.memory_space<hbm>> -> memref<10000x32xf32, #tpu.memory_space<hbm>>
    %dma_start3A_29 = arith.constant 0 : i32
    %dma_start3A_30 = arith.constant 0 : i32
    %dma_start3A_31 = tpu.memref_slice %dma_start3A_28[%dma_start3A_29, %dma_start3A_30] : memref<10000x32xf32, #tpu.memory_space<hbm>> -> memref<10000x32xf32, #tpu.memory_space<hbm>>
    tpu.enqueue_indirect_dma source(%dma_start3A_31 : memref<10000x32xf32, #tpu.memory_space<hbm>>) target(%dma_start3A_21 : memref<100x32xf32, #tpu.memory_space<vmem>>) offsets(%dma_start3A_24 : memref<100xi32, #tpu.memory_space<vmem>>) semaphore(%arg13 : memref<!tpu.dma_semaphore, #tpu.memory_space<semaphore_mem>>)
    %dma_start3A_32 = arith.constant 1 : i32
    %dma_start3A_33 = arith.constant 1 : i32
    %dma_start3A_34 = arith.constant 0 : i32
    %dma_start3A_35 = arith.constant 0 : i32
    %dma_start3A_36 = tpu.memref_slice %arg10[%dma_start3A_33, %dma_start3A_34, %dma_start3A_35] : memref<4x100x32xf32, #tpu.memory_space<vmem>> -> memref<1x100x32xf32, #tpu.memory_space<vmem>>
    %dma_start3A_37 = tpu.memref_squeeze %dma_start3A_36 : memref<1x100x32xf32, #tpu.memory_space<vmem>> -> memref<100x32xf32, #tpu.memory_space<vmem>>
    %dma_start3A_38 = arith.constant 0 : i32
    %dma_start3A_39 = tpu.memref_slice %arg7[%dma_start3A_32, %dma_start3A_38] : memref<200x100xi32, #tpu.memory_space<vmem>> -> memref<1x100xi32, #tpu.memory_space<vmem>>
    %dma_start3A_40 = tpu.memref_squeeze %dma_start3A_39 : memref<1x100xi32, #tpu.memory_space<vmem>> -> memref<100xi32, #tpu.memory_space<vmem>>
    %dma_start3A_41 = arith.constant 0 : i32
    %dma_start3A_42 = arith.constant 0 : i32
    %dma_start3A_43 = tpu.memref_slice %arg2[%arg0, %dma_start3A_41, %dma_start3A_42] : memref<2x10000x32xf32, #tpu.memory_space<hbm>> -> memref<1x10000x32xf32, #tpu.memory_space<hbm>>
    %dma_start3A_44 = tpu.memref_squeeze %dma_start3A_43 : memref<1x10000x32xf32, #tpu.memory_space<hbm>> -> memref<10000x32xf32, #tpu.memory_space<hbm>>
    %dma_start3A_45 = arith.constant 0 : i32
    %dma_start3A_46 = arith.constant 0 : i32
    %dma_start3A_47 = tpu.memref_slice %dma_start3A_44[%dma_start3A_45, %dma_start3A_46] : memref<10000x32xf32, #tpu.memory_space<hbm>> -> memref<10000x32xf32, #tpu.memory_space<hbm>>
    tpu.enqueue_indirect_dma source(%dma_start3A_47 : memref<10000x32xf32, #tpu.memory_space<hbm>>) target(%dma_start3A_37 : memref<100x32xf32, #tpu.memory_space<vmem>>) offsets(%dma_start3A_40 : memref<100xi32, #tpu.memory_space<vmem>>) semaphore(%arg14 : memref<!tpu.dma_semaphore, #tpu.memory_space<semaphore_mem>>)
    %scan3A_48 = arith.constant 0 : i32
    %scan3A_49 = arith.constant 0 : i32
    %scan3A_50 = arith.constant 50 : i32
    %scan3A_51 = arith.addi %scan3A_49, %scan3A_50 : i32
    %scan3A_52 = arith.constant 1 : i32
    scf.for %scan3A_70 = %scan3A_49 to %scan3A_51 step %scan3A_52  : i32 {
      %mul3A_71 = arith.constant 4 : i32
      %mul3A_72 = arith.muli %scan3A_70, %mul3A_71 : i32
      %add3A = arith.constant 0 : i32
      %add3A_73 = arith.addi %mul3A_72, %add3A : i32
      %dma_wait3A_74 = arith.constant 0 : i32
      %dma_wait3A_75 = arith.constant 0 : i32
      %dma_wait3A_76 = arith.constant 0 : i32
      %dma_wait3A_77 = tpu.memref_slice %arg10[%dma_wait3A_74, %dma_wait3A_75, %dma_wait3A_76] : memref<4x100x32xf32, #tpu.memory_space<vmem>> -> memref<1x100x32xf32, #tpu.memory_space<vmem>>
      %dma_wait3A_78 = tpu.memref_squeeze %dma_wait3A_77 : memref<1x100x32xf32, #tpu.memory_space<vmem>> -> memref<100x32xf32, #tpu.memory_space<vmem>>
      %dma_wait3A_79 = arith.constant 0 : i32
      %dma_wait3A_80 = tpu.memref_slice %arg7[%add3A_73, %dma_wait3A_79] : memref<200x100xi32, #tpu.memory_space<vmem>> -> memref<1x100xi32, #tpu.memory_space<vmem>>
      %dma_wait3A_81 = tpu.memref_squeeze %dma_wait3A_80 : memref<1x100xi32, #tpu.memory_space<vmem>> -> memref<100xi32, #tpu.memory_space<vmem>>
      %dma_wait3A_82 = arith.constant 0 : i32
      %dma_wait3A_83 = arith.constant 0 : i32
      %dma_wait3A_84 = tpu.memref_slice %arg2[%arg0, %dma_wait3A_82, %dma_wait3A_83] : memref<2x10000x32xf32, #tpu.memory_space<hbm>> -> memref<1x10000x32xf32, #tpu.memory_space<hbm>>
      %dma_wait3A_85 = tpu.memref_squeeze %dma_wait3A_84 : memref<1x10000x32xf32, #tpu.memory_space<hbm>> -> memref<10000x32xf32, #tpu.memory_space<hbm>>
      %dma_wait3A_86 = arith.constant 0 : i32
      %dma_wait3A_87 = arith.constant 0 : i32
      %dma_wait3A_88 = tpu.memref_slice %dma_wait3A_85[%dma_wait3A_86, %dma_wait3A_87] : memref<10000x32xf32, #tpu.memory_space<hbm>> -> memref<10000x32xf32, #tpu.memory_space<hbm>>
      tpu.wait_indirect_dma semaphore(%arg13 : memref<!tpu.dma_semaphore, #tpu.memory_space<semaphore_mem>>) src(%dma_wait3A_88 : memref<10000x32xf32, #tpu.memory_space<hbm>>) dst(%dma_wait3A_78 : memref<100x32xf32, #tpu.memory_space<vmem>>)
      %parallel_loop3A = arith.constant 0 : i32
      %parallel_loop3A_89 = arith.constant 100 : i32
      %parallel_loop3A_90 = arith.constant 1 : i32
      scf.for %parallel_loop3A_245 = %parallel_loop3A to %parallel_loop3A_89 step %parallel_loop3A_90  : i32 {
        %parallel_loop3A_246 = arith.constant 100 : i32
        %parallel_loop3A_247 = arith.muli %add3A_73, %parallel_loop3A_246 : i32
        %parallel_loop3A_248 = arith.addi %parallel_loop3A_247, %parallel_loop3A_245 : i32
        %parallel_loop3A_249 = vector.broadcast %parallel_loop3A_248 : i32 to vector<16xi32>
        %parallel_loop3A_250 = tpu.vector_load_idx %arg9[%parallel_loop3A_249] : memref<20000xf32, #tpu.memory_space<vmem>>[vector<16xi32>], vector<16xf32>,
        %parallel_loop3A_251 = arith.constant 0 : i32
        %parallel_loop3A_252 = arith.index_cast %parallel_loop3A_251 : i32 to index
        %parallel_loop3A_253 = arith.index_cast %parallel_loop3A_245 : i32 to index
        %parallel_loop3A_254 = arith.constant 0 : index
        %parallel_loop3A_255 = tpu.vector_load %arg10[%parallel_loop3A_252, %parallel_loop3A_253, %parallel_loop3A_254] {strides = array<i32>} : memref<4x100x32xf32, #tpu.memory_space<vmem>>, vector<16xf32>,
        %parallel_loop3A_256 = arith.mulf %parallel_loop3A_255, %parallel_loop3A_250 : vector<16xf32>
        %parallel_loop3A_257 = arith.constant 0 : i32
        %parallel_loop3A_258 = arith.index_cast %parallel_loop3A_257 : i32 to index
        %parallel_loop3A_259 = arith.index_cast %parallel_loop3A_245 : i32 to index
        %parallel_loop3A_260 = arith.constant 0 : index
        %parallel_loop3A_261 = tpu.vector_load %arg10[%parallel_loop3A_258, %parallel_loop3A_259, %parallel_loop3A_260] {strides = array<i32>} : memref<4x100x32xf32, #tpu.memory_space<vmem>>, vector<16xf32>,
        tpu.vector_store %arg10[%parallel_loop3A_258, %parallel_loop3A_259, %parallel_loop3A_260], %parallel_loop3A_256 {strides = array<i32>} : memref<4x100x32xf32, #tpu.memory_space<vmem>>, vector<16xf32>,
        %parallel_loop3A_262 = arith.constant 0 : i32
        %parallel_loop3A_263 = arith.index_cast %parallel_loop3A_262 : i32 to index
        %parallel_loop3A_264 = arith.index_cast %parallel_loop3A_245 : i32 to index
        %parallel_loop3A_265 = arith.constant 16 : index
        %parallel_loop3A_266 = tpu.vector_load %arg10[%parallel_loop3A_263, %parallel_loop3A_264, %parallel_loop3A_265] {strides = array<i32>} : memref<4x100x32xf32, #tpu.memory_space<vmem>>, vector<16xf32>,
        %parallel_loop3A_267 = arith.mulf %parallel_loop3A_266, %parallel_loop3A_250 : vector<16xf32>
        %parallel_loop3A_268 = arith.constant 0 : i32
        %parallel_loop3A_269 = arith.index_cast %parallel_loop3A_268 : i32 to index
        %parallel_loop3A_270 = arith.index_cast %parallel_loop3A_245 : i32 to index
        %parallel_loop3A_271 = arith.constant 16 : index
        %parallel_loop3A_272 = tpu.vector_load %arg10[%parallel_loop3A_269, %parallel_loop3A_270, %parallel_loop3A_271] {strides = array<i32>} : memref<4x100x32xf32, #tpu.memory_space<vmem>>, vector<16xf32>,
        tpu.vector_store %arg10[%parallel_loop3A_269, %parallel_loop3A_270, %parallel_loop3A_271], %parallel_loop3A_267 {strides = array<i32>} : memref<4x100x32xf32, #tpu.memory_space<vmem>>, vector<16xf32>,
      } {sc.loop_unroll_factor = 4 : i64, sc.parallel_access}
      %ge3A = arith.constant 1 : i32
      %ge3A_91 = arith.cmpi sge, %add3A_73, %ge3A : i32
      %convert_element_type3A = arith.extui %ge3A_91 : i1 to i32
      %cond3A = arith.constant 0 : i32
      %cond3A_92 = arith.cmpi ne, %convert_element_type3A, %cond3A : i32
      scf.if %cond3A_92 {
        %sub3A = arith.constant 1 : i32
        %sub3A_245 = arith.subi %add3A_73, %sub3A : i32
        %dma_wait3A_246 = arith.constant 3 : i32
        %dma_wait3A_247 = arith.constant 0 : i32
        %dma_wait3A_248 = arith.constant 0 : i32
        %dma_wait3A_249 = tpu.memref_slice %arg10[%dma_wait3A_246, %dma_wait3A_247, %dma_wait3A_248] : memref<4x100x32xf32, #tpu.memory_space<vmem>> -> memref<1x100x32xf32, #tpu.memory_space<vmem>>
        %dma_wait3A_250 = tpu.memref_squeeze %dma_wait3A_249 : memref<1x100x32xf32, #tpu.memory_space<vmem>> -> memref<100x32xf32, #tpu.memory_space<vmem>>
        %dma_wait3A_251 = arith.constant 0 : i32
        %dma_wait3A_252 = tpu.memref_slice %arg8[%sub3A_245, %dma_wait3A_251] : memref<200x100xi32, #tpu.memory_space<vmem>> -> memref<1x100xi32, #tpu.memory_space<vmem>>
        %dma_wait3A_253 = tpu.memref_squeeze %dma_wait3A_252 : memref<1x100xi32, #tpu.memory_space<vmem>> -> memref<100xi32, #tpu.memory_space<vmem>>
        %dma_wait3A_254 = arith.constant 0 : i32
        %dma_wait3A_255 = arith.constant 0 : i32
        %dma_wait3A_256 = tpu.memref_slice %arg12[%dma_wait3A_254, %dma_wait3A_255] : memref<10112x32xf32, #tpu.memory_space<vmem_shared>> -> memref<10112x32xf32, #tpu.memory_space<vmem_shared>>
        tpu.wait_indirect_dma semaphore(%arg20 : memref<!tpu.dma_semaphore, #tpu.memory_space<semaphore_mem>>) src(%dma_wait3A_250 : memref<100x32xf32, #tpu.memory_space<vmem>>) dst(%dma_wait3A_256 : memref<10112x32xf32, #tpu.memory_space<vmem_shared>>)
      } else {
      }
      %add3A_93 = arith.constant 2 : i32
      %add3A_94 = arith.addi %add3A_73, %add3A_93 : i32
      %lt3A = arith.constant 200 : i32
      %lt3A_95 = arith.cmpi slt, %add3A_94, %lt3A : i32
      %convert_element_type3A_96 = arith.extui %lt3A_95 : i1 to i32
      %cond3A_97 = arith.constant 0 : i32
      %cond3A_98 = arith.cmpi ne, %convert_element_type3A_96, %cond3A_97 : i32
      scf.if %cond3A_98 {
        %add3A_245 = arith.constant 2 : i32
        %add3A_246 = arith.addi %add3A_73, %add3A_245 : i32
        %dma_start3A_247 = arith.constant 2 : i32
        %dma_start3A_248 = arith.constant 0 : i32
        %dma_start3A_249 = arith.constant 0 : i32
        %dma_start3A_250 = tpu.memref_slice %arg10[%dma_start3A_247, %dma_start3A_248, %dma_start3A_249] : memref<4x100x32xf32, #tpu.memory_space<vmem>> -> memref<1x100x32xf32, #tpu.memory_space<vmem>>
        %dma_start3A_251 = tpu.memref_squeeze %dma_start3A_250 : memref<1x100x32xf32, #tpu.memory_space<vmem>> -> memref<100x32xf32, #tpu.memory_space<vmem>>
        %dma_start3A_252 = arith.constant 0 : i32
        %dma_start3A_253 = tpu.memref_slice %arg7[%add3A_246, %dma_start3A_252] : memref<200x100xi32, #tpu.memory_space<vmem>> -> memref<1x100xi32, #tpu.memory_space<vmem>>
        %dma_start3A_254 = tpu.memref_squeeze %dma_start3A_253 : memref<1x100xi32, #tpu.memory_space<vmem>> -> memref<100xi32, #tpu.memory_space<vmem>>
        %dma_start3A_255 = arith.constant 0 : i32
        %dma_start3A_256 = arith.constant 0 : i32
        %dma_start3A_257 = tpu.memref_slice %arg2[%arg0, %dma_start3A_255, %dma_start3A_256] : memref<2x10000x32xf32, #tpu.memory_space<hbm>> -> memref<1x10000x32xf32, #tpu.memory_space<hbm>>
        %dma_start3A_258 = tpu.memref_squeeze %dma_start3A_257 : memref<1x10000x32xf32, #tpu.memory_space<hbm>> -> memref<10000x32xf32, #tpu.memory_space<hbm>>
        %dma_start3A_259 = arith.constant 0 : i32
        %dma_start3A_260 = arith.constant 0 : i32
        %dma_start3A_261 = tpu.memref_slice %dma_start3A_258[%dma_start3A_259, %dma_start3A_260] : memref<10000x32xf32, #tpu.memory_space<hbm>> -> memref<10000x32xf32, #tpu.memory_space<hbm>>
        tpu.enqueue_indirect_dma source(%dma_start3A_261 : memref<10000x32xf32, #tpu.memory_space<hbm>>) target(%dma_start3A_251 : memref<100x32xf32, #tpu.memory_space<vmem>>) offsets(%dma_start3A_254 : memref<100xi32, #tpu.memory_space<vmem>>) semaphore(%arg15 : memref<!tpu.dma_semaphore, #tpu.memory_space<semaphore_mem>>)
      } else {
      }
      %dma_start3A_99 = arith.constant 0 : i32
      %dma_start3A_100 = arith.constant 0 : i32
      %dma_start3A_101 = arith.constant 0 : i32
      %dma_start3A_102 = tpu.memref_slice %arg10[%dma_start3A_99, %dma_start3A_100, %dma_start3A_101] : memref<4x100x32xf32, #tpu.memory_space<vmem>> -> memref<1x100x32xf32, #tpu.memory_space<vmem>>
      %dma_start3A_103 = tpu.memref_squeeze %dma_start3A_102 : memref<1x100x32xf32, #tpu.memory_space<vmem>> -> memref<100x32xf32, #tpu.memory_space<vmem>>
      %dma_start3A_104 = arith.constant 0 : i32
      %dma_start3A_105 = tpu.memref_slice %arg8[%add3A_73, %dma_start3A_104] : memref<200x100xi32, #tpu.memory_space<vmem>> -> memref<1x100xi32, #tpu.memory_space<vmem>>
      %dma_start3A_106 = tpu.memref_squeeze %dma_start3A_105 : memref<1x100xi32, #tpu.memory_space<vmem>> -> memref<100xi32, #tpu.memory_space<vmem>>
      %dma_start3A_107 = arith.constant 0 : i32
      %dma_start3A_108 = arith.constant 0 : i32
      %dma_start3A_109 = tpu.memref_slice %arg12[%dma_start3A_107, %dma_start3A_108] : memref<10112x32xf32, #tpu.memory_space<vmem_shared>> -> memref<10112x32xf32, #tpu.memory_space<vmem_shared>>
      tpu.enqueue_indirect_dma source(%dma_start3A_103 : memref<100x32xf32, #tpu.memory_space<vmem>>) target(%dma_start3A_109 : memref<10112x32xf32, #tpu.memory_space<vmem_shared>>) offsets(%dma_start3A_106 : memref<100xi32, #tpu.memory_space<vmem>>) semaphore(%arg17 : memref<!tpu.dma_semaphore, #tpu.memory_space<semaphore_mem>>) {add = true}
      %mul3A_110 = arith.constant 4 : i32
      %mul3A_111 = arith.muli %scan3A_70, %mul3A_110 : i32
      %add3A_112 = arith.constant 1 : i32
      %add3A_113 = arith.addi %mul3A_111, %add3A_112 : i32
      %dma_wait3A_114 = arith.constant 1 : i32
      %dma_wait3A_115 = arith.constant 0 : i32
      %dma_wait3A_116 = arith.constant 0 : i32
      %dma_wait3A_117 = tpu.memref_slice %arg10[%dma_wait3A_114, %dma_wait3A_115, %dma_wait3A_116] : memref<4x100x32xf32, #tpu.memory_space<vmem>> -> memref<1x100x32xf32, #tpu.memory_space<vmem>>
      %dma_wait3A_118 = tpu.memref_squeeze %dma_wait3A_117 : memref<1x100x32xf32, #tpu.memory_space<vmem>> -> memref<100x32xf32, #tpu.memory_space<vmem>>
      %dma_wait3A_119 = arith.constant 0 : i32
      %dma_wait3A_120 = tpu.memref_slice %arg7[%add3A_113, %dma_wait3A_119] : memref<200x100xi32, #tpu.memory_space<vmem>> -> memref<1x100xi32, #tpu.memory_space<vmem>>
      %dma_wait3A_121 = tpu.memref_squeeze %dma_wait3A_120 : memref<1x100xi32, #tpu.memory_space<vmem>> -> memref<100xi32, #tpu.memory_space<vmem>>
      %dma_wait3A_122 = arith.constant 0 : i32
      %dma_wait3A_123 = arith.constant 0 : i32
      %dma_wait3A_124 = tpu.memref_slice %arg2[%arg0, %dma_wait3A_122, %dma_wait3A_123] : memref<2x10000x32xf32, #tpu.memory_space<hbm>> -> memref<1x10000x32xf32, #tpu.memory_space<hbm>>
      %dma_wait3A_125 = tpu.memref_squeeze %dma_wait3A_124 : memref<1x10000x32xf32, #tpu.memory_space<hbm>> -> memref<10000x32xf32, #tpu.memory_space<hbm>>
      %dma_wait3A_126 = arith.constant 0 : i32
      %dma_wait3A_127 = arith.constant 0 : i32
      %dma_wait3A_128 = tpu.memref_slice %dma_wait3A_125[%dma_wait3A_126, %dma_wait3A_127] : memref<10000x32xf32, #tpu.memory_space<hbm>> -> memref<10000x32xf32, #tpu.memory_space<hbm>>
      tpu.wait_indirect_dma semaphore(%arg14 : memref<!tpu.dma_semaphore, #tpu.memory_space<semaphore_mem>>) src(%dma_wait3A_128 : memref<10000x32xf32, #tpu.memory_space<hbm>>) dst(%dma_wait3A_118 : memref<100x32xf32, #tpu.memory_space<vmem>>)
      %parallel_loop3A_129 = arith.constant 0 : i32
      %parallel_loop3A_130 = arith.constant 100 : i32
      %parallel_loop3A_131 = arith.constant 1 : i32
      scf.for %parallel_loop3A_245 = %parallel_loop3A_129 to %parallel_loop3A_130 step %parallel_loop3A_131  : i32 {
        %parallel_loop3A_246 = arith.constant 100 : i32
        %parallel_loop3A_247 = arith.muli %add3A_113, %parallel_loop3A_246 : i32
        %parallel_loop3A_248 = arith.addi %parallel_loop3A_247, %parallel_loop3A_245 : i32
        %parallel_loop3A_249 = vector.broadcast %parallel_loop3A_248 : i32 to vector<16xi32>
        %parallel_loop3A_250 = tpu.vector_load_idx %arg9[%parallel_loop3A_249] : memref<20000xf32, #tpu.memory_space<vmem>>[vector<16xi32>], vector<16xf32>,
        %parallel_loop3A_251 = arith.constant 1 : i32
        %parallel_loop3A_252 = arith.index_cast %parallel_loop3A_251 : i32 to index
        %parallel_loop3A_253 = arith.index_cast %parallel_loop3A_245 : i32 to index
        %parallel_loop3A_254 = arith.constant 0 : index
        %parallel_loop3A_255 = tpu.vector_load %arg10[%parallel_loop3A_252, %parallel_loop3A_253, %parallel_loop3A_254] {strides = array<i32>} : memref<4x100x32xf32, #tpu.memory_space<vmem>>, vector<16xf32>,
        %parallel_loop3A_256 = arith.mulf %parallel_loop3A_255, %parallel_loop3A_250 : vector<16xf32>
        %parallel_loop3A_257 = arith.constant 1 : i32
        %parallel_loop3A_258 = arith.index_cast %parallel_loop3A_257 : i32 to index
        %parallel_loop3A_259 = arith.index_cast %parallel_loop3A_245 : i32 to index
        %parallel_loop3A_260 = arith.constant 0 : index
        %parallel_loop3A_261 = tpu.vector_load %arg10[%parallel_loop3A_258, %parallel_loop3A_259, %parallel_loop3A_260] {strides = array<i32>} : memref<4x100x32xf32, #tpu.memory_space<vmem>>, vector<16xf32>,
        tpu.vector_store %arg10[%parallel_loop3A_258, %parallel_loop3A_259, %parallel_loop3A_260], %parallel_loop3A_256 {strides = array<i32>} : memref<4x100x32xf32, #tpu.memory_space<vmem>>, vector<16xf32>,
        %parallel_loop3A_262 = arith.constant 1 : i32
        %parallel_loop3A_263 = arith.index_cast %parallel_loop3A_262 : i32 to index
        %parallel_loop3A_264 = arith.index_cast %parallel_loop3A_245 : i32 to index
        %parallel_loop3A_265 = arith.constant 16 : index
        %parallel_loop3A_266 = tpu.vector_load %arg10[%parallel_loop3A_263, %parallel_loop3A_264, %parallel_loop3A_265] {strides = array<i32>} : memref<4x100x32xf32, #tpu.memory_space<vmem>>, vector<16xf32>,
        %parallel_loop3A_267 = arith.mulf %parallel_loop3A_266, %parallel_loop3A_250 : vector<16xf32>
        %parallel_loop3A_268 = arith.constant 1 : i32
        %parallel_loop3A_269 = arith.index_cast %parallel_loop3A_268 : i32 to index
        %parallel_loop3A_270 = arith.index_cast %parallel_loop3A_245 : i32 to index
        %parallel_loop3A_271 = arith.constant 16 : index
        %parallel_loop3A_272 = tpu.vector_load %arg10[%parallel_loop3A_269, %parallel_loop3A_270, %parallel_loop3A_271] {strides = array<i32>} : memref<4x100x32xf32, #tpu.memory_space<vmem>>, vector<16xf32>,
        tpu.vector_store %arg10[%parallel_loop3A_269, %parallel_loop3A_270, %parallel_loop3A_271], %parallel_loop3A_267 {strides = array<i32>} : memref<4x100x32xf32, #tpu.memory_space<vmem>>, vector<16xf32>,
      } {sc.loop_unroll_factor = 4 : i64, sc.parallel_access}
      %ge3A_132 = arith.constant 1 : i32
      %ge3A_133 = arith.cmpi sge, %add3A_113, %ge3A_132 : i32
      %convert_element_type3A_134 = arith.extui %ge3A_133 : i1 to i32
      %cond3A_135 = arith.constant 0 : i32
      %cond3A_136 = arith.cmpi ne, %convert_element_type3A_134, %cond3A_135 : i32
      scf.if %cond3A_136 {
        %sub3A = arith.constant 1 : i32
        %sub3A_245 = arith.subi %add3A_113, %sub3A : i32
        %dma_wait3A_246 = arith.constant 0 : i32
        %dma_wait3A_247 = arith.constant 0 : i32
        %dma_wait3A_248 = arith.constant 0 : i32
        %dma_wait3A_249 = tpu.memref_slice %arg10[%dma_wait3A_246, %dma_wait3A_247, %dma_wait3A_248] : memref<4x100x32xf32, #tpu.memory_space<vmem>> -> memref<1x100x32xf32, #tpu.memory_space<vmem>>
        %dma_wait3A_250 = tpu.memref_squeeze %dma_wait3A_249 : memref<1x100x32xf32, #tpu.memory_space<vmem>> -> memref<100x32xf32, #tpu.memory_space<vmem>>
        %dma_wait3A_251 = arith.constant 0 : i32
        %dma_wait3A_252 = tpu.memref_slice %arg8[%sub3A_245, %dma_wait3A_251] : memref<200x100xi32, #tpu.memory_space<vmem>> -> memref<1x100xi32, #tpu.memory_space<vmem>>
        %dma_wait3A_253 = tpu.memref_squeeze %dma_wait3A_252 : memref<1x100xi32, #tpu.memory_space<vmem>> -> memref<100xi32, #tpu.memory_space<vmem>>
        %dma_wait3A_254 = arith.constant 0 : i32
        %dma_wait3A_255 = arith.constant 0 : i32
        %dma_wait3A_256 = tpu.memref_slice %arg12[%dma_wait3A_254, %dma_wait3A_255] : memref<10112x32xf32, #tpu.memory_space<vmem_shared>> -> memref<10112x32xf32, #tpu.memory_space<vmem_shared>>
        tpu.wait_indirect_dma semaphore(%arg17 : memref<!tpu.dma_semaphore, #tpu.memory_space<semaphore_mem>>) src(%dma_wait3A_250 : memref<100x32xf32, #tpu.memory_space<vmem>>) dst(%dma_wait3A_256 : memref<10112x32xf32, #tpu.memory_space<vmem_shared>>)
      } else {
      }
      %add3A_137 = arith.constant 2 : i32
      %add3A_138 = arith.addi %add3A_113, %add3A_137 : i32
      %lt3A_139 = arith.constant 200 : i32
      %lt3A_140 = arith.cmpi slt, %add3A_138, %lt3A_139 : i32
      %convert_element_type3A_141 = arith.extui %lt3A_140 : i1 to i32
      %cond3A_142 = arith.constant 0 : i32
      %cond3A_143 = arith.cmpi ne, %convert_element_type3A_141, %cond3A_142 : i32
      scf.if %cond3A_143 {
        %add3A_245 = arith.constant 2 : i32
        %add3A_246 = arith.addi %add3A_113, %add3A_245 : i32
        %dma_start3A_247 = arith.constant 3 : i32
        %dma_start3A_248 = arith.constant 0 : i32
        %dma_start3A_249 = arith.constant 0 : i32
        %dma_start3A_250 = tpu.memref_slice %arg10[%dma_start3A_247, %dma_start3A_248, %dma_start3A_249] : memref<4x100x32xf32, #tpu.memory_space<vmem>> -> memref<1x100x32xf32, #tpu.memory_space<vmem>>
        %dma_start3A_251 = tpu.memref_squeeze %dma_start3A_250 : memref<1x100x32xf32, #tpu.memory_space<vmem>> -> memref<100x32xf32, #tpu.memory_space<vmem>>
        %dma_start3A_252 = arith.constant 0 : i32
        %dma_start3A_253 = tpu.memref_slice %arg7[%add3A_246, %dma_start3A_252] : memref<200x100xi32, #tpu.memory_space<vmem>> -> memref<1x100xi32, #tpu.memory_space<vmem>>
        %dma_start3A_254 = tpu.memref_squeeze %dma_start3A_253 : memref<1x100xi32, #tpu.memory_space<vmem>> -> memref<100xi32, #tpu.memory_space<vmem>>
        %dma_start3A_255 = arith.constant 0 : i32
        %dma_start3A_256 = arith.constant 0 : i32
        %dma_start3A_257 = tpu.memref_slice %arg2[%arg0, %dma_start3A_255, %dma_start3A_256] : memref<2x10000x32xf32, #tpu.memory_space<hbm>> -> memref<1x10000x32xf32, #tpu.memory_space<hbm>>
        %dma_start3A_258 = tpu.memref_squeeze %dma_start3A_257 : memref<1x10000x32xf32, #tpu.memory_space<hbm>> -> memref<10000x32xf32, #tpu.memory_space<hbm>>
        %dma_start3A_259 = arith.constant 0 : i32
        %dma_start3A_260 = arith.constant 0 : i32
        %dma_start3A_261 = tpu.memref_slice %dma_start3A_258[%dma_start3A_259, %dma_start3A_260] : memref<10000x32xf32, #tpu.memory_space<hbm>> -> memref<10000x32xf32, #tpu.memory_space<hbm>>
        tpu.enqueue_indirect_dma source(%dma_start3A_261 : memref<10000x32xf32, #tpu.memory_space<hbm>>) target(%dma_start3A_251 : memref<100x32xf32, #tpu.memory_space<vmem>>) offsets(%dma_start3A_254 : memref<100xi32, #tpu.memory_space<vmem>>) semaphore(%arg16 : memref<!tpu.dma_semaphore, #tpu.memory_space<semaphore_mem>>)
      } else {
      }
      %dma_start3A_144 = arith.constant 1 : i32
      %dma_start3A_145 = arith.constant 0 : i32
      %dma_start3A_146 = arith.constant 0 : i32
      %dma_start3A_147 = tpu.memref_slice %arg10[%dma_start3A_144, %dma_start3A_145, %dma_start3A_146] : memref<4x100x32xf32, #tpu.memory_space<vmem>> -> memref<1x100x32xf32, #tpu.memory_space<vmem>>
      %dma_start3A_148 = tpu.memref_squeeze %dma_start3A_147 : memref<1x100x32xf32, #tpu.memory_space<vmem>> -> memref<100x32xf32, #tpu.memory_space<vmem>>
      %dma_start3A_149 = arith.constant 0 : i32
      %dma_start3A_150 = tpu.memref_slice %arg8[%add3A_113, %dma_start3A_149] : memref<200x100xi32, #tpu.memory_space<vmem>> -> memref<1x100xi32, #tpu.memory_space<vmem>>
      %dma_start3A_151 = tpu.memref_squeeze %dma_start3A_150 : memref<1x100xi32, #tpu.memory_space<vmem>> -> memref<100xi32, #tpu.memory_space<vmem>>
      %dma_start3A_152 = arith.constant 0 : i32
      %dma_start3A_153 = arith.constant 0 : i32
      %dma_start3A_154 = tpu.memref_slice %arg12[%dma_start3A_152, %dma_start3A_153] : memref<10112x32xf32, #tpu.memory_space<vmem_shared>> -> memref<10112x32xf32, #tpu.memory_space<vmem_shared>>
      tpu.enqueue_indirect_dma source(%dma_start3A_148 : memref<100x32xf32, #tpu.memory_space<vmem>>) target(%dma_start3A_154 : memref<10112x32xf32, #tpu.memory_space<vmem_shared>>) offsets(%dma_start3A_151 : memref<100xi32, #tpu.memory_space<vmem>>) semaphore(%arg18 : memref<!tpu.dma_semaphore, #tpu.memory_space<semaphore_mem>>) {add = true}
      %mul3A_155 = arith.constant 4 : i32
      %mul3A_156 = arith.muli %scan3A_70, %mul3A_155 : i32
      %add3A_157 = arith.constant 2 : i32
      %add3A_158 = arith.addi %mul3A_156, %add3A_157 : i32
      %dma_wait3A_159 = arith.constant 2 : i32
      %dma_wait3A_160 = arith.constant 0 : i32
      %dma_wait3A_161 = arith.constant 0 : i32
      %dma_wait3A_162 = tpu.memref_slice %arg10[%dma_wait3A_159, %dma_wait3A_160, %dma_wait3A_161] : memref<4x100x32xf32, #tpu.memory_space<vmem>> -> memref<1x100x32xf32, #tpu.memory_space<vmem>>
      %dma_wait3A_163 = tpu.memref_squeeze %dma_wait3A_162 : memref<1x100x32xf32, #tpu.memory_space<vmem>> -> memref<100x32xf32, #tpu.memory_space<vmem>>
      %dma_wait3A_164 = arith.constant 0 : i32
      %dma_wait3A_165 = tpu.memref_slice %arg7[%add3A_158, %dma_wait3A_164] : memref<200x100xi32, #tpu.memory_space<vmem>> -> memref<1x100xi32, #tpu.memory_space<vmem>>
      %dma_wait3A_166 = tpu.memref_squeeze %dma_wait3A_165 : memref<1x100xi32, #tpu.memory_space<vmem>> -> memref<100xi32, #tpu.memory_space<vmem>>
      %dma_wait3A_167 = arith.constant 0 : i32
      %dma_wait3A_168 = arith.constant 0 : i32
      %dma_wait3A_169 = tpu.memref_slice %arg2[%arg0, %dma_wait3A_167, %dma_wait3A_168] : memref<2x10000x32xf32, #tpu.memory_space<hbm>> -> memref<1x10000x32xf32, #tpu.memory_space<hbm>>
      %dma_wait3A_170 = tpu.memref_squeeze %dma_wait3A_169 : memref<1x10000x32xf32, #tpu.memory_space<hbm>> -> memref<10000x32xf32, #tpu.memory_space<hbm>>
      %dma_wait3A_171 = arith.constant 0 : i32
      %dma_wait3A_172 = arith.constant 0 : i32
      %dma_wait3A_173 = tpu.memref_slice %dma_wait3A_170[%dma_wait3A_171, %dma_wait3A_172] : memref<10000x32xf32, #tpu.memory_space<hbm>> -> memref<10000x32xf32, #tpu.memory_space<hbm>>
      tpu.wait_indirect_dma semaphore(%arg15 : memref<!tpu.dma_semaphore, #tpu.memory_space<semaphore_mem>>) src(%dma_wait3A_173 : memref<10000x32xf32, #tpu.memory_space<hbm>>) dst(%dma_wait3A_163 : memref<100x32xf32, #tpu.memory_space<vmem>>)
      %parallel_loop3A_174 = arith.constant 0 : i32
      %parallel_loop3A_175 = arith.constant 100 : i32
      %parallel_loop3A_176 = arith.constant 1 : i32
      scf.for %parallel_loop3A_245 = %parallel_loop3A_174 to %parallel_loop3A_175 step %parallel_loop3A_176  : i32 {
        %parallel_loop3A_246 = arith.constant 100 : i32
        %parallel_loop3A_247 = arith.muli %add3A_158, %parallel_loop3A_246 : i32
        %parallel_loop3A_248 = arith.addi %parallel_loop3A_247, %parallel_loop3A_245 : i32
        %parallel_loop3A_249 = vector.broadcast %parallel_loop3A_248 : i32 to vector<16xi32>
        %parallel_loop3A_250 = tpu.vector_load_idx %arg9[%parallel_loop3A_249] : memref<20000xf32, #tpu.memory_space<vmem>>[vector<16xi32>], vector<16xf32>,
        %parallel_loop3A_251 = arith.constant 2 : i32
        %parallel_loop3A_252 = arith.index_cast %parallel_loop3A_251 : i32 to index
        %parallel_loop3A_253 = arith.index_cast %parallel_loop3A_245 : i32 to index
        %parallel_loop3A_254 = arith.constant 0 : index
        %parallel_loop3A_255 = tpu.vector_load %arg10[%parallel_loop3A_252, %parallel_loop3A_253, %parallel_loop3A_254] {strides = array<i32>} : memref<4x100x32xf32, #tpu.memory_space<vmem>>, vector<16xf32>,
        %parallel_loop3A_256 = arith.mulf %parallel_loop3A_255, %parallel_loop3A_250 : vector<16xf32>
        %parallel_loop3A_257 = arith.constant 2 : i32
        %parallel_loop3A_258 = arith.index_cast %parallel_loop3A_257 : i32 to index
        %parallel_loop3A_259 = arith.index_cast %parallel_loop3A_245 : i32 to index
        %parallel_loop3A_260 = arith.constant 0 : index
        %parallel_loop3A_261 = tpu.vector_load %arg10[%parallel_loop3A_258, %parallel_loop3A_259, %parallel_loop3A_260] {strides = array<i32>} : memref<4x100x32xf32, #tpu.memory_space<vmem>>, vector<16xf32>,
        tpu.vector_store %arg10[%parallel_loop3A_258, %parallel_loop3A_259, %parallel_loop3A_260], %parallel_loop3A_256 {strides = array<i32>} : memref<4x100x32xf32, #tpu.memory_space<vmem>>, vector<16xf32>,
        %parallel_loop3A_262 = arith.constant 2 : i32
        %parallel_loop3A_263 = arith.index_cast %parallel_loop3A_262 : i32 to index
        %parallel_loop3A_264 = arith.index_cast %parallel_loop3A_245 : i32 to index
        %parallel_loop3A_265 = arith.constant 16 : index
        %parallel_loop3A_266 = tpu.vector_load %arg10[%parallel_loop3A_263, %parallel_loop3A_264, %parallel_loop3A_265] {strides = array<i32>} : memref<4x100x32xf32, #tpu.memory_space<vmem>>, vector<16xf32>,
        %parallel_loop3A_267 = arith.mulf %parallel_loop3A_266, %parallel_loop3A_250 : vector<16xf32>
        %parallel_loop3A_268 = arith.constant 2 : i32
        %parallel_loop3A_269 = arith.index_cast %parallel_loop3A_268 : i32 to index
        %parallel_loop3A_270 = arith.index_cast %parallel_loop3A_245 : i32 to index
        %parallel_loop3A_271 = arith.constant 16 : index
        %parallel_loop3A_272 = tpu.vector_load %arg10[%parallel_loop3A_269, %parallel_loop3A_270, %parallel_loop3A_271] {strides = array<i32>} : memref<4x100x32xf32, #tpu.memory_space<vmem>>, vector<16xf32>,
        tpu.vector_store %arg10[%parallel_loop3A_269, %parallel_loop3A_270, %parallel_loop3A_271], %parallel_loop3A_267 {strides = array<i32>} : memref<4x100x32xf32, #tpu.memory_space<vmem>>, vector<16xf32>,
      } {sc.loop_unroll_factor = 4 : i64, sc.parallel_access}
      %ge3A_177 = arith.constant 1 : i32
      %ge3A_178 = arith.cmpi sge, %add3A_158, %ge3A_177 : i32
      %convert_element_type3A_179 = arith.extui %ge3A_178 : i1 to i32
      %cond3A_180 = arith.constant 0 : i32
      %cond3A_181 = arith.cmpi ne, %convert_element_type3A_179, %cond3A_180 : i32
      scf.if %cond3A_181 {
        %sub3A = arith.constant 1 : i32
        %sub3A_245 = arith.subi %add3A_158, %sub3A : i32
        %dma_wait3A_246 = arith.constant 1 : i32
        %dma_wait3A_247 = arith.constant 0 : i32
        %dma_wait3A_248 = arith.constant 0 : i32
        %dma_wait3A_249 = tpu.memref_slice %arg10[%dma_wait3A_246, %dma_wait3A_247, %dma_wait3A_248] : memref<4x100x32xf32, #tpu.memory_space<vmem>> -> memref<1x100x32xf32, #tpu.memory_space<vmem>>
        %dma_wait3A_250 = tpu.memref_squeeze %dma_wait3A_249 : memref<1x100x32xf32, #tpu.memory_space<vmem>> -> memref<100x32xf32, #tpu.memory_space<vmem>>
        %dma_wait3A_251 = arith.constant 0 : i32
        %dma_wait3A_252 = tpu.memref_slice %arg8[%sub3A_245, %dma_wait3A_251] : memref<200x100xi32, #tpu.memory_space<vmem>> -> memref<1x100xi32, #tpu.memory_space<vmem>>
        %dma_wait3A_253 = tpu.memref_squeeze %dma_wait3A_252 : memref<1x100xi32, #tpu.memory_space<vmem>> -> memref<100xi32, #tpu.memory_space<vmem>>
        %dma_wait3A_254 = arith.constant 0 : i32
        %dma_wait3A_255 = arith.constant 0 : i32
        %dma_wait3A_256 = tpu.memref_slice %arg12[%dma_wait3A_254, %dma_wait3A_255] : memref<10112x32xf32, #tpu.memory_space<vmem_shared>> -> memref<10112x32xf32, #tpu.memory_space<vmem_shared>>
        tpu.wait_indirect_dma semaphore(%arg18 : memref<!tpu.dma_semaphore, #tpu.memory_space<semaphore_mem>>) src(%dma_wait3A_250 : memref<100x32xf32, #tpu.memory_space<vmem>>) dst(%dma_wait3A_256 : memref<10112x32xf32, #tpu.memory_space<vmem_shared>>)
      } else {
      }
      %add3A_182 = arith.constant 2 : i32
      %add3A_183 = arith.addi %add3A_158, %add3A_182 : i32
      %lt3A_184 = arith.constant 200 : i32
      %lt3A_185 = arith.cmpi slt, %add3A_183, %lt3A_184 : i32
      %convert_element_type3A_186 = arith.extui %lt3A_185 : i1 to i32
      %cond3A_187 = arith.constant 0 : i32
      %cond3A_188 = arith.cmpi ne, %convert_element_type3A_186, %cond3A_187 : i32
      scf.if %cond3A_188 {
        %add3A_245 = arith.constant 2 : i32
        %add3A_246 = arith.addi %add3A_158, %add3A_245 : i32
        %dma_start3A_247 = arith.constant 0 : i32
        %dma_start3A_248 = arith.constant 0 : i32
        %dma_start3A_249 = arith.constant 0 : i32
        %dma_start3A_250 = tpu.memref_slice %arg10[%dma_start3A_247, %dma_start3A_248, %dma_start3A_249] : memref<4x100x32xf32, #tpu.memory_space<vmem>> -> memref<1x100x32xf32, #tpu.memory_space<vmem>>
        %dma_start3A_251 = tpu.memref_squeeze %dma_start3A_250 : memref<1x100x32xf32, #tpu.memory_space<vmem>> -> memref<100x32xf32, #tpu.memory_space<vmem>>
        %dma_start3A_252 = arith.constant 0 : i32
        %dma_start3A_253 = tpu.memref_slice %arg7[%add3A_246, %dma_start3A_252] : memref<200x100xi32, #tpu.memory_space<vmem>> -> memref<1x100xi32, #tpu.memory_space<vmem>>
        %dma_start3A_254 = tpu.memref_squeeze %dma_start3A_253 : memref<1x100xi32, #tpu.memory_space<vmem>> -> memref<100xi32, #tpu.memory_space<vmem>>
        %dma_start3A_255 = arith.constant 0 : i32
        %dma_start3A_256 = arith.constant 0 : i32
        %dma_start3A_257 = tpu.memref_slice %arg2[%arg0, %dma_start3A_255, %dma_start3A_256] : memref<2x10000x32xf32, #tpu.memory_space<hbm>> -> memref<1x10000x32xf32, #tpu.memory_space<hbm>>
        %dma_start3A_258 = tpu.memref_squeeze %dma_start3A_257 : memref<1x10000x32xf32, #tpu.memory_space<hbm>> -> memref<10000x32xf32, #tpu.memory_space<hbm>>
        %dma_start3A_259 = arith.constant 0 : i32
        %dma_start3A_260 = arith.constant 0 : i32
        %dma_start3A_261 = tpu.memref_slice %dma_start3A_258[%dma_start3A_259, %dma_start3A_260] : memref<10000x32xf32, #tpu.memory_space<hbm>> -> memref<10000x32xf32, #tpu.memory_space<hbm>>
        tpu.enqueue_indirect_dma source(%dma_start3A_261 : memref<10000x32xf32, #tpu.memory_space<hbm>>) target(%dma_start3A_251 : memref<100x32xf32, #tpu.memory_space<vmem>>) offsets(%dma_start3A_254 : memref<100xi32, #tpu.memory_space<vmem>>) semaphore(%arg13 : memref<!tpu.dma_semaphore, #tpu.memory_space<semaphore_mem>>)
      } else {
      }
      %dma_start3A_189 = arith.constant 2 : i32
      %dma_start3A_190 = arith.constant 0 : i32
      %dma_start3A_191 = arith.constant 0 : i32
      %dma_start3A_192 = tpu.memref_slice %arg10[%dma_start3A_189, %dma_start3A_190, %dma_start3A_191] : memref<4x100x32xf32, #tpu.memory_space<vmem>> -> memref<1x100x32xf32, #tpu.memory_space<vmem>>
      %dma_start3A_193 = tpu.memref_squeeze %dma_start3A_192 : memref<1x100x32xf32, #tpu.memory_space<vmem>> -> memref<100x32xf32, #tpu.memory_space<vmem>>
      %dma_start3A_194 = arith.constant 0 : i32
      %dma_start3A_195 = tpu.memref_slice %arg8[%add3A_158, %dma_start3A_194] : memref<200x100xi32, #tpu.memory_space<vmem>> -> memref<1x100xi32, #tpu.memory_space<vmem>>
      %dma_start3A_196 = tpu.memref_squeeze %dma_start3A_195 : memref<1x100xi32, #tpu.memory_space<vmem>> -> memref<100xi32, #tpu.memory_space<vmem>>
      %dma_start3A_197 = arith.constant 0 : i32
      %dma_start3A_198 = arith.constant 0 : i32
      %dma_start3A_199 = tpu.memref_slice %arg12[%dma_start3A_197, %dma_start3A_198] : memref<10112x32xf32, #tpu.memory_space<vmem_shared>> -> memref<10112x32xf32, #tpu.memory_space<vmem_shared>>
      tpu.enqueue_indirect_dma source(%dma_start3A_193 : memref<100x32xf32, #tpu.memory_space<vmem>>) target(%dma_start3A_199 : memref<10112x32xf32, #tpu.memory_space<vmem_shared>>) offsets(%dma_start3A_196 : memref<100xi32, #tpu.memory_space<vmem>>) semaphore(%arg19 : memref<!tpu.dma_semaphore, #tpu.memory_space<semaphore_mem>>) {add = true}
      %mul3A_200 = arith.constant 4 : i32
      %mul3A_201 = arith.muli %scan3A_70, %mul3A_200 : i32
      %add3A_202 = arith.constant 3 : i32
      %add3A_203 = arith.addi %mul3A_201, %add3A_202 : i32
      %dma_wait3A_204 = arith.constant 3 : i32
      %dma_wait3A_205 = arith.constant 0 : i32
      %dma_wait3A_206 = arith.constant 0 : i32
      %dma_wait3A_207 = tpu.memref_slice %arg10[%dma_wait3A_204, %dma_wait3A_205, %dma_wait3A_206] : memref<4x100x32xf32, #tpu.memory_space<vmem>> -> memref<1x100x32xf32, #tpu.memory_space<vmem>>
      %dma_wait3A_208 = tpu.memref_squeeze %dma_wait3A_207 : memref<1x100x32xf32, #tpu.memory_space<vmem>> -> memref<100x32xf32, #tpu.memory_space<vmem>>
      %dma_wait3A_209 = arith.constant 0 : i32
      %dma_wait3A_210 = tpu.memref_slice %arg7[%add3A_203, %dma_wait3A_209] : memref<200x100xi32, #tpu.memory_space<vmem>> -> memref<1x100xi32, #tpu.memory_space<vmem>>
      %dma_wait3A_211 = tpu.memref_squeeze %dma_wait3A_210 : memref<1x100xi32, #tpu.memory_space<vmem>> -> memref<100xi32, #tpu.memory_space<vmem>>
      %dma_wait3A_212 = arith.constant 0 : i32
      %dma_wait3A_213 = arith.constant 0 : i32
      %dma_wait3A_214 = tpu.memref_slice %arg2[%arg0, %dma_wait3A_212, %dma_wait3A_213] : memref<2x10000x32xf32, #tpu.memory_space<hbm>> -> memref<1x10000x32xf32, #tpu.memory_space<hbm>>
      %dma_wait3A_215 = tpu.memref_squeeze %dma_wait3A_214 : memref<1x10000x32xf32, #tpu.memory_space<hbm>> -> memref<10000x32xf32, #tpu.memory_space<hbm>>
      %dma_wait3A_216 = arith.constant 0 : i32
      %dma_wait3A_217 = arith.constant 0 : i32
      %dma_wait3A_218 = tpu.memref_slice %dma_wait3A_215[%dma_wait3A_216, %dma_wait3A_217] : memref<10000x32xf32, #tpu.memory_space<hbm>> -> memref<10000x32xf32, #tpu.memory_space<hbm>>
      tpu.wait_indirect_dma semaphore(%arg16 : memref<!tpu.dma_semaphore, #tpu.memory_space<semaphore_mem>>) src(%dma_wait3A_218 : memref<10000x32xf32, #tpu.memory_space<hbm>>) dst(%dma_wait3A_208 : memref<100x32xf32, #tpu.memory_space<vmem>>)
      %parallel_loop3A_219 = arith.constant 0 : i32
      %parallel_loop3A_220 = arith.constant 100 : i32
      %parallel_loop3A_221 = arith.constant 1 : i32
      scf.for %parallel_loop3A_245 = %parallel_loop3A_219 to %parallel_loop3A_220 step %parallel_loop3A_221  : i32 {
        %parallel_loop3A_246 = arith.constant 100 : i32
        %parallel_loop3A_247 = arith.muli %add3A_203, %parallel_loop3A_246 : i32
        %parallel_loop3A_248 = arith.addi %parallel_loop3A_247, %parallel_loop3A_245 : i32
        %parallel_loop3A_249 = vector.broadcast %parallel_loop3A_248 : i32 to vector<16xi32>
        %parallel_loop3A_250 = tpu.vector_load_idx %arg9[%parallel_loop3A_249] : memref<20000xf32, #tpu.memory_space<vmem>>[vector<16xi32>], vector<16xf32>,
        %parallel_loop3A_251 = arith.constant 3 : i32
        %parallel_loop3A_252 = arith.index_cast %parallel_loop3A_251 : i32 to index
        %parallel_loop3A_253 = arith.index_cast %parallel_loop3A_245 : i32 to index
        %parallel_loop3A_254 = arith.constant 0 : index
        %parallel_loop3A_255 = tpu.vector_load %arg10[%parallel_loop3A_252, %parallel_loop3A_253, %parallel_loop3A_254] {strides = array<i32>} : memref<4x100x32xf32, #tpu.memory_space<vmem>>, vector<16xf32>,
        %parallel_loop3A_256 = arith.mulf %parallel_loop3A_255, %parallel_loop3A_250 : vector<16xf32>
        %parallel_loop3A_257 = arith.constant 3 : i32
        %parallel_loop3A_258 = arith.index_cast %parallel_loop3A_257 : i32 to index
        %parallel_loop3A_259 = arith.index_cast %parallel_loop3A_245 : i32 to index
        %parallel_loop3A_260 = arith.constant 0 : index
        %parallel_loop3A_261 = tpu.vector_load %arg10[%parallel_loop3A_258, %parallel_loop3A_259, %parallel_loop3A_260] {strides = array<i32>} : memref<4x100x32xf32, #tpu.memory_space<vmem>>, vector<16xf32>,
        tpu.vector_store %arg10[%parallel_loop3A_258, %parallel_loop3A_259, %parallel_loop3A_260], %parallel_loop3A_256 {strides = array<i32>} : memref<4x100x32xf32, #tpu.memory_space<vmem>>, vector<16xf32>,
        %parallel_loop3A_262 = arith.constant 3 : i32
        %parallel_loop3A_263 = arith.index_cast %parallel_loop3A_262 : i32 to index
        %parallel_loop3A_264 = arith.index_cast %parallel_loop3A_245 : i32 to index
        %parallel_loop3A_265 = arith.constant 16 : index
        %parallel_loop3A_266 = tpu.vector_load %arg10[%parallel_loop3A_263, %parallel_loop3A_264, %parallel_loop3A_265] {strides = array<i32>} : memref<4x100x32xf32, #tpu.memory_space<vmem>>, vector<16xf32>,
        %parallel_loop3A_267 = arith.mulf %parallel_loop3A_266, %parallel_loop3A_250 : vector<16xf32>
        %parallel_loop3A_268 = arith.constant 3 : i32
        %parallel_loop3A_269 = arith.index_cast %parallel_loop3A_268 : i32 to index
        %parallel_loop3A_270 = arith.index_cast %parallel_loop3A_245 : i32 to index
        %parallel_loop3A_271 = arith.constant 16 : index
        %parallel_loop3A_272 = tpu.vector_load %arg10[%parallel_loop3A_269, %parallel_loop3A_270, %parallel_loop3A_271] {strides = array<i32>} : memref<4x100x32xf32, #tpu.memory_space<vmem>>, vector<16xf32>,
        tpu.vector_store %arg10[%parallel_loop3A_269, %parallel_loop3A_270, %parallel_loop3A_271], %parallel_loop3A_267 {strides = array<i32>} : memref<4x100x32xf32, #tpu.memory_space<vmem>>, vector<16xf32>,
      } {sc.loop_unroll_factor = 4 : i64, sc.parallel_access}
      %ge3A_222 = arith.constant 1 : i32
      %ge3A_223 = arith.cmpi sge, %add3A_203, %ge3A_222 : i32
      %convert_element_type3A_224 = arith.extui %ge3A_223 : i1 to i32
      %cond3A_225 = arith.constant 0 : i32
      %cond3A_226 = arith.cmpi ne, %convert_element_type3A_224, %cond3A_225 : i32
      scf.if %cond3A_226 {
        %sub3A = arith.constant 1 : i32
        %sub3A_245 = arith.subi %add3A_203, %sub3A : i32
        %dma_wait3A_246 = arith.constant 2 : i32
        %dma_wait3A_247 = arith.constant 0 : i32
        %dma_wait3A_248 = arith.constant 0 : i32
        %dma_wait3A_249 = tpu.memref_slice %arg10[%dma_wait3A_246, %dma_wait3A_247, %dma_wait3A_248] : memref<4x100x32xf32, #tpu.memory_space<vmem>> -> memref<1x100x32xf32, #tpu.memory_space<vmem>>
        %dma_wait3A_250 = tpu.memref_squeeze %dma_wait3A_249 : memref<1x100x32xf32, #tpu.memory_space<vmem>> -> memref<100x32xf32, #tpu.memory_space<vmem>>
        %dma_wait3A_251 = arith.constant 0 : i32
        %dma_wait3A_252 = tpu.memref_slice %arg8[%sub3A_245, %dma_wait3A_251] : memref<200x100xi32, #tpu.memory_space<vmem>> -> memref<1x100xi32, #tpu.memory_space<vmem>>
        %dma_wait3A_253 = tpu.memref_squeeze %dma_wait3A_252 : memref<1x100xi32, #tpu.memory_space<vmem>> -> memref<100xi32, #tpu.memory_space<vmem>>
        %dma_wait3A_254 = arith.constant 0 : i32
        %dma_wait3A_255 = arith.constant 0 : i32
        %dma_wait3A_256 = tpu.memref_slice %arg12[%dma_wait3A_254, %dma_wait3A_255] : memref<10112x32xf32, #tpu.memory_space<vmem_shared>> -> memref<10112x32xf32, #tpu.memory_space<vmem_shared>>
        tpu.wait_indirect_dma semaphore(%arg19 : memref<!tpu.dma_semaphore, #tpu.memory_space<semaphore_mem>>) src(%dma_wait3A_250 : memref<100x32xf32, #tpu.memory_space<vmem>>) dst(%dma_wait3A_256 : memref<10112x32xf32, #tpu.memory_space<vmem_shared>>)
      } else {
      }
      %add3A_227 = arith.constant 2 : i32
      %add3A_228 = arith.addi %add3A_203, %add3A_227 : i32
      %lt3A_229 = arith.constant 200 : i32
      %lt3A_230 = arith.cmpi slt, %add3A_228, %lt3A_229 : i32
      %convert_element_type3A_231 = arith.extui %lt3A_230 : i1 to i32
      %cond3A_232 = arith.constant 0 : i32
      %cond3A_233 = arith.cmpi ne, %convert_element_type3A_231, %cond3A_232 : i32
      scf.if %cond3A_233 {
        %add3A_245 = arith.constant 2 : i32
        %add3A_246 = arith.addi %add3A_203, %add3A_245 : i32
        %dma_start3A_247 = arith.constant 1 : i32
        %dma_start3A_248 = arith.constant 0 : i32
        %dma_start3A_249 = arith.constant 0 : i32
        %dma_start3A_250 = tpu.memref_slice %arg10[%dma_start3A_247, %dma_start3A_248, %dma_start3A_249] : memref<4x100x32xf32, #tpu.memory_space<vmem>> -> memref<1x100x32xf32, #tpu.memory_space<vmem>>
        %dma_start3A_251 = tpu.memref_squeeze %dma_start3A_250 : memref<1x100x32xf32, #tpu.memory_space<vmem>> -> memref<100x32xf32, #tpu.memory_space<vmem>>
        %dma_start3A_252 = arith.constant 0 : i32
        %dma_start3A_253 = tpu.memref_slice %arg7[%add3A_246, %dma_start3A_252] : memref<200x100xi32, #tpu.memory_space<vmem>> -> memref<1x100xi32, #tpu.memory_space<vmem>>
        %dma_start3A_254 = tpu.memref_squeeze %dma_start3A_253 : memref<1x100xi32, #tpu.memory_space<vmem>> -> memref<100xi32, #tpu.memory_space<vmem>>
        %dma_start3A_255 = arith.constant 0 : i32
        %dma_start3A_256 = arith.constant 0 : i32
        %dma_start3A_257 = tpu.memref_slice %arg2[%arg0, %dma_start3A_255, %dma_start3A_256] : memref<2x10000x32xf32, #tpu.memory_space<hbm>> -> memref<1x10000x32xf32, #tpu.memory_space<hbm>>
        %dma_start3A_258 = tpu.memref_squeeze %dma_start3A_257 : memref<1x10000x32xf32, #tpu.memory_space<hbm>> -> memref<10000x32xf32, #tpu.memory_space<hbm>>
        %dma_start3A_259 = arith.constant 0 : i32
        %dma_start3A_260 = arith.constant 0 : i32
        %dma_start3A_261 = tpu.memref_slice %dma_start3A_258[%dma_start3A_259, %dma_start3A_260] : memref<10000x32xf32, #tpu.memory_space<hbm>> -> memref<10000x32xf32, #tpu.memory_space<hbm>>
        tpu.enqueue_indirect_dma source(%dma_start3A_261 : memref<10000x32xf32, #tpu.memory_space<hbm>>) target(%dma_start3A_251 : memref<100x32xf32, #tpu.memory_space<vmem>>) offsets(%dma_start3A_254 : memref<100xi32, #tpu.memory_space<vmem>>) semaphore(%arg14 : memref<!tpu.dma_semaphore, #tpu.memory_space<semaphore_mem>>)
      } else {
      }
      %dma_start3A_234 = arith.constant 3 : i32
      %dma_start3A_235 = arith.constant 0 : i32
      %dma_start3A_236 = arith.constant 0 : i32
      %dma_start3A_237 = tpu.memref_slice %arg10[%dma_start3A_234, %dma_start3A_235, %dma_start3A_236] : memref<4x100x32xf32, #tpu.memory_space<vmem>> -> memref<1x100x32xf32, #tpu.memory_space<vmem>>
      %dma_start3A_238 = tpu.memref_squeeze %dma_start3A_237 : memref<1x100x32xf32, #tpu.memory_space<vmem>> -> memref<100x32xf32, #tpu.memory_space<vmem>>
      %dma_start3A_239 = arith.constant 0 : i32
      %dma_start3A_240 = tpu.memref_slice %arg8[%add3A_203, %dma_start3A_239] : memref<200x100xi32, #tpu.memory_space<vmem>> -> memref<1x100xi32, #tpu.memory_space<vmem>>
      %dma_start3A_241 = tpu.memref_squeeze %dma_start3A_240 : memref<1x100xi32, #tpu.memory_space<vmem>> -> memref<100xi32, #tpu.memory_space<vmem>>
      %dma_start3A_242 = arith.constant 0 : i32
      %dma_start3A_243 = arith.constant 0 : i32
      %dma_start3A_244 = tpu.memref_slice %arg12[%dma_start3A_242, %dma_start3A_243] : memref<10112x32xf32, #tpu.memory_space<vmem_shared>> -> memref<10112x32xf32, #tpu.memory_space<vmem_shared>>
      tpu.enqueue_indirect_dma source(%dma_start3A_238 : memref<100x32xf32, #tpu.memory_space<vmem>>) target(%dma_start3A_244 : memref<10112x32xf32, #tpu.memory_space<vmem_shared>>) offsets(%dma_start3A_241 : memref<100xi32, #tpu.memory_space<vmem>>) semaphore(%arg20 : memref<!tpu.dma_semaphore, #tpu.memory_space<semaphore_mem>>) {add = true}
    }
    %scan3A_53 = arith.constant 50 : i32
    %dma_wait3A = arith.constant 3 : i32
    %dma_wait3A_54 = arith.constant 199 : i32
    %dma_wait3A_55 = arith.constant 0 : i32
    %dma_wait3A_56 = arith.constant 0 : i32
    %dma_wait3A_57 = tpu.memref_slice %arg10[%dma_wait3A, %dma_wait3A_55, %dma_wait3A_56] : memref<4x100x32xf32, #tpu.memory_space<vmem>> -> memref<1x100x32xf32, #tpu.memory_space<vmem>>
    %dma_wait3A_58 = tpu.memref_squeeze %dma_wait3A_57 : memref<1x100x32xf32, #tpu.memory_space<vmem>> -> memref<100x32xf32, #tpu.memory_space<vmem>>
    %dma_wait3A_59 = arith.constant 0 : i32
    %dma_wait3A_60 = tpu.memref_slice %arg8[%dma_wait3A_54, %dma_wait3A_59] : memref<200x100xi32, #tpu.memory_space<vmem>> -> memref<1x100xi32, #tpu.memory_space<vmem>>
    %dma_wait3A_61 = tpu.memref_squeeze %dma_wait3A_60 : memref<1x100xi32, #tpu.memory_space<vmem>> -> memref<100xi32, #tpu.memory_space<vmem>>
    %dma_wait3A_62 = arith.constant 0 : i32
    %dma_wait3A_63 = arith.constant 0 : i32
    %dma_wait3A_64 = tpu.memref_slice %arg12[%dma_wait3A_62, %dma_wait3A_63] : memref<10112x32xf32, #tpu.memory_space<vmem_shared>> -> memref<10112x32xf32, #tpu.memory_space<vmem_shared>>
    tpu.wait_indirect_dma semaphore(%arg20 : memref<!tpu.dma_semaphore, #tpu.memory_space<semaphore_mem>>) src(%dma_wait3A_58 : memref<100x32xf32, #tpu.memory_space<vmem>>) dst(%dma_wait3A_64 : memref<10112x32xf32, #tpu.memory_space<vmem_shared>>)
    %barrier3A_65 = arith.constant 0 : index
    tpu.barrier barrier_id(%barrier3A_65)
    %mul3A_66 = arith.constant 632 : i32
    %mul3A_67 = arith.muli %arg1, %mul3A_66 : i32
    %mul3A_68 = arith.constant 632 : i32
    %mul3A_69 = arith.muli %arg1, %mul3A_68 : i32
    "tpu.region"() ({
      %run_scoped3A = tpu.sem_alloc : memref<!tpu.dma_semaphore, #tpu.memory_space<semaphore_mem>>
      %dma_start3A_70 = arith.constant 0 : i32
      %dma_start3A_71 = tpu.memref_slice %arg6[%arg0, %mul3A_69, %dma_start3A_70] : memref<2x10112x32xf32, #tpu.memory_space<hbm>> -> memref<1x632x32xf32, #tpu.memory_space<hbm>>
      %dma_start3A_72 = tpu.memref_squeeze %dma_start3A_71 : memref<1x632x32xf32, #tpu.memory_space<hbm>> -> memref<632x32xf32, #tpu.memory_space<hbm>>
      %dma_start3A_73 = arith.constant 0 : i32
      %dma_start3A_74 = tpu.memref_slice %arg12[%mul3A_67, %dma_start3A_73] : memref<10112x32xf32, #tpu.memory_space<vmem_shared>> -> memref<632x32xf32, #tpu.memory_space<vmem_shared>>
      tpu.enqueue_dma source(%dma_start3A_74 : memref<632x32xf32, #tpu.memory_space<vmem_shared>>) target(%dma_start3A_72 : memref<632x32xf32, #tpu.memory_space<hbm>>) target_semaphore(%run_scoped3A : memref<!tpu.dma_semaphore, #tpu.memory_space<semaphore_mem>>)
      %dma_wait3A_75 = arith.constant 0 : i32
      %dma_wait3A_76 = tpu.memref_slice %arg6[%arg0, %mul3A_69, %dma_wait3A_75] : memref<2x10112x32xf32, #tpu.memory_space<hbm>> -> memref<1x632x32xf32, #tpu.memory_space<hbm>>
      %dma_wait3A_77 = tpu.memref_squeeze %dma_wait3A_76 : memref<1x632x32xf32, #tpu.memory_space<hbm>> -> memref<632x32xf32, #tpu.memory_space<hbm>>
      %dma_wait3A_78 = arith.constant 0 : i32
      %dma_wait3A_79 = tpu.memref_slice %arg12[%mul3A_67, %dma_wait3A_78] : memref<10112x32xf32, #tpu.memory_space<vmem_shared>> -> memref<632x32xf32, #tpu.memory_space<vmem_shared>>
      tpu.wait_dma2 semaphore(%run_scoped3A : memref<!tpu.dma_semaphore, #tpu.memory_space<semaphore_mem>>) src(%dma_wait3A_79 : memref<632x32xf32, #tpu.memory_space<vmem_shared>>) dst(%dma_wait3A_77 : memref<632x32xf32, #tpu.memory_space<hbm>>)
      tpu.yield
    }) : () -> ()
    return
  }
}

module attributes {stable_mosaic.version = 14 : i64} {
  func.func @_tc1_body(%arg0: i32, %arg1: memref<1000x128xf32, #tpu.memory_space<vmem>>, %arg2: memref<128x128xf32, #tpu.memory_space<vmem>>, %arg3: memref<2x1000x16xf32, #tpu.memory_space<vmem>>, %arg4: memref<2x1000x64xf32, #tpu.memory_space<vmem>>, %arg5: memref<1000x128xf32, #tpu.memory_space<vmem>>) attributes {dimension_semantics = [#tpu.dimension_semantics<arbitrary>], iteration_bounds = array<i64: 10>, scalar_prefetch = 0 : i64, scratch_operands = 0 : i64, tpu.core_type = #tpu.core_type<tc>, window_params = [{transform_indices = @transform_0, window_bounds = array<i64: 1000, 128>}, {pipeline_mode = #tpu.pipeline_mode<synchronous>, transform_indices = @transform_1, window_bounds = array<i64: 128, 128>}, {transform_indices = @transform_2, window_bounds = array<i64: 2, 1000, 16>}, {transform_indices = @transform_3, window_bounds = array<i64: 2, 1000, 64>}, {transform_indices = @transform_4, window_bounds = array<i64: 1000, 128>}]} {
    %get3A = arith.constant 0 : index
    %get3A_0 = arith.constant 0 : index
    %get3A_1 = vector.load %arg1[%get3A, %get3A_0] : memref<1000x128xf32, #tpu.memory_space<vmem>>, vector<1000x128xf32>
    %get3A_2 = arith.constant 0 : index
    %get3A_3 = arith.constant 0 : index
    %get3A_4 = vector.load %arg2[%get3A_2, %get3A_3] : memref<128x128xf32, #tpu.memory_space<vmem>>, vector<128x128xf32>
    %dot_general3A = arith.constant dense<0.000000e+00> : vector<1000x128xf32>
    %dot_general3A_5 = tpu.matmul %get3A_1, %get3A_4, %dot_general3A {dimension_numbers = #tpu.dot_dimension_numbers<[1], [0], [0], [1], [0, 0, 1, 1], [], []>, transpose_lhs_hint = false} : vector<1000x128xf32>, vector<128x128xf32>, vector<1000x128xf32> -> vector<1000x128xf32>
    %get3A_6 = arith.constant 0 : index
    %get3A_7 = arith.constant 0 : index
    %get3A_8 = arith.constant 0 : index
    %get3A_9 = vector.load %arg3[%get3A_6, %get3A_7, %get3A_8] : memref<2x1000x16xf32, #tpu.memory_space<vmem>>, vector<1x1000x1xf32>
    %get3A_10 = vector.shape_cast %get3A_9 : vector<1x1000x1xf32> to vector<1000xf32>
    %add3A = arith.constant 1.000000e+00 : f32
    %add3A_11 = vector.broadcast %add3A : f32 to vector<1000xf32>
    %add3A_12 = arith.addf %add3A_11, %get3A_10 : vector<1000xf32>
    %get3A_13 = arith.constant 1 : index
    %get3A_14 = arith.constant 0 : index
    %get3A_15 = arith.constant 0 : index
    %get3A_16 = vector.load %arg3[%get3A_13, %get3A_14, %get3A_15] : memref<2x1000x16xf32, #tpu.memory_space<vmem>>, vector<1x1000x1xf32>
    %get3A_17 = vector.shape_cast %get3A_16 : vector<1x1000x1xf32> to vector<1000xf32>
    %add3A_18 = arith.addf %add3A_12, %get3A_17 : vector<1000xf32>
    %rsqrt3A = math.rsqrt %add3A_18 : vector<1000xf32>
    %div3A = arith.constant 1.000000e+00 : f32
    %div3A_19 = vector.broadcast %div3A : f32 to vector<1000xf32>
    %div3A_20 = arith.divf %div3A_19, %add3A_18 : vector<1000xf32>
    %broadcast_in_dim3A = vector.shape_cast %rsqrt3A : vector<1000xf32> to vector<1000x1xf32>
    %mul3A = vector.broadcast %broadcast_in_dim3A : vector<1000x1xf32> to vector<1000x128xf32>
    %mul3A_21 = arith.mulf %dot_general3A_5, %mul3A : vector<1000x128xf32>
    %slice3A = vector.extract_strided_slice %mul3A_21 {offsets = [0, 0], sizes = [1000, 64], strides = [1, 1]} : vector<1000x128xf32> to vector<1000x64xf32>
    %swap3A = arith.constant 0 : index
    %swap3A_22 = arith.constant 0 : index
    %swap3A_23 = arith.constant 0 : index
    %swap3A_24 = vector.load %arg4[%swap3A, %swap3A_22, %swap3A_23] : memref<2x1000x64xf32, #tpu.memory_space<vmem>>, vector<1x1000x64xf32>
    %swap3A_25 = vector.shape_cast %swap3A_24 : vector<1x1000x64xf32> to vector<1000x64xf32>
    %swap3A_26 = vector.shape_cast %slice3A : vector<1000x64xf32> to vector<1x1000x64xf32>
    tpu.vector_store %arg4[%swap3A, %swap3A_22, %swap3A_23], %swap3A_26 {strides = array<i32>} : memref<2x1000x64xf32, #tpu.memory_space<vmem>>, vector<1x1000x64xf32>,
    %slice3A_27 = vector.extract_strided_slice %mul3A_21 {offsets = [0, 64], sizes = [1000, 64], strides = [1, 1]} : vector<1000x128xf32> to vector<1000x64xf32>
    %swap3A_28 = arith.constant 1 : index
    %swap3A_29 = arith.constant 0 : index
    %swap3A_30 = arith.constant 0 : index
    %swap3A_31 = vector.load %arg4[%swap3A_28, %swap3A_29, %swap3A_30] : memref<2x1000x64xf32, #tpu.memory_space<vmem>>, vector<1x1000x64xf32>
    %swap3A_32 = vector.shape_cast %swap3A_31 : vector<1x1000x64xf32> to vector<1000x64xf32>
    %swap3A_33 = vector.shape_cast %slice3A_27 : vector<1000x64xf32> to vector<1x1000x64xf32>
    tpu.vector_store %arg4[%swap3A_28, %swap3A_29, %swap3A_30], %swap3A_33 {strides = array<i32>} : memref<2x1000x64xf32, #tpu.memory_space<vmem>>, vector<1x1000x64xf32>,
    %broadcast_in_dim3A_34 = vector.shape_cast %div3A_20 : vector<1000xf32> to vector<1000x1xf32>
    %mul3A_35 = vector.broadcast %broadcast_in_dim3A_34 : vector<1000x1xf32> to vector<1000x128xf32>
    %mul3A_36 = arith.mulf %dot_general3A_5, %mul3A_35 : vector<1000x128xf32>
    %swap3A_37 = arith.constant 0 : index
    %swap3A_38 = arith.constant 0 : index
    %swap3A_39 = vector.load %arg5[%swap3A_37, %swap3A_38] : memref<1000x128xf32, #tpu.memory_space<vmem>>, vector<1000x128xf32>
    tpu.vector_store %arg5[%swap3A_37, %swap3A_38], %mul3A_36 {strides = array<i32>} : memref<1000x128xf32, #tpu.memory_space<vmem>>, vector<1000x128xf32>,
    return
  }
  func.func @transform_0(%arg0: i32) -> (i32, i32) {
    %c0_i32 = arith.constant 0 : i32
    %c0_i32_0 = arith.constant 0 : i32
    return %arg0, %c0_i32 : i32, i32
  }
  func.func @transform_1(%arg0: i32) -> (i32, i32) {
    %c0_i32 = arith.constant 0 : i32
    %c0_i32_0 = arith.constant 0 : i32
    %c0_i32_1 = arith.constant 0 : i32
    return %c0_i32, %c0_i32_0 : i32, i32
  }
  func.func @transform_2(%arg0: i32) -> (i32, i32, i32) {
    %c0_i32 = arith.constant 0 : i32
    %c0_i32_0 = arith.constant 0 : i32
    %c0_i32_1 = arith.constant 0 : i32
    return %c0_i32, %arg0, %c0_i32_0 : i32, i32, i32
  }
  func.func @transform_3(%arg0: i32) -> (i32, i32, i32) {
    %c0_i32 = arith.constant 0 : i32
    %c0_i32_0 = arith.constant 0 : i32
    %c0_i32_1 = arith.constant 0 : i32
    return %c0_i32, %arg0, %c0_i32_0 : i32, i32, i32
  }
  func.func @transform_4(%arg0: i32) -> (i32, i32) {
    %c0_i32 = arith.constant 0 : i32
    %c0_i32_0 = arith.constant 0 : i32
    return %arg0, %c0_i32 : i32, i32
  }
}

module attributes {stable_mosaic.version = 14 : i64} {
  func.func @_tc2_body(%arg0: i32, %arg1: memref<2x1000x64xf32, #tpu.memory_space<vmem>>, %arg2: memref<1000x128xf32, #tpu.memory_space<vmem>>, %arg3: memref<2x1000x16xf32, #tpu.memory_space<vmem>>, %arg4: memref<1x128xf32, #tpu.memory_space<vmem>>, %arg5: memref<128x64xf32, #tpu.memory_space<vmem>>, %arg6: memref<2x1000x32xf32, #tpu.memory_space<vmem>>, %arg7: memref<1000x64xf32, #tpu.memory_space<vmem>>) attributes {dimension_semantics = [#tpu.dimension_semantics<arbitrary>], iteration_bounds = array<i64: 10>, scalar_prefetch = 0 : i64, scratch_operands = 0 : i64, tpu.core_type = #tpu.core_type<tc>, window_params = [{transform_indices = @transform_0, window_bounds = array<i64: 2, 1000, 64>}, {transform_indices = @transform_1, window_bounds = array<i64: 1000, 128>}, {transform_indices = @transform_2, window_bounds = array<i64: 2, 1000, 16>}, {pipeline_mode = #tpu.pipeline_mode<synchronous>, transform_indices = @transform_3, window_bounds = array<i64: 1, 128>}, {pipeline_mode = #tpu.pipeline_mode<synchronous>, transform_indices = @transform_4, window_bounds = array<i64: 128, 64>}, {transform_indices = @transform_5, window_bounds = array<i64: 2, 1000, 32>}, {transform_indices = @transform_6, window_bounds = array<i64: 1000, 64>}]} {
    %get3A = arith.constant 0 : index
    %get3A_0 = arith.constant 0 : index
    %get3A_1 = arith.constant 0 : index
    %get3A_2 = vector.load %arg3[%get3A, %get3A_0, %get3A_1] : memref<2x1000x16xf32, #tpu.memory_space<vmem>>, vector<1x1000x1xf32>
    %get3A_3 = vector.shape_cast %get3A_2 : vector<1x1000x1xf32> to vector<1000xf32>
    %add3A = arith.constant 1.000000e+00 : f32
    %add3A_4 = vector.broadcast %add3A : f32 to vector<1000xf32>
    %add3A_5 = arith.addf %add3A_4, %get3A_3 : vector<1000xf32>
    %get3A_6 = arith.constant 1 : index
    %get3A_7 = arith.constant 0 : index
    %get3A_8 = arith.constant 0 : index
    %get3A_9 = vector.load %arg3[%get3A_6, %get3A_7, %get3A_8] : memref<2x1000x16xf32, #tpu.memory_space<vmem>>, vector<1x1000x1xf32>
    %get3A_10 = vector.shape_cast %get3A_9 : vector<1x1000x1xf32> to vector<1000xf32>
    %add3A_11 = arith.addf %add3A_5, %get3A_10 : vector<1000xf32>
    %rsqrt3A = math.rsqrt %add3A_11 : vector<1000xf32>
    %div3A = arith.constant 1.000000e+00 : f32
    %div3A_12 = vector.broadcast %div3A : f32 to vector<1000xf32>
    %div3A_13 = arith.divf %div3A_12, %add3A_11 : vector<1000xf32>
    %get3A_14 = arith.constant 0 : index
    %get3A_15 = arith.constant 0 : index
    %get3A_16 = arith.constant 0 : index
    %get3A_17 = vector.load %arg1[%get3A_14, %get3A_15, %get3A_16] : memref<2x1000x64xf32, #tpu.memory_space<vmem>>, vector<1x1000x64xf32>
    %get3A_18 = vector.shape_cast %get3A_17 : vector<1x1000x64xf32> to vector<1000x64xf32>
    %get3A_19 = arith.constant 1 : index
    %get3A_20 = arith.constant 0 : index
    %get3A_21 = arith.constant 0 : index
    %get3A_22 = vector.load %arg1[%get3A_19, %get3A_20, %get3A_21] : memref<2x1000x64xf32, #tpu.memory_space<vmem>>, vector<1x1000x64xf32>
    %get3A_23 = vector.shape_cast %get3A_22 : vector<1x1000x64xf32> to vector<1000x64xf32>
    %concatenate3A = tpu.concatenate %get3A_18, %get3A_23 in 1 : vector<1000x64xf32>, vector<1000x64xf32> -> vector<1000x128xf32>
    %broadcast_in_dim3A = vector.shape_cast %rsqrt3A : vector<1000xf32> to vector<1000x1xf32>
    %mul3A = vector.broadcast %broadcast_in_dim3A : vector<1000x1xf32> to vector<1000x128xf32>
    %mul3A_24 = arith.mulf %concatenate3A, %mul3A : vector<1000x128xf32>
    %get3A_25 = arith.constant 0 : index
    %get3A_26 = arith.constant 0 : index
    %get3A_27 = vector.load %arg2[%get3A_25, %get3A_26] : memref<1000x128xf32, #tpu.memory_space<vmem>>, vector<1000x128xf32>
    %add3A_28 = arith.addf %mul3A_24, %get3A_27 : vector<1000x128xf32>
    %get3A_29 = arith.constant 0 : index
    %get3A_30 = arith.constant 0 : index
    %get3A_31 = vector.load %arg4[%get3A_29, %get3A_30] : memref<1x128xf32, #tpu.memory_space<vmem>>, vector<1x128xf32>
    %add3A_32 = vector.broadcast %get3A_31 : vector<1x128xf32> to vector<1000x128xf32>
    %add3A_33 = arith.addf %add3A_28, %add3A_32 : vector<1000x128xf32>
    %max3A = arith.constant 0.000000e+00 : f32
    %max3A_34 = vector.broadcast %max3A : f32 to vector<1000x128xf32>
    %max3A_35 = arith.maximumf %add3A_33, %max3A_34 : vector<1000x128xf32>
    %get3A_36 = arith.constant 0 : index
    %get3A_37 = arith.constant 0 : index
    %get3A_38 = vector.load %arg5[%get3A_36, %get3A_37] : memref<128x64xf32, #tpu.memory_space<vmem>>, vector<128x64xf32>
    %dot_general3A = arith.constant dense<0.000000e+00> : vector<1000x64xf32>
    %dot_general3A_39 = tpu.matmul %max3A_35, %get3A_38, %dot_general3A {dimension_numbers = #tpu.dot_dimension_numbers<[1], [0], [0], [1], [0, 0, 1, 1], [], []>, transpose_lhs_hint = false} : vector<1000x128xf32>, vector<128x64xf32>, vector<1000x64xf32> -> vector<1000x64xf32>
    %broadcast_in_dim3A_40 = vector.shape_cast %rsqrt3A : vector<1000xf32> to vector<1000x1xf32>
    %mul3A_41 = vector.broadcast %broadcast_in_dim3A_40 : vector<1000x1xf32> to vector<1000x64xf32>
    %mul3A_42 = arith.mulf %dot_general3A_39, %mul3A_41 : vector<1000x64xf32>
    %slice3A = vector.extract_strided_slice %mul3A_42 {offsets = [0, 0], sizes = [1000, 32], strides = [1, 1]} : vector<1000x64xf32> to vector<1000x32xf32>
    %swap3A = arith.constant 0 : index
    %swap3A_43 = arith.constant 0 : index
    %swap3A_44 = arith.constant 0 : index
    %swap3A_45 = vector.load %arg6[%swap3A, %swap3A_43, %swap3A_44] : memref<2x1000x32xf32, #tpu.memory_space<vmem>>, vector<1x1000x32xf32>
    %swap3A_46 = vector.shape_cast %swap3A_45 : vector<1x1000x32xf32> to vector<1000x32xf32>
    %swap3A_47 = vector.shape_cast %slice3A : vector<1000x32xf32> to vector<1x1000x32xf32>
    tpu.vector_store %arg6[%swap3A, %swap3A_43, %swap3A_44], %swap3A_47 {strides = array<i32>} : memref<2x1000x32xf32, #tpu.memory_space<vmem>>, vector<1x1000x32xf32>,
    %slice3A_48 = vector.extract_strided_slice %mul3A_42 {offsets = [0, 32], sizes = [1000, 32], strides = [1, 1]} : vector<1000x64xf32> to vector<1000x32xf32>
    %swap3A_49 = arith.constant 1 : index
    %swap3A_50 = arith.constant 0 : index
    %swap3A_51 = arith.constant 0 : index
    %swap3A_52 = vector.load %arg6[%swap3A_49, %swap3A_50, %swap3A_51] : memref<2x1000x32xf32, #tpu.memory_space<vmem>>, vector<1x1000x32xf32>
    %swap3A_53 = vector.shape_cast %swap3A_52 : vector<1x1000x32xf32> to vector<1000x32xf32>
    %swap3A_54 = vector.shape_cast %slice3A_48 : vector<1000x32xf32> to vector<1x1000x32xf32>
    tpu.vector_store %arg6[%swap3A_49, %swap3A_50, %swap3A_51], %swap3A_54 {strides = array<i32>} : memref<2x1000x32xf32, #tpu.memory_space<vmem>>, vector<1x1000x32xf32>,
    %broadcast_in_dim3A_55 = vector.shape_cast %div3A_13 : vector<1000xf32> to vector<1000x1xf32>
    %mul3A_56 = vector.broadcast %broadcast_in_dim3A_55 : vector<1000x1xf32> to vector<1000x64xf32>
    %mul3A_57 = arith.mulf %dot_general3A_39, %mul3A_56 : vector<1000x64xf32>
    %swap3A_58 = arith.constant 0 : index
    %swap3A_59 = arith.constant 0 : index
    %swap3A_60 = vector.load %arg7[%swap3A_58, %swap3A_59] : memref<1000x64xf32, #tpu.memory_space<vmem>>, vector<1000x64xf32>
    tpu.vector_store %arg7[%swap3A_58, %swap3A_59], %mul3A_57 {strides = array<i32>} : memref<1000x64xf32, #tpu.memory_space<vmem>>, vector<1000x64xf32>,
    return
  }
  func.func @transform_0(%arg0: i32) -> (i32, i32, i32) {
    %c0_i32 = arith.constant 0 : i32
    %c0_i32_0 = arith.constant 0 : i32
    %c0_i32_1 = arith.constant 0 : i32
    return %c0_i32, %arg0, %c0_i32_0 : i32, i32, i32
  }
  func.func @transform_1(%arg0: i32) -> (i32, i32) {
    %c0_i32 = arith.constant 0 : i32
    %c0_i32_0 = arith.constant 0 : i32
    return %arg0, %c0_i32 : i32, i32
  }
  func.func @transform_2(%arg0: i32) -> (i32, i32, i32) {
    %c0_i32 = arith.constant 0 : i32
    %c0_i32_0 = arith.constant 0 : i32
    %c0_i32_1 = arith.constant 0 : i32
    return %c0_i32, %arg0, %c0_i32_0 : i32, i32, i32
  }
  func.func @transform_3(%arg0: i32) -> (i32, i32) {
    %c0_i32 = arith.constant 0 : i32
    %c0_i32_0 = arith.constant 0 : i32
    %c0_i32_1 = arith.constant 0 : i32
    return %c0_i32, %c0_i32_0 : i32, i32
  }
  func.func @transform_4(%arg0: i32) -> (i32, i32) {
    %c0_i32 = arith.constant 0 : i32
    %c0_i32_0 = arith.constant 0 : i32
    %c0_i32_1 = arith.constant 0 : i32
    return %c0_i32, %c0_i32_0 : i32, i32
  }
  func.func @transform_5(%arg0: i32) -> (i32, i32, i32) {
    %c0_i32 = arith.constant 0 : i32
    %c0_i32_0 = arith.constant 0 : i32
    %c0_i32_1 = arith.constant 0 : i32
    return %c0_i32, %arg0, %c0_i32_0 : i32, i32, i32
  }
  func.func @transform_6(%arg0: i32) -> (i32, i32) {
    %c0_i32 = arith.constant 0 : i32
    %c0_i32_0 = arith.constant 0 : i32
    return %arg0, %c0_i32 : i32, i32
  }
}

module attributes {stable_mosaic.version = 14 : i64} {
  func.func @_tc3_body(%arg0: i32, %arg1: memref<2x1000x32xf32, #tpu.memory_space<vmem>>, %arg2: memref<1000x64xf32, #tpu.memory_space<vmem>>, %arg3: memref<2x1000x16xf32, #tpu.memory_space<vmem>>, %arg4: memref<1x64xf32, #tpu.memory_space<vmem>>, %arg5: memref<1000x40xf32, #tpu.memory_space<vmem>>) attributes {dimension_semantics = [#tpu.dimension_semantics<arbitrary>], iteration_bounds = array<i64: 10>, scalar_prefetch = 0 : i64, scratch_operands = 0 : i64, tpu.core_type = #tpu.core_type<tc>, window_params = [{transform_indices = @transform_0, window_bounds = array<i64: 2, 1000, 32>}, {transform_indices = @transform_1, window_bounds = array<i64: 1000, 64>}, {transform_indices = @transform_2, window_bounds = array<i64: 2, 1000, 16>}, {pipeline_mode = #tpu.pipeline_mode<synchronous>, transform_indices = @transform_3, window_bounds = array<i64: 1, 64>}, {transform_indices = @transform_4, window_bounds = array<i64: 1000, 40>}]} {
    %get3A = arith.constant 0 : index
    %get3A_0 = arith.constant 0 : index
    %get3A_1 = arith.constant 0 : index
    %get3A_2 = vector.load %arg3[%get3A, %get3A_0, %get3A_1] : memref<2x1000x16xf32, #tpu.memory_space<vmem>>, vector<1x1000x1xf32>
    %get3A_3 = vector.shape_cast %get3A_2 : vector<1x1000x1xf32> to vector<1000xf32>
    %add3A = arith.constant 1.000000e+00 : f32
    %add3A_4 = vector.broadcast %add3A : f32 to vector<1000xf32>
    %add3A_5 = arith.addf %add3A_4, %get3A_3 : vector<1000xf32>
    %get3A_6 = arith.constant 1 : index
    %get3A_7 = arith.constant 0 : index
    %get3A_8 = arith.constant 0 : index
    %get3A_9 = vector.load %arg3[%get3A_6, %get3A_7, %get3A_8] : memref<2x1000x16xf32, #tpu.memory_space<vmem>>, vector<1x1000x1xf32>
    %get3A_10 = vector.shape_cast %get3A_9 : vector<1x1000x1xf32> to vector<1000xf32>
    %add3A_11 = arith.addf %add3A_5, %get3A_10 : vector<1000xf32>
    %rsqrt3A = math.rsqrt %add3A_11 : vector<1000xf32>
    %get3A_12 = arith.constant 0 : index
    %get3A_13 = arith.constant 0 : index
    %get3A_14 = arith.constant 0 : index
    %get3A_15 = vector.load %arg1[%get3A_12, %get3A_13, %get3A_14] : memref<2x1000x32xf32, #tpu.memory_space<vmem>>, vector<1x1000x32xf32>
    %get3A_16 = vector.shape_cast %get3A_15 : vector<1x1000x32xf32> to vector<1000x32xf32>
    %get3A_17 = arith.constant 1 : index
    %get3A_18 = arith.constant 0 : index
    %get3A_19 = arith.constant 0 : index
    %get3A_20 = vector.load %arg1[%get3A_17, %get3A_18, %get3A_19] : memref<2x1000x32xf32, #tpu.memory_space<vmem>>, vector<1x1000x32xf32>
    %get3A_21 = vector.shape_cast %get3A_20 : vector<1x1000x32xf32> to vector<1000x32xf32>
    %concatenate3A = tpu.concatenate %get3A_16, %get3A_21 in 1 : vector<1000x32xf32>, vector<1000x32xf32> -> vector<1000x64xf32>
    %broadcast_in_dim3A = vector.shape_cast %rsqrt3A : vector<1000xf32> to vector<1000x1xf32>
    %mul3A = vector.broadcast %broadcast_in_dim3A : vector<1000x1xf32> to vector<1000x64xf32>
    %mul3A_22 = arith.mulf %concatenate3A, %mul3A : vector<1000x64xf32>
    %get3A_23 = arith.constant 0 : index
    %get3A_24 = arith.constant 0 : index
    %get3A_25 = vector.load %arg2[%get3A_23, %get3A_24] : memref<1000x64xf32, #tpu.memory_space<vmem>>, vector<1000x64xf32>
    %add3A_26 = arith.addf %mul3A_22, %get3A_25 : vector<1000x64xf32>
    %get3A_27 = arith.constant 0 : index
    %get3A_28 = arith.constant 0 : index
    %get3A_29 = vector.load %arg4[%get3A_27, %get3A_28] : memref<1x64xf32, #tpu.memory_space<vmem>>, vector<1x64xf32>
    %add3A_30 = vector.broadcast %get3A_29 : vector<1x64xf32> to vector<1000x64xf32>
    %add3A_31 = arith.addf %add3A_26, %add3A_30 : vector<1000x64xf32>
    %iota3A = tpu.iota {dimensions = array<i32: 1>} : vector<1000x64xi32>
    %lt3A = arith.constant 40 : i32
    %lt3A_32 = vector.broadcast %lt3A : i32 to vector<1000x64xi32>
    %lt3A_33 = arith.cmpi slt, %iota3A, %lt3A_32 : vector<1000x64xi32>
    %jit3A = arith.constant -1.000000e+30 : f32
    %broadcast_in_dim3A_34 = vector.broadcast %jit3A : f32 to vector<1000x64xf32>
    %select_n3A = arith.select %lt3A_33, %add3A_31, %broadcast_in_dim3A_34 : vector<1000x64xi1>, vector<1000x64xf32>
    %reduce_max3A = arith.constant dense<0xFF800000> : vector<1000xf32>
    %reduce_max3A_35 = vector.multi_reduction <maximumf>, %select_n3A, %reduce_max3A [1] : vector<1000x64xf32> to vector<1000xf32>
    %broadcast_in_dim3A_36 = vector.shape_cast %reduce_max3A_35 : vector<1000xf32> to vector<1000x1xf32>
    %sub3A = vector.broadcast %broadcast_in_dim3A_36 : vector<1000x1xf32> to vector<1000x64xf32>
    %sub3A_37 = arith.subf %select_n3A, %sub3A : vector<1000x64xf32>
    %exp3A = math.exp %sub3A_37 : vector<1000x64xf32>
    %reduce_sum3A = arith.constant dense<0.000000e+00> : vector<1000xf32>
    %reduce_sum3A_38 = vector.multi_reduction <add>, %exp3A, %reduce_sum3A [1] : vector<1000x64xf32> to vector<1000xf32>
    %broadcast_in_dim3A_39 = vector.shape_cast %reduce_sum3A_38 : vector<1000xf32> to vector<1000x1xf32>
    %log3A = math.log %broadcast_in_dim3A_39 : vector<1000x1xf32>
    %add3A_40 = arith.addf %log3A, %broadcast_in_dim3A_36 : vector<1000x1xf32>
    %sub3A_41 = vector.broadcast %add3A_40 : vector<1000x1xf32> to vector<1000x64xf32>
    %sub3A_42 = arith.subf %select_n3A, %sub3A_41 : vector<1000x64xf32>
    %slice3A = vector.extract_strided_slice %sub3A_42 {offsets = [0, 0], sizes = [1000, 40], strides = [1, 1]} : vector<1000x64xf32> to vector<1000x40xf32>
    %swap3A = arith.constant 0 : index
    %swap3A_43 = arith.constant 0 : index
    %swap3A_44 = vector.load %arg5[%swap3A, %swap3A_43] : memref<1000x40xf32, #tpu.memory_space<vmem>>, vector<1000x40xf32>
    tpu.vector_store %arg5[%swap3A, %swap3A_43], %slice3A {strides = array<i32>} : memref<1000x40xf32, #tpu.memory_space<vmem>>, vector<1000x40xf32>,
    return
  }
  func.func @transform_0(%arg0: i32) -> (i32, i32, i32) {
    %c0_i32 = arith.constant 0 : i32
    %c0_i32_0 = arith.constant 0 : i32
    %c0_i32_1 = arith.constant 0 : i32
    return %c0_i32, %arg0, %c0_i32_0 : i32, i32, i32
  }
  func.func @transform_1(%arg0: i32) -> (i32, i32) {
    %c0_i32 = arith.constant 0 : i32
    %c0_i32_0 = arith.constant 0 : i32
    return %arg0, %c0_i32 : i32, i32
  }
  func.func @transform_2(%arg0: i32) -> (i32, i32, i32) {
    %c0_i32 = arith.constant 0 : i32
    %c0_i32_0 = arith.constant 0 : i32
    %c0_i32_1 = arith.constant 0 : i32
    return %c0_i32, %arg0, %c0_i32_0 : i32, i32, i32
  }
  func.func @transform_3(%arg0: i32) -> (i32, i32) {
    %c0_i32 = arith.constant 0 : i32
    %c0_i32_0 = arith.constant 0 : i32
    %c0_i32_1 = arith.constant 0 : i32
    return %c0_i32, %c0_i32_0 : i32, i32
  }
  func.func @transform_4(%arg0: i32) -> (i32, i32) {
    %c0_i32 = arith.constant 0 : i32
    %c0_i32_0 = arith.constant 0 : i32
    return %arg0, %c0_i32 : i32, i32
  }
}

</mosaic_0001>

<sc_bundles>
// kernel: kernel.11.cloned.1.call-start
scs
__scs_entry_jumppad:
0x0: {  	(pc) =	sbr.rel $0x88, $3  }
0x1: {  	(tag) =	ssettag $0x0;
	lr =	simm.s32 $0x1  }
0x2: {  	[smem:$0x3F9A] =	sst lr;
	_ =	strace $0xD0000000  }
0x3: {  	_ = 	snop  }
0x4: {  	_ = 	snop  }
0x5: {  	_ = 	snop  }
0x6: {  	_ = 	snop  }
0x7: {  	_ = 	snop  }
__scs_overlays_trampoline_lowered:
0x8: {  	[smem:$0x3FA9] =	sst s0  }
0x9: {  	[smem:$0x3FAA] =	sst s1  }
0xa: {  	[smem:$0x3FAB] =	sst s2  }
0xb: {  	[smem:$0x3FAC] =	sst s3  }
0xc: {  	[smem:$0x3FAD] =	sst s4  }
0xd: {  	[smem:$0x3FAE] =	sst s5  }
0xe: {  	[smem:$0x3FAF] =	sst s6  }
0xf: {  	[smem:$0x3FB0] =	sst s7  }
0x10: {  	[smem:$0x3FB1] =	sst s8  }
0x11: {  	[smem:$0x3FB2] =	sst s9;
	s0 =	simm.s32 @!p0 $0x0  }
0x12: {  	s1 =	sld [smem:$0x3F98];
	s0 =	simm.s32 @p0 $0x1  }
0x13: {  	[smem:$0x3FB3] =	sst s0;
	s0 =	simm.s32 @!p1 $0x0  }
0x14: {  	s2 =	sld [smem:$0x3F97];
	s0 =	simm.s32 @p1 $0x1  }
0x15: {  	[smem:$0x3FB4] =	sst s0;
	s0 =	simm.s32 @!p2 $0x0  }
0x16: {  	s3 =	sld [smem:$0x3FDB];
	s0 =	simm.s32 @p2 $0x1  }
0x17: {  	s4 =	simm.s32 $0x1BF5;
	[smem:$0x3FB6] =	sst s0  }
0x18: {  	s0 =	sld [smem:$0x3F99];
	_ =	swait.ge [sflag:s4], $0x0  }
0x19: {  	s7 =	sld [smem:$0x3F9A]  }
0x1a: {  	s8 =	sadd.s32 $0xFFFFE003, lr  }
0x1b: {  	s9 =	sadd.s32 $0xFFFFFEF7, lr;
	s5 =	simm.s32 $0xFFFFFFFF;
	p2 =	slt.u32 s8, $0xFFFFF086  }
0x1c: {  	p1 =	slt.u32 s9, $0xF7A;
	s5 =	simm.s32 @!p2 $0x0  }
0x1d: {  	s5 =	simm.s32 @p1 $0x1;
	p0 =	seq.s32 s7, s2  }
0x1e: {  	s7 =	smul.u32 @!p0 $0xF7A, s2;
	p2 =	seq.s32 @!p0 s5, $0x0  }
0x1f: {  	s9 =	smul.u32 $0xF7A, s1;
	s8 =	simm.s32 @!p0 $0x1BF5;
	p2 =	por !p2, p0  }
0x20: {  	[sflag:s8] =	ssyncset.s32 @!p0 $0xFFFFF086;
	s6 =	sadd.s32 @!p0 s3, s7;
	s7 =	simm.s32 @!p0 $0x108  }
0x21: {  	s3 =	sadd.s32 s3, s9;
	s6 =	sadd.s32 @!p0 $0x88, s6;
	s7 =	simm.s32 @p2 $0x1082  }
0x22: {  	[simem:s7], [sflag:s8] =	dma.local @!p0 [hbm:s6], $0xF7A  }
0x23: {  	s9 =	sor.u32 $0xD0000000, s2;
	s6 =	simm.s32 $0x108;
	_ =	swait.ge @!p0 [sflag:s8], $0x0  }
0x24: {  	s3 =	sadd.s32 $0x88, s3;
	s6 =	simm.s32 @!p1 $0x1082;
	[sflag:s4] =	ssyncset.s32 $0xFFFFF086  }
0x25: {  	[simem:s6], [sflag:s4] =	dma.local [hbm:s3], $0xF7A  }
0x26: {  	[smem:$0x3F9A] =	sst s1;
	(tag) =	ssettag s2;
	_ =	strace s9  }
0x27: {  	s1 =	sld [smem:$0x3FAA]  }
0x28: {  	s2 =	sld [smem:$0x3FAB]  }
0x29: {  	s4 =	sld [smem:$0x3FAD]  }
0x2a: {  	p0 =	seq.s32 s5, $0x0;
	s5 =	sld [smem:$0x3FAE]  }
0x2b: {  	s6 =	sld [smem:$0x3FAF]  }
0x2c: {  	s7 =	sld [smem:$0x3FB0]  }
0x2d: {  	s3 =	simm.s32 $0x108;
	s8 =	sld [smem:$0x3FB1]  }
0x2e: {  	s3 =	simm.s32 @!p0 $0x1082;
	s9 =	sld [smem:$0x3FB2]  }
0x2f: {  	lr =	sadd.s32 s0, s3;
	s0 =	sld [smem:$0x3FA9]  }
0x30: {  	s3 =	sld [smem:$0x3FAC]  }
0x31: {  	[smem:$0x3FB5] =	sst s10  }
0x32: {  	s10 =	sld [smem:$0x3FB3];
	_ =	sdelay $0x3  }
0x33: {  	p0 =	seq.s32 s10, $0x1;
	s10 =	sld [smem:$0x3FB5];
	_ =	sdelay $0x3  }
0x34: {  	[smem:$0x3FB5] =	sst s10  }
0x35: {  	s10 =	sld [smem:$0x3FB4];
	_ =	sdelay $0x3  }
0x36: {  	p1 =	seq.s32 s10, $0x1;
	s10 =	sld [smem:$0x3FB5];
	_ =	sdelay $0x3  }
0x37: {  	[smem:$0x3FB5] =	sst s10  }
0x38: {  	s10 =	sld [smem:$0x3FB6]  }
0x39: {  	_ = 	snop;
	(pc) =	sbr.ind lr, $3  }
0x3a: {  	_ = 	snop  }
0x3b: {  	_ = 	snop  }
0x3c: {  	p2 =	seq.s32 s10, $0x1;
	s10 =	sld [smem:$0x3FB5]  }
0x3d: {  	_ =	shalt  }
0x3e: {  	_ =	shalt  }
0x3f: {  	_ =	shalt  }
0x40: {  	_ =	shalt  }
0x41: {  	_ =	shalt  }
0x42: {  	_ =	shalt  }
0x43: {  	_ =	shalt  }
0x44: {  	_ =	shalt  }
0x45: {  	_ =	shalt  }
0x46: {  	_ =	shalt  }
0x47: {  	_ =	shalt  }
0x48: {  	_ =	shalt  }
0x49: {  	_ =	shalt  }
0x4a: {  	_ =	shalt  }
0x4b: {  	_ =	shalt  }
0x4c: {  	_ =	shalt  }
0x4d: {  	_ =	shalt  }
0x4e: {  	_ =	shalt  }
0x4f: {  	_ =	shalt  }
0x50: {  	_ =	shalt  }
0x51: {  	_ =	shalt  }
0x52: {  	_ =	shalt  }
0x53: {  	_ =	shalt  }
0x54: {  	_ =	shalt  }
0x55: {  	_ =	shalt  }
0x56: {  	_ =	shalt  }
0x57: {  	_ =	shalt  }
0x58: {  	_ =	shalt  }
0x59: {  	_ =	shalt  }
0x5a: {  	_ =	shalt  }
0x5b: {  	_ =	shalt  }
0x5c: {  	_ =	shalt  }
0x5d: {  	_ =	shalt  }
0x5e: {  	_ =	shalt  }
0x5f: {  	_ =	shalt  }
0x60: {  	_ =	shalt  }
0x61: {  	_ =	shalt  }
0x62: {  	_ =	shalt  }
0x63: {  	_ =	shalt  }
0x64: {  	_ =	shalt  }
0x65: {  	_ =	shalt  }
0x66: {  	_ =	shalt  }
0x67: {  	_ =	shalt  }
0x68: {  	_ =	shalt  }
0x69: {  	_ =	shalt  }
0x6a: {  	_ =	shalt  }
0x6b: {  	_ =	shalt  }
0x6c: {  	_ =	shalt  }
0x6d: {  	_ =	shalt  }
0x6e: {  	_ =	shalt  }
0x6f: {  	_ =	shalt  }
0x70: {  	_ =	shalt  }
0x71: {  	_ =	shalt  }
0x72: {  	_ =	shalt  }
0x73: {  	_ =	shalt  }
0x74: {  	_ =	shalt  }
0x75: {  	_ =	shalt  }
0x76: {  	_ =	shalt  }
0x77: {  	_ =	shalt  }
0x78: {  	_ =	shalt  }
0x79: {  	_ =	shalt  }
0x7a: {  	_ =	shalt  }
0x7b: {  	_ =	shalt  }
0x7c: {  	_ =	shalt  }
0x7d: {  	_ =	shalt  }
0x7e: {  	_ =	shalt  }
0x7f: {  	_ =	shalt  }
0x80: {  	_ =	shalt  }
0x81: {  	_ =	shalt  }
0x82: {  	_ =	shalt  }
0x83: {  	_ =	shalt  }
0x84: {  	_ =	shalt  }
0x85: {  	_ =	shalt  }
0x86: {  	_ =	shalt  }
0x87: {  	_ =	shalt  }
.Lfunc_end0:
.L_simem_size_0:
called_computation.1_lowered:
.L_overlay_start_0:
0x88: {  	s2 =	sld [smem:$0x3FD9]  }
0x89: {  	s3 =	sld [smem:$0x3FFE];
	_ =	sdelay $0x1  }
0x8a: {  	s1 =	srdreg.scid  }
0x8b: {  	s0 =	sand.u32 $0x1, s1  }
0x8c: {  	s17 =	sshll.u32 s0, $0xA;
	s2 =	sadd.s32 s3, s2  }
0x8d: {  	s2 =	sadd.s32 s2, s17  }
0x8e: {  	[smem:$0x3FC1] =	sst s2  }
0x8f: {  	_ = 	snop  }
0x90: {  	s2 =	sld [smem:$0x3FC7]  }
0x91: {  	s18 =	sld [smem:$0x3FD0];
	(tm) =	ssettm $0x1  }
0x92: {  	s4 =	sld [smem:$0x3FFB];
	_ =	sdelay $0x3  }
0x93: {  	_ =	strace s4  }
0x94: {  	s4 =	sld [smem:$0x3FFC];
	_ =	sdelay $0x3  }
0x95: {  	_ =	strace s4  }
0x96: {  	s4 =	sld [smem:$0x3FFD];
	_ =	sdelay $0x3  }
0x97: {  	_ =	strace s4  }
0x98: {  	_ =	strace $0x8FFFFFFF  }
0x99: {  	s19 =	sld [smem:$0x3FDB];
	_ =	sdelay $0x1  }
0x9a: {  	s5 =	simm.s32 $_scs_section_size  }
0x9b: {  	s6 =	simm.s32 $_size__tile_overlayer_lowered;
	s7 =	simm.s32 $_tile_overlayer_lowered  }
0x9c: {  	s22 =	simm.s32 $0x1BFF;
	s21 =	sshll.u32 s7, $0x1;
	s4 =	sadd.s32 s5, s19  }
0x9d: {  	s8 =	simm.s32 $0x0;
	s20 =	sshll.u32 s6, $0x1;
	s6 =	sadd.s32 s21, s4  }
0x9e: {  	[timem:s8], [sflag:s22] =	dma.local [hbm:s6], s20  }
0x9f: {  	_ =	swait.ge [sflag:s22], s20  }
0xa0: {  	s5 =	ssub.s32 $0x0, s20;
	[sflag:s22] =	ssyncset.done $0x0  }
0xa1: {  	[sflag:s22] =	ssyncadd.s32 s5;
	_ =	sdelay $0x1  }
0xa2: {  	s23 =	simm.s32 $0x1B8B  }
0xa3: {  	_ =	swait.ge [sflag:s23], $0x1  }
0xa4: {  	[sflag:s23] =	ssyncset.done $0x0  }
0xa5: {  	s25 =	simm.s32 $0x1B8E;
	s24 =	sld [smem:$0x3FFE];
	[sflag:s23] =	ssyncadd.s32 $0xFFFFFFFF  }
0xa6: {  	s26 =	simm.s32 $execute0_lowered;
	[smem:$0x3FD2] =	sst s25  }
0xa7: {  	s6 =	sshll.u32 s26, $0x1;
	_ =	strace $0x80000049;
	[dreg:$0x1] =	wrdreg $0xFFFFFFFF  }
0xa8: {  	s28 =	simm.s32 $_size_execute0_lowered;
	s4 =	sadd.s32 s4, s6;
	[dreg:$0x0] =	wrdreg $0x0  }
0xa9: {  	s6 =	sshll.u32 s28, $0x1;
	[dreg:$0x2] =	wrdreg s4  }
0xaa: {  	[dreg:$0x3] =	wrdreg s6  }
0xab: {  	[dreg:$0x4] =	wrdreg $0xC0  }
0xac: {  	_ =	task [dreg:s8], $0x5FFFF  }
0xad: {  	[dreg:$0x1] =	wrdreg $0xFFFFFFFF  }
0xae: {  	[dreg:$0x0] =	wrdreg $0x60  }
0xaf: {  	[dreg:$0x2] =	wrdreg s24  }
0xb0: {  	[dreg:$0x3] =	wrdreg s18  }
0xb1: {  	[dreg:$0x4] =	wrdreg s2  }
0xb2: {  	[dreg:$0x5] =	wrdreg $0x156A00  }
0xb3: {  	[dreg:$0x6] =	wrdreg $0x9  }
0xb4: {  	_ =	task.clear_ibuf [dreg:s8], $0x7FFFF;
	_ =	strace $0x90000049  }
0xb5: {  	s29 =	simm.s32 $0x9;
	_ =	strace $0x8000004B  }
0xb6: {  	_ =	swait.ge [sflag:s29], $0x1  }
0xb7: {  	[sflag:s29] =	ssyncadd.s32 $0xFFFFFFFF  }
0xb8: {  	_ =	strace $0x9000004B  }
0xb9: {  	_ =	sfence  }
0xba: {  	s30 =	sld [smem:$0x0];
	_ =	sdelay $0x2  }
0xbb: {  	s31 =	sshll.u32 s1, $0xD;
	s1 =	sshrl.u32 s1, $0x2  }
0xbc: {  	s3 =	sand.u32 $0x4000, s31;
	s1 =	sadd.s32 s1, s30  }
0xbd: {  	s0 =	sor.u32 s3, s0;
	s1 =	sshll.u32 s1, $0x11  }
0xbe: {  	s0 =	sor.u32 s1, s0  }
0xbf: {  	s0 =	sadd.s32 $0x8F2B, s0  }
0xc0: {  	[sflag:s0] =	ssyncadd.remote.s32 $0x1  }
0xc1: {  	_ =	sfence.sel $0xFFFF  }
0xc2: {  	[dreg:$0x0] =	wrdreg $0xFFFFFFFF;
	(pc) =	sbr.abs _section_cstart, $3  }
0xc3: {  	[dreg:$0x1] =	wrdreg $0xFFFFFFFF  }
0xc4: {  	_ =	task.clear_ibuf [dreg:s8], $0x2FFFF;
	_ =	strace $0x9FFFFFFF  }
0xc5: {  	(tm) =	ssettm $0x7FFFFFFF  }
tec
execute0_lowered:
.L_overlay_start_1:
0x0: {  	(tag) =	ssettag $0x1  }
0x1: {  	s0 =	rddreg [dreg:$0x0]  }
0x2: {  	s2 =	rddreg [dreg:$0x1]  }
0x3: {  	s5 =	rddreg [dreg:$0x2]  }
0x4: {  	s3 =	srdreg.scid;
	s1 =	rddreg [dreg:$0x3]  }
0x5: {  	s13 =	simm.s32 $0x0;
	s21 =	stileid.u32;
	s12 =	simm.s32 $0x9  }
0x6: {  	s14 =	simm.s32 $0xA280;
	s15 =	simm.s32 $0x64;
	s9 =	smul.u32 $0x9E00, s21  }
0x7: {  	s16 =	simm.s32 $0xF0A0;
	s18 =	simm.s32 $0x109A0;
	s8 =	smul.u32 $0xA28, s21  }
0x8: {  	s19 =	simm.s32 $0x1;
	s20 =	simm.s32 $0x122A0;
	s10 =	smul.u32 $0x27800, s21  }
0x9: {  	s28 =	simm.s32 $0x4;
	s4 =	sand.u32 $0x1, s3;
	s24 =	smul.u32 $0x9C4, s21  }
0xa: {  	s29 =	simm.s32 $0x7;
	[smem:$0x7FF] =	sst s13;
	s6 =	smul.u32 $0x13880, s4  }
0xb: {  	s21 =	simm.s32 $0x2;
	s7 =	smul.u32 $0x9E000, s4;
	s4 =	ssub.s32 $0x2, s4  }
0xc: {  	_ =	strace $0x8000004A;
	s11 =	sadd.s32 s8, s0;
	s22 =	sshrl.u32 s4, $0x1  }
0xd: {  	s23 =	sshrl.u32 s10, $0x2;
	s2 =	sadd.s32 s2, s8;
	s26 =	sadd.s32 s5, s24  }
0xe: {  	s30 =	sadd.s32 s9, s1;
	s24 =	simm.s32 $0x3;
	s6 =	sadd.s32 s6, s0  }
0xf: {  	s7 =	sadd.s32 s9, s7;
	s25 =	sadd.s32 $0xB600, s11;
	[dreg:$0x7] =	wrdreg s2  }
0x10: {  	[dreg:$0x8] =	wrdreg s26;
	s11 =	simm.s32 $0x154A0;
	s7 =	sshrl.u32 s7, $0x3  }
.Ltmp0:
0x11: {  	s26 =	simm.s32 $0x6;
	s0 =	sadd.s32 s7, s0;
	(pc) =	sbr.rel .LBB2_1-.Ltmp0, $4  }
0x12: {  	[dreg:$0x6] =	wrdreg s25;
	s7 =	ssub.s32 s4, s22;
	s0 =	sadd.s32 $0x8BC00, s0  }
0x13: {  	s8 =	sadd.s32 $0x64A00, s6;
	s31 =	smax.u32 s7, $0x1;
	[dreg:$0x9] =	wrdreg s0  }
0x14: {  	s4 =	sadd.s32 s23, s1;
	[dreg:$0xa] =	wrdreg s31;
	s0 =	sshrl.u32 s30, $0x3  }
0x15: {  	v0 =	vimm.f32 $0.0e+00;
	s22 =	simm.s32 $0x5;
	s23 =	simm.s32 $0x13BA0;
	[dreg:$0xb] =	wrdreg s0  }
.LBB2_14:
0x16: {  	[spmem:s1] =	stream.indirect.scatter.add.f32 [tilespmem:s23], [sflag:$0x8], $0x40, s2, s15, $0xb8;
	[tilespmem:$0x1F4A0] =	vst v63  }
0x17: {  	s0 =	simm.s32 $0x8  }
0x18: {  	_ =	swait.ge [sflag:s0], $0x1900  }
0x19: {  	[sflag:s0] =	ssyncset.done $0x0  }
0x1a: {  	[sflag:s0] =	ssyncadd.s32 $0xFFFFE700  }
0x1b: {  	s25 =	stileid.u32;
	[bflag:$0x0] =	sbarrier.arrive $0xFFFF  }
0x1c: {  	s0 =	sshll.u32 s25, $0x6;
	s30 =	rddreg [dreg:$0x9]  }
0x1d: {  	s0 =	sor.u32 $0x1C09, s0;
	s3 =	rddreg [dreg:$0xb]  }
0x1e: {  	[hbm:s30], [sflag:s0] =	dma.local [spmem:s3], $0x13C0  }
0x1f: {  	_ =	swait.ge [sflag:s12], $0x13C0  }
0x20: {  	s13 =	rddreg [dreg:$0x5]  }
0x21: {  	s31 =	rddreg [dreg:$0xa];
	s13 =	sadd.s32 $0x1, s13  }
0x22: {  	p0 =	sne.s32 s13, s31  }
.Ltmp1:
0x23: {  	_ = 	snop;
	(pc) =	sbr.rel @!p0 .LBB2_15-.Ltmp1, $3  }
0x24: {  	_ =	sdelay $0x1  }
0x25: {  	[sflag:s12] =	ssyncset.done $0x0  }
0x26: {  	[sflag:s12] =	ssyncadd.s32 $0xFFFFEC40  }
.LBB2_1:
0x27: {  	[tilespmem:$0x154A0] =	vst v0  }
0x28: {  	[tilespmem:$0x154B0] =	vst v0  }
0x29: {  	[tilespmem:$0x154C0] =	vst v0  }
0x2a: {  	[tilespmem:$0x154D0] =	vst v0  }
0x2b: {  	[tilespmem:$0x154E0] =	vst v0  }
0x2c: {  	[tilespmem:$0x154F0] =	vst v0  }
0x2d: {  	[tilespmem:$0x15500] =	vst v0  }
0x2e: {  	[tilespmem:$0x15510] =	vst v0  }
0x2f: {  	[tilespmem:$0x15520] =	vst v0  }
0x30: {  	[tilespmem:$0x15530] =	vst v0  }
0x31: {  	[tilespmem:$0x15540] =	vst v0  }
0x32: {  	[tilespmem:$0x15550] =	vst v0  }
0x33: {  	[tilespmem:$0x15560] =	vst v0  }
0x34: {  	[tilespmem:$0x15570] =	vst v0  }
0x35: {  	[tilespmem:$0x15580] =	vst v0  }
0x36: {  	[tilespmem:$0x15590] =	vst v0  }
0x37: {  	[tilespmem:$0x155A0] =	vst v0  }
0x38: {  	[tilespmem:$0x155B0] =	vst v0  }
0x39: {  	[tilespmem:$0x155C0] =	vst v0  }
0x3a: {  	[tilespmem:$0x155D0] =	vst v0  }
0x3b: {  	[tilespmem:$0x155E0] =	vst v0  }
0x3c: {  	[tilespmem:$0x155F0] =	vst v0  }
0x3d: {  	[tilespmem:$0x15600] =	vst v0  }
0x3e: {  	[tilespmem:$0x15610] =	vst v0  }
0x3f: {  	[tilespmem:$0x15620] =	vst v0  }
0x40: {  	[tilespmem:$0x15630] =	vst v0  }
0x41: {  	[tilespmem:$0x15640] =	vst v0  }
0x42: {  	[tilespmem:$0x15650] =	vst v0  }
0x43: {  	[tilespmem:$0x15660] =	vst v0  }
0x44: {  	[tilespmem:$0x15670] =	vst v0  }
0x45: {  	[tilespmem:$0x15680] =	vst v0  }
0x46: {  	[dreg:$0x5] =	wrdreg s13;
	[tilespmem:$0x15690] =	vst v0;
	s0 =	sadd.s32 $0x0, s4  }
0x47: {  	[spmem:s0] =	stream.linear.scatter [tilespmem:s11], [sflag:$0x9], $0x200, $0x38;
	[tilespmem:$0x1F4A0] =	vst v63  }
0x48: {  	s0 =	simm.s32 $0x800;
	_ =	swait.ge [sflag:s12], $0x200  }
.LBB2_2:
0x49: {  	s2 =	sshra.s32 s0, $0x2;
	[sflag:s12] =	ssyncset.done $0x0;
	p0 =	sne.s32 s0, $0x27000  }
.Ltmp2:
0x4a: {  	s2 =	sadd.s32 s2, s4;
	[sflag:s12] =	ssyncadd.s32 $0xFFFFFE00;
	(pc) =	sbr.rel @p0 .LBB2_2-.Ltmp2, $3  }
0x4b: {  	[spmem:s2] =	stream.linear.scatter [tilespmem:s11], [sflag:$0x9], $0x200, $0x38;
	[tilespmem:$0x1F4A0] =	vst v63  }
0x4c: {  	s0 =	sadd.s32 $0x800, s0;
	_ =	sdelay $0x1  }
0x4d: {  	_ =	swait.ge [sflag:s12], $0x200  }
0x4e: {  	[sflag:s12] =	ssyncset.done $0x0  }
0x4f: {  	[sflag:s12] =	ssyncadd.s32 $0xFFFFFE00  }
0x50: {  	[bflag:$0x0] =	sbarrier.arrive $0xFFFF  }
0x51: {  	s31 =	simm.s32 $0x0;
	s0 =	rddreg [dreg:$0x6]  }
0x52: {  	[tilespmem:s31], [sflag:$0x9] =	stream.linear.gather [hbm4b:s0+s31], $0x5140, $0x38;
	[tilespmem:$0x1F4A0] =	vst v63  }
0x53: {  	_ =	swait.ge [sflag:s12], $0x5140  }
0x54: {  	[sflag:s12] =	ssyncset.done $0x0  }
0x55: {  	s2 =	simm.s32 $0x5140;
	s17 =	rddreg [dreg:$0x7];
	[sflag:s12] =	ssyncadd.s32 $0xFFFFAEC0  }
0x56: {  	[tilespmem:s2], [sflag:$0x9] =	stream.linear.gather [hbm4b:s17+s31], $0x5140, $0x38;
	[tilespmem:$0x1F4A0] =	vst v63  }
0x57: {  	_ =	swait.ge [sflag:s12], $0x5140  }
0x58: {  	[sflag:s12] =	ssyncset.done $0x0  }
0x59: {  	s25 =	rddreg [dreg:$0x8];
	[sflag:s12] =	ssyncadd.s32 $0xFFFFAEC0  }
0x5a: {  	[tilespmem:s14], [sflag:$0x9] =	stream.linear.gather [hbm4b:s25+s31], $0x4E20, $0x38;
	[tilespmem:$0x1F4A0] =	vst v63  }
0x5b: {  	_ =	swait.ge [sflag:s12], $0x4E20  }
0x5c: {  	[sflag:s12] =	ssyncset.done $0x0  }
0x5d: {  	[sflag:s12] =	ssyncadd.s32 $0xFFFFB1E0  }
0x5e: {  	[tilespmem:s16], [sflag:$0x1] =	stream.indirect.gather [hbm4b:s8+s15], $0x40, s31, s15, $0xb8;
	[tilespmem:$0x1F4A0] =	vst v63  }
0x5f: {  	s30 =	simm.s32 $0x68;
	s0 =	simm.s32 $0x0  }
0x60: {  	[tilespmem:s18], [sflag:$0x2] =	stream.indirect.gather [hbm4b:s8+s15], $0x40, s30, s15, $0xb8;
	[tilespmem:$0x1F4A0] =	vst v63  }
.LBB2_4:
0x61: {  	s2 =	sadd.s32 $0xFFFFFFFC, s31  }
0x62: {  	s5 =	sadd.s32 $0x6, s2  }
0x63: {  	v1 =	vmov s5  }
0x64: {  	v1 =	vand.u32 $0xFFFFFFFE, v1  }
0x65: {  	s25 =	sadd.s32 $0x4, s2;
	v1 =	vbroadcast v1, $0x0  }
0x66: {  	_ =	swait.ge [sflag:s19], $0x1900;
	v2 =	vmov s25  }
0x67: {  	s30 =	sadd.s32 $0x5, s2;
	[sflag:s19] =	ssyncset.done $0x0;
	s2 =	sadd.s32 $0x7, s2;
	v2 =	vand.u32 $0xFFFFFFFC, v2  }
0x68: {  	[sflag:s19] =	ssyncadd.s32 $0xFFFFE700;
	v5 =	vmov s2;
	s2 =	simm.s32 $0xF120;
	v4 =	vbroadcast v2, $0x0  }
0x69: {  	v3 =	vmov s30;
	v6 =	vld [tilespmem:s2+$0x30]  }
0x6a: {  	v9 =	vld [tilespmem:s2+$0xFFFFFF80];
	v2 =	vand.u32 $0xFFFFFFFD, v3  }
0x6b: {  	v3 =	vbroadcast v2, $0x0;
	v2 =	vld.idx.msk [tilespmem:v1+s14+$0x0], $0xffff  }
0x6c: {  	v8 =	vld [tilespmem:s2+$0xFFFFFF90]  }
0x6d: {  	v7 =	vld [tilespmem:s2+$0xFFFFFFA0]  }
0x6e: {  	v4 =	vld.idx.msk [tilespmem:v4+s14+$0x0], $0xffff  }
0x6f: {  	v1 =	vld.idx.msk [tilespmem:v5+s14+$0x0], $0xffff  }
0x70: {  	v5 =	vld [tilespmem:s2+$0xFFFFFFB0];
	v6 =	vmul.f32 v6, v2  }
0x71: {  	v3 =	vld.idx.msk [tilespmem:v3+s14+$0x0], $0xffff  }
0x72: {  	s6 =	simm.s32 $0x0;
	s5 =	simm.s32 $0xF120;
	[tilespmem:s2+$0x30] =	vst v6;
	v6 =	vld [tilespmem:s2+$0xFFFFFFC0]  }
.LBB2_5:
0x73: {  	s7 =	sadd.s32 s6, s31;
	s6 =	sadd.s32 $0x4, s6;
	v9 =	vmul.f32 v9, v4;
	v10 =	vld [tilespmem:s2+$0xFFFFFFD0]  }
0x74: {  	s9 =	sadd.s32 $0x4, s7;
	s10 =	sadd.s32 $0x6, s7;
	p0 =	slt.u32 s6, $0x60;
	v8 =	vmul.f32 v8, v4;
	v11 =	vld [tilespmem:s2+$0xFFFFFFE0]  }
0x75: {  	v12 =	vmov s9;
	s9 =	sadd.s32 $0x5, s7;
	v13 =	vmov s10;
	s7 =	sadd.s32 $0x7, s7;
	[tilespmem:s2+$0xFFFFFF80] =	vst v9;
	v7 =	vmul.f32 v7, v4;
	v9 =	vld [tilespmem:s2+$0xFFFFFFF0]  }
0x76: {  	v12 =	vand.u32 $0xFFFFFFFC, v12;
	v14 =	vmov s9;
	v13 =	vand.u32 $0xFFFFFFFE, v13;
	[tilespmem:s2+$0xFFFFFF90] =	vst v8;
	v8 =	vld [tilespmem:s2+$0x0]  }
0x77: {  	v12 =	vbroadcast v12, $0x0;
	v14 =	vand.u32 $0xFFFFFFFD, v14;
	v13 =	vbroadcast v13, $0x0;
	[tilespmem:s2+$0xFFFFFFA0] =	vst v7;
	v7 =	vld [tilespmem:s2+$0x10]  }
0x78: {  	v15 =	vmov s7;
	v4 =	vmul.f32 v5, v4;
	v14 =	vbroadcast v14, $0x0;
	v5 =	vld [tilespmem:s2+$0x20]  }
0x79: {  	v6 =	vmul.f32 v6, v3;
	v10 =	vmul.f32 v10, v3;
	v16 =	vld [tilespmem:s2+$0x40]  }
0x7a: {  	[tilespmem:s2+$0xFFFFFFB0] =	vst v4;
	v4 =	vmul.f32 v11, v3;
	v3 =	vmul.f32 v9, v3;
	v9 =	vld [tilespmem:s2+$0x50]  }
0x7b: {  	[tilespmem:s2+$0xFFFFFFC0] =	vst v6;
	v6 =	vmul.f32 v8, v2;
	v8 =	vld [tilespmem:s2+$0x60]  }
0x7c: {  	[tilespmem:s2+$0xFFFFFFD0] =	vst v10;
	v7 =	vmul.f32 v7, v2;
	v10 =	vld [tilespmem:s2+$0x70]  }
0x7d: {  	s2 =	sadd.s32 $0x100, s2;
	[tilespmem:s5+$0xFFFFFFE0] =	vst v4;
	v5 =	vmul.f32 v5, v2;
	v2 =	vld.idx.msk [tilespmem:v13+s14+$0x0], $0xffff  }
0x7e: {  	v11 =	vld [tilespmem:s2+$0x30];
	[tilespmem:s5+$0xFFFFFFF0] =	vst v3;
	v13 =	vmul.f32 v16, v1  }
0x7f: {  	v4 =	vld.idx.msk [tilespmem:v12+s14+$0x0], $0xffff;
	[tilespmem:s5+$0x0] =	vst v6;
	v6 =	vmul.f32 v9, v1  }
0x80: {  	v3 =	vld.idx.msk [tilespmem:v14+s14+$0x0], $0xffff;
	[tilespmem:s5+$0x10] =	vst v7;
	v12 =	vmul.f32 v8, v1  }
0x81: {  	[tilespmem:s5+$0x20] =	vst v5;
	v10 =	vmul.f32 v10, v1;
	v1 =	vld.idx.msk [tilespmem:v15+s14+$0x0], $0xffff  }
.Ltmp3:
0x82: {  	v9 =	vld [tilespmem:s2+$0xFFFFFF80];
	[tilespmem:s5+$0x40] =	vst v13;
	(pc) =	sbr.rel @p0 .LBB2_5-.Ltmp3, $4  }
0x83: {  	v8 =	vld [tilespmem:s2+$0xFFFFFF90];
	v11 =	vmul.f32 v11, v2;
	[tilespmem:s5+$0x50] =	vst v6  }
0x84: {  	v7 =	vld [tilespmem:s2+$0xFFFFFFA0];
	[tilespmem:s5+$0x60] =	vst v12  }
0x85: {  	v5 =	vld [tilespmem:s2+$0xFFFFFFB0];
	[tilespmem:s2+$0x30] =	vst v11  }
0x86: {  	v6 =	vld [tilespmem:s2+$0xFFFFFFC0];
	[tilespmem:s5+$0x70] =	vst v10;
	s5 =	smov.u32 s2  }
0x87: {  	v9 =	vmul.f32 v9, v4;
	v10 =	vld [tilespmem:s2+$0xFFFFFFD0]  }
0x88: {  	v11 =	vld [tilespmem:s2+$0xFFFFFFE0];
	v8 =	vmul.f32 v8, v4  }
0x89: {  	[tilespmem:s2+$0xFFFFFF80] =	vst v9;
	v7 =	vmul.f32 v7, v4;
	v9 =	vld [tilespmem:s2+$0xFFFFFFF0]  }
0x8a: {  	[tilespmem:s2+$0xFFFFFF90] =	vst v8;
	v8 =	vld [tilespmem:s2+$0x0];
	v4 =	vmul.f32 v5, v4  }
0x8b: {  	v5 =	vld [tilespmem:s2+$0x10];
	[tilespmem:s2+$0xFFFFFFA0] =	vst v7;
	v6 =	vmul.f32 v6, v3  }
0x8c: {  	v7 =	vld [tilespmem:s2+$0x20];
	v10 =	vmul.f32 v10, v3;
	[tilespmem:s2+$0xFFFFFFB0] =	vst v4  }
0x8d: {  	v4 =	vld [tilespmem:s2+$0x40];
	v11 =	vmul.f32 v11, v3;
	[tilespmem:s2+$0xFFFFFFC0] =	vst v6  }
0x8e: {  	v6 =	vld [tilespmem:s2+$0x50];
	v3 =	vmul.f32 v9, v3;
	[tilespmem:s2+$0xFFFFFFD0] =	vst v10  }
0x8f: {  	v9 =	vld [tilespmem:s2+$0x60];
	v8 =	vmul.f32 v8, v2;
	[tilespmem:s5+$0xFFFFFFE0] =	vst v11  }
0x90: {  	v10 =	vld [tilespmem:s2+$0x70];
	v5 =	vmul.f32 v5, v2;
	[tilespmem:s5+$0xFFFFFFF0] =	vst v3  }
0x91: {  	v2 =	vmul.f32 v7, v2;
	[tilespmem:s5+$0x0] =	vst v8  }
0x92: {  	v3 =	vmul.f32 v4, v1;
	[tilespmem:s5+$0x10] =	vst v5  }
0x93: {  	v4 =	vmul.f32 v6, v1;
	[tilespmem:s5+$0x20] =	vst v2  }
0x94: {  	v2 =	vmul.f32 v9, v1;
	[tilespmem:s5+$0x40] =	vst v3  }
0x95: {  	v1 =	vmul.f32 v10, v1;
	[tilespmem:s5+$0x50] =	vst v4  }
0x96: {  	p0 =	seq.s32 s0, $0x0;
	s2 =	sshll.u32 s0, $0x2;
	[tilespmem:s5+$0x60] =	vst v2  }
0x97: {  	s6 =	sor.u32 $0x2, s2;
	[tilespmem:s5+$0x70] =	vst v1;
	s5 =	simm.s32 @!p0 $0x8  }
0x98: {  	s10 =	sadd.s32 $0xFFFFFFFC, s31;
	s6 =	smul.u32 $0x1A0, s6;
	_ =	swait.ge @!p0 [sflag:s5], $0x1900  }
0x99: {  	s7 =	sadd.s32 $0x6A, s10;
	s25 =	sadd.s32 $0x68, s10;
	[sflag:s5] =	ssyncset.done @!p0 $0x0  }
0x9a: {  	s17 =	sshra.s32 s6, $0x2;
	v1 =	vmov s7;
	[sflag:s5] =	ssyncadd.s32 @!p0 $0xFFFFE700;
	s5 =	smul.u32 $0x680, s0  }
0x9b: {  	v1 =	vand.u32 $0xFFFFFFFE, v1;
	[tilespmem:s20], [sflag:$0x3] =	stream.indirect.gather [hbm4b:s8+s15], $0x40, s17, s15, $0xb8;
	[tilespmem:$0x1F4A0] =	vst v63  }
0x9c: {  	s30 =	sadd.s32 $0x69, s10;
	v2 =	vmov s25;
	v1 =	vbroadcast v1, $0x0;
	s13 =	sshra.s32 s5, $0x2  }
0x9d: {  	v3 =	vmov s30;
	v2 =	vand.u32 $0xFFFFFFFC, v2;
	s9 =	sadd.s32 $0x5140, s13  }
0x9e: {  	v4 =	vbroadcast v2, $0x0;
	v2 =	vand.u32 $0xFFFFFFFD, v3;
	[spmem:s1] =	stream.indirect.scatter.add.f32 [tilespmem:s16], [sflag:$0x5], $0x40, s9, s15, $0xb8;
	[tilespmem:$0x1F4A0] =	vst v63  }
0x9f: {  	v3 =	vbroadcast v2, $0x0;
	_ =	swait.ge [sflag:s21], $0x1900  }
0xa0: {  	s6 =	sadd.s32 $0x6B, s10;
	[sflag:s21] =	ssyncset.done $0x0  }
0xa1: {  	v5 =	vmov s6;
	[sflag:s21] =	ssyncadd.s32 $0xFFFFE700  }
0xa2: {  	s7 =	simm.s32 $0x10A90;
	v2 =	vld.idx.msk [tilespmem:v1+s14+$0x0], $0xffff  }
0xa3: {  	v6 =	vld [tilespmem:s7+$0xFFFFFFC0]  }
0xa4: {  	v4 =	vld.idx.msk [tilespmem:v4+s14+$0x0], $0xffff  }
0xa5: {  	v3 =	vld.idx.msk [tilespmem:v3+s14+$0x0], $0xffff  }
0xa6: {  	v1 =	vld.idx.msk [tilespmem:v5+s14+$0x0], $0xffff  }
0xa7: {  	v9 =	vld [tilespmem:s7+$0xFFFFFF10]  }
0xa8: {  	v8 =	vld [tilespmem:s7+$0xFFFFFF20]  }
0xa9: {  	v7 =	vld [tilespmem:s7+$0xFFFFFF30];
	v6 =	vmul.f32 v6, v2  }
0xaa: {  	v5 =	vld [tilespmem:s7+$0xFFFFFF40]  }
0xab: {  	s10 =	simm.s32 $0x0;
	s6 =	sor.u32 $0x1, s2;
	s9 =	simm.s32 $0x10A90;
	[tilespmem:s7+$0xFFFFFFC0] =	vst v6;
	v6 =	vld [tilespmem:s7+$0xFFFFFF50]  }
.LBB2_7:
0xac: {  	s25 =	sadd.s32 s10, s31;
	s10 =	sadd.s32 $0x4, s10;
	v9 =	vmul.f32 v9, v4;
	v10 =	vld [tilespmem:s7+$0xFFFFFF60]  }
0xad: {  	s30 =	sadd.s32 $0x68, s25;
	s3 =	sadd.s32 $0x6A, s25;
	p0 =	slt.u32 s10, $0x60;
	v8 =	vmul.f32 v8, v4;
	v11 =	vld [tilespmem:s7+$0xFFFFFF70]  }
0xae: {  	v12 =	vmov s30;
	s30 =	sadd.s32 $0x69, s25;
	v13 =	vmov s3;
	s3 =	sadd.s32 $0x6B, s25;
	[tilespmem:s7+$0xFFFFFF10] =	vst v9;
	v7 =	vmul.f32 v7, v4;
	v9 =	vld [tilespmem:s7+$0xFFFFFF80]  }
0xaf: {  	v12 =	vand.u32 $0xFFFFFFFC, v12;
	v14 =	vmov s30;
	v13 =	vand.u32 $0xFFFFFFFE, v13;
	[tilespmem:s7+$0xFFFFFF20] =	vst v8;
	v8 =	vld [tilespmem:s7+$0xFFFFFF90]  }
0xb0: {  	v12 =	vbroadcast v12, $0x0;
	v14 =	vand.u32 $0xFFFFFFFD, v14;
	v13 =	vbroadcast v13, $0x0;
	[tilespmem:s7+$0xFFFFFF30] =	vst v7;
	v7 =	vld [tilespmem:s7+$0xFFFFFFA0]  }
0xb1: {  	v15 =	vmov s3;
	v4 =	vmul.f32 v5, v4;
	v14 =	vbroadcast v14, $0x0;
	v5 =	vld [tilespmem:s7+$0xFFFFFFB0]  }
0xb2: {  	v6 =	vmul.f32 v6, v3;
	v10 =	vmul.f32 v10, v3;
	v16 =	vld [tilespmem:s7+$0xFFFFFFD0]  }
0xb3: {  	[tilespmem:s7+$0xFFFFFF40] =	vst v4;
	v4 =	vmul.f32 v11, v3;
	v3 =	vmul.f32 v9, v3;
	v9 =	vld [tilespmem:s7+$0xFFFFFFE0]  }
0xb4: {  	[tilespmem:s7+$0xFFFFFF50] =	vst v6;
	v6 =	vmul.f32 v8, v2;
	v8 =	vld [tilespmem:s7+$0xFFFFFFF0]  }
0xb5: {  	[tilespmem:s7+$0xFFFFFF60] =	vst v10;
	v7 =	vmul.f32 v7, v2;
	v10 =	vld [tilespmem:s7+$0x0]  }
0xb6: {  	s7 =	sadd.s32 $0x100, s7;
	[tilespmem:s9+$0xFFFFFF70] =	vst v4;
	v5 =	vmul.f32 v5, v2;
	v2 =	vld.idx.msk [tilespmem:v13+s14+$0x0], $0xffff  }
0xb7: {  	v11 =	vld [tilespmem:s7+$0xFFFFFFC0];
	[tilespmem:s9+$0xFFFFFF80] =	vst v3;
	v13 =	vmul.f32 v16, v1  }
0xb8: {  	v4 =	vld.idx.msk [tilespmem:v12+s14+$0x0], $0xffff;
	[tilespmem:s9+$0xFFFFFF90] =	vst v6;
	v6 =	vmul.f32 v9, v1  }
0xb9: {  	v3 =	vld.idx.msk [tilespmem:v14+s14+$0x0], $0xffff;
	[tilespmem:s9+$0xFFFFFFA0] =	vst v7;
	v12 =	vmul.f32 v8, v1  }
0xba: {  	[tilespmem:s9+$0xFFFFFFB0] =	vst v5;
	v10 =	vmul.f32 v10, v1;
	v1 =	vld.idx.msk [tilespmem:v15+s14+$0x0], $0xffff  }
.Ltmp4:
0xbb: {  	v9 =	vld [tilespmem:s7+$0xFFFFFF10];
	[tilespmem:s9+$0xFFFFFFD0] =	vst v13;
	(pc) =	sbr.rel @p0 .LBB2_7-.Ltmp4, $4  }
0xbc: {  	v8 =	vld [tilespmem:s7+$0xFFFFFF20];
	v11 =	vmul.f32 v11, v2;
	[tilespmem:s9+$0xFFFFFFE0] =	vst v6  }
0xbd: {  	v7 =	vld [tilespmem:s7+$0xFFFFFF30];
	[tilespmem:s9+$0xFFFFFFF0] =	vst v12  }
0xbe: {  	v5 =	vld [tilespmem:s7+$0xFFFFFF40];
	[tilespmem:s7+$0xFFFFFFC0] =	vst v11  }
0xbf: {  	v6 =	vld [tilespmem:s7+$0xFFFFFF50];
	[tilespmem:s9+$0x0] =	vst v10;
	s9 =	smov.u32 s7  }
0xc0: {  	v9 =	vmul.f32 v9, v4;
	v10 =	vld [tilespmem:s7+$0xFFFFFF60]  }
0xc1: {  	v11 =	vld [tilespmem:s7+$0xFFFFFF70];
	v8 =	vmul.f32 v8, v4  }
0xc2: {  	[tilespmem:s7+$0xFFFFFF10] =	vst v9;
	v7 =	vmul.f32 v7, v4;
	v9 =	vld [tilespmem:s7+$0xFFFFFF80]  }
0xc3: {  	[tilespmem:s7+$0xFFFFFF20] =	vst v8;
	v8 =	vld [tilespmem:s7+$0xFFFFFF90];
	v4 =	vmul.f32 v5, v4  }
0xc4: {  	v5 =	vld [tilespmem:s7+$0xFFFFFFA0];
	[tilespmem:s7+$0xFFFFFF30] =	vst v7;
	v6 =	vmul.f32 v6, v3  }
0xc5: {  	v7 =	vld [tilespmem:s7+$0xFFFFFFB0];
	v10 =	vmul.f32 v10, v3;
	[tilespmem:s7+$0xFFFFFF40] =	vst v4  }
0xc6: {  	v4 =	vld [tilespmem:s7+$0xFFFFFFD0];
	v11 =	vmul.f32 v11, v3;
	[tilespmem:s7+$0xFFFFFF50] =	vst v6  }
0xc7: {  	v6 =	vld [tilespmem:s7+$0xFFFFFFE0];
	v3 =	vmul.f32 v9, v3;
	[tilespmem:s7+$0xFFFFFF60] =	vst v10  }
0xc8: {  	v9 =	vld [tilespmem:s7+$0xFFFFFFF0];
	v8 =	vmul.f32 v8, v2;
	[tilespmem:s9+$0xFFFFFF70] =	vst v11  }
0xc9: {  	v10 =	vld [tilespmem:s7+$0x0];
	v5 =	vmul.f32 v5, v2;
	[tilespmem:s9+$0xFFFFFF80] =	vst v3  }
0xca: {  	v2 =	vmul.f32 v7, v2;
	[tilespmem:s9+$0xFFFFFF90] =	vst v8  }
0xcb: {  	v3 =	vmul.f32 v4, v1;
	[tilespmem:s9+$0xFFFFFFA0] =	vst v5  }
0xcc: {  	v4 =	vmul.f32 v6, v1;
	[tilespmem:s9+$0xFFFFFFB0] =	vst v2  }
0xcd: {  	v2 =	vmul.f32 v9, v1;
	[tilespmem:s9+$0xFFFFFFD0] =	vst v3  }
0xce: {  	v1 =	vmul.f32 v10, v1;
	[tilespmem:s9+$0xFFFFFFE0] =	vst v4  }
0xcf: {  	[tilespmem:s9+$0xFFFFFFF0] =	vst v2  }
0xd0: {  	s2 =	sor.u32 $0x3, s2;
	s3 =	sadd.s32 $0xFFFFFFFC, s31;
	s6 =	smul.u32 $0x1A0, s6;
	[tilespmem:s9+$0x0] =	vst v1  }
0xd1: {  	s2 =	smul.u32 $0x1A0, s2;
	s10 =	sadd.s32 $0xCE, s3;
	_ =	swait.ge [sflag:s22], $0x1900  }
0xd2: {  	s25 =	sadd.s32 $0xCC, s3;
	s30 =	sadd.s32 $0xCD, s3;
	v1 =	vmov s10;
	[sflag:s22] =	ssyncset.done $0x0  }
0xd3: {  	s6 =	sshra.s32 s6, $0x2;
	s2 =	sshra.s32 s2, $0x2;
	v1 =	vand.u32 $0xFFFFFFFE, v1;
	[sflag:s22] =	ssyncadd.s32 $0xFFFFE700  }
0xd4: {  	v2 =	vmov s25;
	v1 =	vbroadcast v1, $0x0;
	[tilespmem:s23], [sflag:$0x4] =	stream.indirect.gather [hbm4b:s8+s15], $0x40, s2, s15, $0xb8;
	[tilespmem:$0x1F4A0] =	vst v63  }
0xd5: {  	s6 =	sadd.s32 $0x5140, s6;
	v3 =	vmov s30;
	v2 =	vand.u32 $0xFFFFFFFC, v2  }
0xd6: {  	v4 =	vbroadcast v2, $0x0;
	v2 =	vand.u32 $0xFFFFFFFD, v3;
	[spmem:s1] =	stream.indirect.scatter.add.f32 [tilespmem:s18], [sflag:$0x6], $0x40, s6, s15, $0xb8;
	[tilespmem:$0x1F4A0] =	vst v63  }
0xd7: {  	v3 =	vbroadcast v2, $0x0;
	_ =	swait.ge [sflag:s24], $0x1900  }
0xd8: {  	s3 =	sadd.s32 $0xCF, s3;
	[sflag:s24] =	ssyncset.done $0x0  }
0xd9: {  	v5 =	vmov s3;
	[sflag:s24] =	ssyncadd.s32 $0xFFFFE700  }
0xda: {  	s6 =	simm.s32 $0x12390;
	v2 =	vld.idx.msk [tilespmem:v1+s14+$0x0], $0xffff  }
0xdb: {  	v6 =	vld [tilespmem:s6+$0xFFFFFFC0]  }
0xdc: {  	v4 =	vld.idx.msk [tilespmem:v4+s14+$0x0], $0xffff  }
0xdd: {  	v3 =	vld.idx.msk [tilespmem:v3+s14+$0x0], $0xffff  }
0xde: {  	v1 =	vld.idx.msk [tilespmem:v5+s14+$0x0], $0xffff  }
0xdf: {  	v9 =	vld [tilespmem:s6+$0xFFFFFF10]  }
0xe0: {  	v8 =	vld [tilespmem:s6+$0xFFFFFF20]  }
0xe1: {  	v7 =	vld [tilespmem:s6+$0xFFFFFF30];
	v6 =	vmul.f32 v6, v2  }
0xe2: {  	v5 =	vld [tilespmem:s6+$0xFFFFFF40]  }
0xe3: {  	s7 =	simm.s32 $0x12390;
	s9 =	simm.s32 $0x0;
	[tilespmem:s6+$0xFFFFFFC0] =	vst v6;
	v6 =	vld [tilespmem:s6+$0xFFFFFF50]  }
.LBB2_9:
0xe4: {  	s3 =	sadd.s32 s9, s31;
	s9 =	sadd.s32 $0x4, s9;
	v9 =	vmul.f32 v9, v4;
	v10 =	vld [tilespmem:s6+$0xFFFFFF60]  }
0xe5: {  	s10 =	sadd.s32 $0xCC, s3;
	s25 =	sadd.s32 $0xCE, s3;
	p0 =	slt.u32 s9, $0x60;
	v8 =	vmul.f32 v8, v4;
	v11 =	vld [tilespmem:s6+$0xFFFFFF70]  }
0xe6: {  	v12 =	vmov s10;
	s10 =	sadd.s32 $0xCD, s3;
	v13 =	vmov s25;
	s3 =	sadd.s32 $0xCF, s3;
	[tilespmem:s6+$0xFFFFFF10] =	vst v9;
	v7 =	vmul.f32 v7, v4;
	v9 =	vld [tilespmem:s6+$0xFFFFFF80]  }
0xe7: {  	v12 =	vand.u32 $0xFFFFFFFC, v12;
	v14 =	vmov s10;
	v13 =	vand.u32 $0xFFFFFFFE, v13;
	[tilespmem:s6+$0xFFFFFF20] =	vst v8;
	v8 =	vld [tilespmem:s6+$0xFFFFFF90]  }
0xe8: {  	v12 =	vbroadcast v12, $0x0;
	v14 =	vand.u32 $0xFFFFFFFD, v14;
	v13 =	vbroadcast v13, $0x0;
	[tilespmem:s6+$0xFFFFFF30] =	vst v7;
	v7 =	vld [tilespmem:s6+$0xFFFFFFA0]  }
0xe9: {  	v15 =	vmov s3;
	v4 =	vmul.f32 v5, v4;
	v14 =	vbroadcast v14, $0x0;
	v5 =	vld [tilespmem:s6+$0xFFFFFFB0]  }
0xea: {  	v6 =	vmul.f32 v6, v3;
	v10 =	vmul.f32 v10, v3;
	v16 =	vld [tilespmem:s6+$0xFFFFFFD0]  }
0xeb: {  	[tilespmem:s6+$0xFFFFFF40] =	vst v4;
	v4 =	vmul.f32 v11, v3;
	v3 =	vmul.f32 v9, v3;
	v9 =	vld [tilespmem:s6+$0xFFFFFFE0]  }
0xec: {  	[tilespmem:s6+$0xFFFFFF50] =	vst v6;
	v6 =	vmul.f32 v8, v2;
	v8 =	vld [tilespmem:s6+$0xFFFFFFF0]  }
0xed: {  	[tilespmem:s6+$0xFFFFFF60] =	vst v10;
	v7 =	vmul.f32 v7, v2;
	v10 =	vld [tilespmem:s6+$0x0]  }
0xee: {  	s6 =	sadd.s32 $0x100, s6;
	[tilespmem:s7+$0xFFFFFF70] =	vst v4;
	v5 =	vmul.f32 v5, v2;
	v2 =	vld.idx.msk [tilespmem:v13+s14+$0x0], $0xffff  }
0xef: {  	v11 =	vld [tilespmem:s6+$0xFFFFFFC0];
	[tilespmem:s7+$0xFFFFFF80] =	vst v3;
	v13 =	vmul.f32 v16, v1  }
0xf0: {  	v4 =	vld.idx.msk [tilespmem:v12+s14+$0x0], $0xffff;
	[tilespmem:s7+$0xFFFFFF90] =	vst v6;
	v6 =	vmul.f32 v9, v1  }
0xf1: {  	v3 =	vld.idx.msk [tilespmem:v14+s14+$0x0], $0xffff;
	[tilespmem:s7+$0xFFFFFFA0] =	vst v7;
	v12 =	vmul.f32 v8, v1  }
0xf2: {  	[tilespmem:s7+$0xFFFFFFB0] =	vst v5;
	v10 =	vmul.f32 v10, v1;
	v1 =	vld.idx.msk [tilespmem:v15+s14+$0x0], $0xffff  }
.Ltmp5:
0xf3: {  	v9 =	vld [tilespmem:s6+$0xFFFFFF10];
	[tilespmem:s7+$0xFFFFFFD0] =	vst v13;
	(pc) =	sbr.rel @p0 .LBB2_9-.Ltmp5, $4  }
0xf4: {  	v8 =	vld [tilespmem:s6+$0xFFFFFF20];
	v11 =	vmul.f32 v11, v2;
	[tilespmem:s7+$0xFFFFFFE0] =	vst v6  }
0xf5: {  	v7 =	vld [tilespmem:s6+$0xFFFFFF30];
	[tilespmem:s7+$0xFFFFFFF0] =	vst v12  }
0xf6: {  	v5 =	vld [tilespmem:s6+$0xFFFFFF40];
	[tilespmem:s6+$0xFFFFFFC0] =	vst v11  }
0xf7: {  	v6 =	vld [tilespmem:s6+$0xFFFFFF50];
	[tilespmem:s7+$0x0] =	vst v10;
	s7 =	smov.u32 s6  }
0xf8: {  	v9 =	vmul.f32 v9, v4;
	v10 =	vld [tilespmem:s6+$0xFFFFFF60]  }
0xf9: {  	v11 =	vld [tilespmem:s6+$0xFFFFFF70];
	v8 =	vmul.f32 v8, v4  }
0xfa: {  	[tilespmem:s6+$0xFFFFFF10] =	vst v9;
	v7 =	vmul.f32 v7, v4;
	v9 =	vld [tilespmem:s6+$0xFFFFFF80]  }
0xfb: {  	[tilespmem:s6+$0xFFFFFF20] =	vst v8;
	v8 =	vld [tilespmem:s6+$0xFFFFFF90];
	v4 =	vmul.f32 v5, v4  }
0xfc: {  	v5 =	vld [tilespmem:s6+$0xFFFFFFA0];
	[tilespmem:s6+$0xFFFFFF30] =	vst v7;
	v6 =	vmul.f32 v6, v3  }
0xfd: {  	v7 =	vld [tilespmem:s6+$0xFFFFFFB0];
	v10 =	vmul.f32 v10, v3;
	[tilespmem:s6+$0xFFFFFF40] =	vst v4  }
0xfe: {  	v4 =	vld [tilespmem:s6+$0xFFFFFFD0];
	v11 =	vmul.f32 v11, v3;
	[tilespmem:s6+$0xFFFFFF50] =	vst v6  }
0xff: {  	v6 =	vld [tilespmem:s6+$0xFFFFFFE0];
	v3 =	vmul.f32 v9, v3;
	[tilespmem:s6+$0xFFFFFF60] =	vst v10  }
0x100: {  	v9 =	vld [tilespmem:s6+$0xFFFFFFF0];
	v8 =	vmul.f32 v8, v2;
	[tilespmem:s7+$0xFFFFFF70] =	vst v11  }
0x101: {  	v10 =	vld [tilespmem:s6+$0x0];
	v5 =	vmul.f32 v5, v2;
	[tilespmem:s7+$0xFFFFFF80] =	vst v3  }
0x102: {  	v2 =	vmul.f32 v7, v2;
	[tilespmem:s7+$0xFFFFFF90] =	vst v8  }
0x103: {  	v3 =	vmul.f32 v4, v1;
	[tilespmem:s7+$0xFFFFFFA0] =	vst v5  }
0x104: {  	v4 =	vmul.f32 v6, v1;
	[tilespmem:s7+$0xFFFFFFB0] =	vst v2  }
0x105: {  	v2 =	vmul.f32 v9, v1;
	[tilespmem:s7+$0xFFFFFFD0] =	vst v3  }
0x106: {  	v1 =	vmul.f32 v10, v1;
	[tilespmem:s7+$0xFFFFFFE0] =	vst v4  }
0x107: {  	p0 =	seq.s32 s0, $0x31;
	[tilespmem:s7+$0xFFFFFFF0] =	vst v2  }
0x108: {  	s30 =	sadd.s32 $0xFFFFFFFC, s31;
	s3 =	sshra.s32 @!p0 s5, $0x2;
	[tilespmem:s7+$0x0] =	vst v1  }
0x109: {  	s9 =	sadd.s32 $0x132, s30;
	s10 =	sadd.s32 $0x131, s30;
	_ =	swait.ge [sflag:s26], $0x1900  }
0x10a: {  	s3 =	sadd.s32 @!p0 $0x1A0, s3;
	s6 =	simm.s32 @!p0 $0x64;
	v1 =	vmov s9;
	[sflag:s26] =	ssyncset.done $0x0  }
0x10b: {  	s7 =	simm.s32 @!p0 $0xF0A0;
	s9 =	sadd.s32 $0x130, s30;
	v1 =	vand.u32 $0xFFFFFFFE, v1;
	[sflag:s26] =	ssyncadd.s32 $0xFFFFE700  }
0x10c: {  	v2 =	vmov s9;
	v1 =	vbroadcast v1, $0x0;
	[tilespmem:s7], [sflag:$0x1] =	stream.indirect.gather @!p0 [hbm4b:s8+s6], $0x40, s3, s6, $0xb8;
	[tilespmem:$0x1F4A0] =	vst v63  }
0x10d: {  	s25 =	sadd.s32 $0x5140, s17;
	v3 =	vmov s10;
	v2 =	vand.u32 $0xFFFFFFFC, v2  }
0x10e: {  	v4 =	vbroadcast v2, $0x0;
	v2 =	vand.u32 $0xFFFFFFFD, v3;
	[spmem:s1] =	stream.indirect.scatter.add.f32 [tilespmem:s20], [sflag:$0x7], $0x40, s25, s15, $0xb8;
	[tilespmem:$0x1F4A0] =	vst v63  }
0x10f: {  	v3 =	vbroadcast v2, $0x0;
	_ =	swait.ge [sflag:s28], $0x1900  }
0x110: {  	s30 =	sadd.s32 $0x133, s30;
	[sflag:s28] =	ssyncset.done $0x0  }
0x111: {  	v5 =	vmov s30;
	[sflag:s28] =	ssyncadd.s32 $0xFFFFE700  }
0x112: {  	s5 =	simm.s32 $0x13C90;
	v2 =	vld.idx.msk [tilespmem:v1+s14+$0x0], $0xffff  }
0x113: {  	v6 =	vld [tilespmem:s5+$0xFFFFFFC0]  }
0x114: {  	v4 =	vld.idx.msk [tilespmem:v4+s14+$0x0], $0xffff  }
0x115: {  	v3 =	vld.idx.msk [tilespmem:v3+s14+$0x0], $0xffff  }
0x116: {  	v1 =	vld.idx.msk [tilespmem:v5+s14+$0x0], $0xffff  }
0x117: {  	v9 =	vld [tilespmem:s5+$0xFFFFFF10]  }
0x118: {  	v8 =	vld [tilespmem:s5+$0xFFFFFF20]  }
0x119: {  	v7 =	vld [tilespmem:s5+$0xFFFFFF30];
	v6 =	vmul.f32 v6, v2  }
0x11a: {  	v5 =	vld [tilespmem:s5+$0xFFFFFF40]  }
0x11b: {  	s7 =	simm.s32 $0x0;
	s6 =	simm.s32 $0x13C90;
	[tilespmem:s5+$0xFFFFFFC0] =	vst v6;
	v6 =	vld [tilespmem:s5+$0xFFFFFF50]  }
.LBB2_11:
0x11c: {  	s3 =	sadd.s32 s7, s31;
	s7 =	sadd.s32 $0x4, s7;
	v9 =	vmul.f32 v9, v4;
	v10 =	vld [tilespmem:s5+$0xFFFFFF60]  }
0x11d: {  	s9 =	sadd.s32 $0x130, s3;
	s10 =	sadd.s32 $0x132, s3;
	p1 =	slt.u32 s7, $0x60;
	v8 =	vmul.f32 v8, v4;
	v11 =	vld [tilespmem:s5+$0xFFFFFF70]  }
0x11e: {  	v12 =	vmov s9;
	s9 =	sadd.s32 $0x131, s3;
	v13 =	vmov s10;
	s3 =	sadd.s32 $0x133, s3;
	[tilespmem:s5+$0xFFFFFF10] =	vst v9;
	v7 =	vmul.f32 v7, v4;
	v9 =	vld [tilespmem:s5+$0xFFFFFF80]  }
0x11f: {  	v12 =	vand.u32 $0xFFFFFFFC, v12;
	v14 =	vmov s9;
	v13 =	vand.u32 $0xFFFFFFFE, v13;
	[tilespmem:s5+$0xFFFFFF20] =	vst v8;
	v8 =	vld [tilespmem:s5+$0xFFFFFF90]  }
0x120: {  	v12 =	vbroadcast v12, $0x0;
	v14 =	vand.u32 $0xFFFFFFFD, v14;
	v13 =	vbroadcast v13, $0x0;
	[tilespmem:s5+$0xFFFFFF30] =	vst v7;
	v7 =	vld [tilespmem:s5+$0xFFFFFFA0]  }
0x121: {  	v15 =	vmov s3;
	v4 =	vmul.f32 v5, v4;
	v14 =	vbroadcast v14, $0x0;
	v5 =	vld [tilespmem:s5+$0xFFFFFFB0]  }
0x122: {  	v6 =	vmul.f32 v6, v3;
	v10 =	vmul.f32 v10, v3;
	v16 =	vld [tilespmem:s5+$0xFFFFFFD0]  }
0x123: {  	[tilespmem:s5+$0xFFFFFF40] =	vst v4;
	v4 =	vmul.f32 v11, v3;
	v3 =	vmul.f32 v9, v3;
	v9 =	vld [tilespmem:s5+$0xFFFFFFE0]  }
0x124: {  	[tilespmem:s5+$0xFFFFFF50] =	vst v6;
	v6 =	vmul.f32 v8, v2;
	v8 =	vld [tilespmem:s5+$0xFFFFFFF0]  }
0x125: {  	[tilespmem:s5+$0xFFFFFF60] =	vst v10;
	v7 =	vmul.f32 v7, v2;
	v10 =	vld [tilespmem:s5+$0x0]  }
0x126: {  	s5 =	sadd.s32 $0x100, s5;
	[tilespmem:s6+$0xFFFFFF70] =	vst v4;
	v5 =	vmul.f32 v5, v2;
	v2 =	vld.idx.msk [tilespmem:v13+s14+$0x0], $0xffff  }
0x127: {  	v11 =	vld [tilespmem:s5+$0xFFFFFFC0];
	[tilespmem:s6+$0xFFFFFF80] =	vst v3;
	v13 =	vmul.f32 v16, v1  }
0x128: {  	v4 =	vld.idx.msk [tilespmem:v12+s14+$0x0], $0xffff;
	[tilespmem:s6+$0xFFFFFF90] =	vst v6;
	v6 =	vmul.f32 v9, v1  }
0x129: {  	v3 =	vld.idx.msk [tilespmem:v14+s14+$0x0], $0xffff;
	[tilespmem:s6+$0xFFFFFFA0] =	vst v7;
	v12 =	vmul.f32 v8, v1  }
0x12a: {  	[tilespmem:s6+$0xFFFFFFB0] =	vst v5;
	v10 =	vmul.f32 v10, v1;
	v1 =	vld.idx.msk [tilespmem:v15+s14+$0x0], $0xffff  }
.Ltmp6:
0x12b: {  	v9 =	vld [tilespmem:s5+$0xFFFFFF10];
	[tilespmem:s6+$0xFFFFFFD0] =	vst v13;
	(pc) =	sbr.rel @p1 .LBB2_11-.Ltmp6, $4  }
0x12c: {  	v8 =	vld [tilespmem:s5+$0xFFFFFF20];
	v11 =	vmul.f32 v11, v2;
	[tilespmem:s6+$0xFFFFFFE0] =	vst v6  }
0x12d: {  	v7 =	vld [tilespmem:s5+$0xFFFFFF30];
	[tilespmem:s6+$0xFFFFFFF0] =	vst v12  }
0x12e: {  	v5 =	vld [tilespmem:s5+$0xFFFFFF40];
	[tilespmem:s5+$0xFFFFFFC0] =	vst v11  }
0x12f: {  	v6 =	vld [tilespmem:s5+$0xFFFFFF50];
	[tilespmem:s6+$0x0] =	vst v10;
	s6 =	smov.u32 s5  }
0x130: {  	v9 =	vmul.f32 v9, v4;
	v10 =	vld [tilespmem:s5+$0xFFFFFF60]  }
0x131: {  	v55 =	vld [tilespmem:s5+$0xFFFFFF90];
	v8 =	vmul.f32 v8, v4  }
0x132: {  	v57 =	vld [tilespmem:s5+$0xFFFFFFA0];
	[tilespmem:s5+$0xFFFFFF10] =	vst v9;
	v7 =	vmul.f32 v7, v4  }
0x133: {  	v58 =	vld [tilespmem:s5+$0xFFFFFFB0];
	[tilespmem:s5+$0xFFFFFF20] =	vst v8;
	v56 =	vmul.f32 v5, v4  }
0x134: {  	v60 =	vld [tilespmem:s5+$0xFFFFFFE0];
	[tilespmem:s5+$0xFFFFFF30] =	vst v7;
	v6 =	vmul.f32 v6, v3  }
0x135: {  	v11 =	vld [tilespmem:s5+$0xFFFFFF70];
	v10 =	vmul.f32 v10, v3;
	[tilespmem:s5+$0xFFFFFF40] =	vst v56  }
0x136: {  	v54 =	vld [tilespmem:s5+$0xFFFFFF80];
	v8 =	vmul.f32 v55, v2;
	[tilespmem:s5+$0xFFFFFF50] =	vst v6  }
0x137: {  	v61 =	vld [tilespmem:s5+$0xFFFFFFF0];
	v5 =	vmul.f32 v57, v2;
	[tilespmem:s5+$0xFFFFFF60] =	vst v10  }
0x138: {  	v59 =	vld [tilespmem:s5+$0xFFFFFFD0];
	v2 =	vmul.f32 v58, v2;
	[tilespmem:s6+$0xFFFFFF90] =	vst v8  }
0x139: {  	v62 =	vld [tilespmem:s5+$0x0];
	v63 =	vmul.f32 v60, v1;
	[tilespmem:s6+$0xFFFFFFA0] =	vst v5  }
0x13a: {  	v11 =	vmul.f32 v11, v3;
	[tilespmem:s6+$0xFFFFFFB0] =	vst v2  }
0x13b: {  	v3 =	vmul.f32 v54, v3;
	[tilespmem:s6+$0xFFFFFFE0] =	vst v63  }
0x13c: {  	v2 =	vmul.f32 v61, v1;
	[tilespmem:s6+$0xFFFFFF70] =	vst v11  }
0x13d: {  	[tilespmem:s6+$0xFFFFFF80] =	vst v3;
	v3 =	vmul.f32 v59, v1  }
0x13e: {  	v1 =	vmul.f32 v62, v1;
	[tilespmem:s6+$0xFFFFFFF0] =	vst v2  }
.Ltmp7:
0x13f: {  	[tilespmem:s6+$0xFFFFFFD0] =	vst v3;
	(pc) =	sbr.rel @p0 .LBB2_14-.Ltmp7, $4  }
0x140: {  	[tilespmem:s6+$0x0] =	vst v1  }
0x141: {  	_ =	swait.ge [sflag:s29], $0x1900  }
0x142: {  	[sflag:s29] =	ssyncset.done $0x0  }
0x143: {  	s2 =	sadd.s32 $0x5140, s2;
	[sflag:s29] =	ssyncadd.s32 $0xFFFFE700  }
.Ltmp8:
0x144: {  	(pc) =	sbr.rel .LBB2_4-.Ltmp8, $4  }
0x145: {  	s3 =	sadd.s32 $0x208, s13  }
0x146: {  	[tilespmem:s18], [sflag:$0x2] =	stream.indirect.gather [hbm4b:s8+s15], $0x40, s3, s15, $0xb8;
	[tilespmem:$0x1F4A0] =	vst v63  }
0x147: {  	s0 =	sadd.s32 $0x1, s0;
	s31 =	sadd.s32 $0x190, s31  }
0x148: {  	[spmem:s1] =	stream.indirect.scatter.add.f32 [tilespmem:s23], [sflag:$0x8], $0x40, s2, s15, $0xb8;
	[tilespmem:$0x1F4A0] =	vst v63  }
.LBB2_15:
0x149: {  	_ =	sfence.sel $0x180000  }
0x14a: {  	[bflag:$0x0] =	sbarrier.arrive $0xFFFF  }
0x14b: {  	_ =	strace $0x9000004A  }
0x14c: {  	s0 =	stileid.u32;
	[bflag:$0x2] =	sbarrier.arrive $0xFFFF  }
0x14d: {  	p0 =	sne.s32 s0, $0x0;
	s0 =	rddreg [dreg:$0x4]  }
0x14e: {  	s0 =	sadd.s32 @!p0 $0x100000, s0  }
0x14f: {  	[sflag:s0] =	ssyncadd.tile.s32 @!p0 $0x1;
	_ =	shalt  }
.Lfunc_end2:
_tile_overlayer_lowered:
.L_overlay_start_2:
0x150: {  	(tag) =	ssettag $0x2  }
0x151: {  	s0 =	rddreg [dreg:$0x0];
	s2 =	stileid.u32  }
0x152: {  	s1 =	rddreg [dreg:$0x1];
	p0 =	sne.s32 s2, $0x0  }
0x153: {  	s3 =	rddreg [dreg:$0x2];
	[bflag:$0x3] =	sbarrier.arrive $0xFFFF;
	s2 =	simm.s32 @!p0 $0x1C09  }
0x154: {  	[timem:s3], [sflag:s2] =	dma.local @!p0 [hbm:s0], s1  }
0x155: {  	s0 =	simm.s32 @!p0 $0x9  }
0x156: {  	_ =	swait.ge @!p0 [sflag:s0], s1  }
0x157: {  	s1 =	ssub.s32 @!p0 $0x0, s1;
	[sflag:s0] =	ssyncset.done @!p0 $0x0  }
0x158: {  	[sflag:s0] =	ssyncadd.s32 @!p0 s1  }
0x159: {  	[bflag:$0x3] =	sbarrier.arrive $0xFFFF  }
0x15a: {  	_ =	shalt  }

// kernel: kernel.14.cloned.1.call-start
scs
__scs_entry_jumppad:
0x0: {  	(pc) =	sbr.rel $0x88, $3  }
0x1: {  	(tag) =	ssettag $0x0;
	lr =	simm.s32 $0x1  }
0x2: {  	[smem:$0x3F9A] =	sst lr;
	_ =	strace $0xD0000000  }
0x3: {  	_ = 	snop  }
0x4: {  	_ = 	snop  }
0x5: {  	_ = 	snop  }
0x6: {  	_ = 	snop  }
0x7: {  	_ = 	snop  }
__scs_overlays_trampoline_lowered:
0x8: {  	[smem:$0x3FA9] =	sst s0  }
0x9: {  	[smem:$0x3FAA] =	sst s1  }
0xa: {  	[smem:$0x3FAB] =	sst s2  }
0xb: {  	[smem:$0x3FAC] =	sst s3  }
0xc: {  	[smem:$0x3FAD] =	sst s4  }
0xd: {  	[smem:$0x3FAE] =	sst s5  }
0xe: {  	[smem:$0x3FAF] =	sst s6  }
0xf: {  	[smem:$0x3FB0] =	sst s7  }
0x10: {  	[smem:$0x3FB1] =	sst s8  }
0x11: {  	[smem:$0x3FB2] =	sst s9;
	s0 =	simm.s32 @!p0 $0x0  }
0x12: {  	s1 =	sld [smem:$0x3F98];
	s0 =	simm.s32 @p0 $0x1  }
0x13: {  	[smem:$0x3FB3] =	sst s0;
	s0 =	simm.s32 @!p1 $0x0  }
0x14: {  	s2 =	sld [smem:$0x3F97];
	s0 =	simm.s32 @p1 $0x1  }
0x15: {  	[smem:$0x3FB4] =	sst s0;
	s0 =	simm.s32 @!p2 $0x0  }
0x16: {  	s3 =	sld [smem:$0x3FDB];
	s0 =	simm.s32 @p2 $0x1  }
0x17: {  	s4 =	simm.s32 $0x1BF5;
	[smem:$0x3FB6] =	sst s0  }
0x18: {  	s0 =	sld [smem:$0x3F99];
	_ =	swait.ge [sflag:s4], $0x0  }
0x19: {  	s7 =	sld [smem:$0x3F9A]  }
0x1a: {  	s8 =	sadd.s32 $0xFFFFE003, lr  }
0x1b: {  	s9 =	sadd.s32 $0xFFFFFEF7, lr;
	s5 =	simm.s32 $0xFFFFFFFF;
	p2 =	slt.u32 s8, $0xFFFFF086  }
0x1c: {  	p1 =	slt.u32 s9, $0xF7A;
	s5 =	simm.s32 @!p2 $0x0  }
0x1d: {  	s5 =	simm.s32 @p1 $0x1;
	p0 =	seq.s32 s7, s2  }
0x1e: {  	s7 =	smul.u32 @!p0 $0xF7A, s2;
	p2 =	seq.s32 @!p0 s5, $0x0  }
0x1f: {  	s9 =	smul.u32 $0xF7A, s1;
	s8 =	simm.s32 @!p0 $0x1BF5;
	p2 =	por !p2, p0  }
0x20: {  	[sflag:s8] =	ssyncset.s32 @!p0 $0xFFFFF086;
	s6 =	sadd.s32 @!p0 s3, s7;
	s7 =	simm.s32 @!p0 $0x108  }
0x21: {  	s3 =	sadd.s32 s3, s9;
	s6 =	sadd.s32 @!p0 $0x88, s6;
	s7 =	simm.s32 @p2 $0x1082  }
0x22: {  	[simem:s7], [sflag:s8] =	dma.local @!p0 [hbm:s6], $0xF7A  }
0x23: {  	s9 =	sor.u32 $0xD0000000, s2;
	s6 =	simm.s32 $0x108;
	_ =	swait.ge @!p0 [sflag:s8], $0x0  }
0x24: {  	s3 =	sadd.s32 $0x88, s3;
	s6 =	simm.s32 @!p1 $0x1082;
	[sflag:s4] =	ssyncset.s32 $0xFFFFF086  }
0x25: {  	[simem:s6], [sflag:s4] =	dma.local [hbm:s3], $0xF7A  }
0x26: {  	[smem:$0x3F9A] =	sst s1;
	(tag) =	ssettag s2;
	_ =	strace s9  }
0x27: {  	s1 =	sld [smem:$0x3FAA]  }
0x28: {  	s2 =	sld [smem:$0x3FAB]  }
0x29: {  	s4 =	sld [smem:$0x3FAD]  }
0x2a: {  	p0 =	seq.s32 s5, $0x0;
	s5 =	sld [smem:$0x3FAE]  }
0x2b: {  	s6 =	sld [smem:$0x3FAF]  }
0x2c: {  	s7 =	sld [smem:$0x3FB0]  }
0x2d: {  	s3 =	simm.s32 $0x108;
	s8 =	sld [smem:$0x3FB1]  }
0x2e: {  	s3 =	simm.s32 @!p0 $0x1082;
	s9 =	sld [smem:$0x3FB2]  }
0x2f: {  	lr =	sadd.s32 s0, s3;
	s0 =	sld [smem:$0x3FA9]  }
0x30: {  	s3 =	sld [smem:$0x3FAC]  }
0x31: {  	[smem:$0x3FB5] =	sst s10  }
0x32: {  	s10 =	sld [smem:$0x3FB3];
	_ =	sdelay $0x3  }
0x33: {  	p0 =	seq.s32 s10, $0x1;
	s10 =	sld [smem:$0x3FB5];
	_ =	sdelay $0x3  }
0x34: {  	[smem:$0x3FB5] =	sst s10  }
0x35: {  	s10 =	sld [smem:$0x3FB4];
	_ =	sdelay $0x3  }
0x36: {  	p1 =	seq.s32 s10, $0x1;
	s10 =	sld [smem:$0x3FB5];
	_ =	sdelay $0x3  }
0x37: {  	[smem:$0x3FB5] =	sst s10  }
0x38: {  	s10 =	sld [smem:$0x3FB6]  }
0x39: {  	_ = 	snop;
	(pc) =	sbr.ind lr, $3  }
0x3a: {  	_ = 	snop  }
0x3b: {  	_ = 	snop  }
0x3c: {  	p2 =	seq.s32 s10, $0x1;
	s10 =	sld [smem:$0x3FB5]  }
0x3d: {  	_ =	shalt  }
0x3e: {  	_ =	shalt  }
0x3f: {  	_ =	shalt  }
0x40: {  	_ =	shalt  }
0x41: {  	_ =	shalt  }
0x42: {  	_ =	shalt  }
0x43: {  	_ =	shalt  }
0x44: {  	_ =	shalt  }
0x45: {  	_ =	shalt  }
0x46: {  	_ =	shalt  }
0x47: {  	_ =	shalt  }
0x48: {  	_ =	shalt  }
0x49: {  	_ =	shalt  }
0x4a: {  	_ =	shalt  }
0x4b: {  	_ =	shalt  }
0x4c: {  	_ =	shalt  }
0x4d: {  	_ =	shalt  }
0x4e: {  	_ =	shalt  }
0x4f: {  	_ =	shalt  }
0x50: {  	_ =	shalt  }
0x51: {  	_ =	shalt  }
0x52: {  	_ =	shalt  }
0x53: {  	_ =	shalt  }
0x54: {  	_ =	shalt  }
0x55: {  	_ =	shalt  }
0x56: {  	_ =	shalt  }
0x57: {  	_ =	shalt  }
0x58: {  	_ =	shalt  }
0x59: {  	_ =	shalt  }
0x5a: {  	_ =	shalt  }
0x5b: {  	_ =	shalt  }
0x5c: {  	_ =	shalt  }
0x5d: {  	_ =	shalt  }
0x5e: {  	_ =	shalt  }
0x5f: {  	_ =	shalt  }
0x60: {  	_ =	shalt  }
0x61: {  	_ =	shalt  }
0x62: {  	_ =	shalt  }
0x63: {  	_ =	shalt  }
0x64: {  	_ =	shalt  }
0x65: {  	_ =	shalt  }
0x66: {  	_ =	shalt  }
0x67: {  	_ =	shalt  }
0x68: {  	_ =	shalt  }
0x69: {  	_ =	shalt  }
0x6a: {  	_ =	shalt  }
0x6b: {  	_ =	shalt  }
0x6c: {  	_ =	shalt  }
0x6d: {  	_ =	shalt  }
0x6e: {  	_ =	shalt  }
0x6f: {  	_ =	shalt  }
0x70: {  	_ =	shalt  }
0x71: {  	_ =	shalt  }
0x72: {  	_ =	shalt  }
0x73: {  	_ =	shalt  }
0x74: {  	_ =	shalt  }
0x75: {  	_ =	shalt  }
0x76: {  	_ =	shalt  }
0x77: {  	_ =	shalt  }
0x78: {  	_ =	shalt  }
0x79: {  	_ =	shalt  }
0x7a: {  	_ =	shalt  }
0x7b: {  	_ =	shalt  }
0x7c: {  	_ =	shalt  }
0x7d: {  	_ =	shalt  }
0x7e: {  	_ =	shalt  }
0x7f: {  	_ =	shalt  }
0x80: {  	_ =	shalt  }
0x81: {  	_ =	shalt  }
0x82: {  	_ =	shalt  }
0x83: {  	_ =	shalt  }
0x84: {  	_ =	shalt  }
0x85: {  	_ =	shalt  }
0x86: {  	_ =	shalt  }
0x87: {  	_ =	shalt  }
.Lfunc_end0:
.L_simem_size_0:
called_computation.2_lowered:
.L_overlay_start_0:
0x88: {  	s2 =	sld [smem:$0x3FD9]  }
0x89: {  	s3 =	sld [smem:$0x3FFE];
	_ =	sdelay $0x1  }
0x8a: {  	s1 =	srdreg.scid  }
0x8b: {  	s0 =	sand.u32 $0x1, s1  }
0x8c: {  	s17 =	sshll.u32 s0, $0xA;
	s2 =	sadd.s32 s3, s2  }
0x8d: {  	s2 =	sadd.s32 s2, s17  }
0x8e: {  	[smem:$0x3FC1] =	sst s2  }
0x8f: {  	_ = 	snop  }
0x90: {  	s2 =	sld [smem:$0x3FC7]  }
0x91: {  	s18 =	sld [smem:$0x3FD0];
	(tm) =	ssettm $0x1  }
0x92: {  	s4 =	sld [smem:$0x3FFB];
	_ =	sdelay $0x3  }
0x93: {  	_ =	strace s4  }
0x94: {  	s4 =	sld [smem:$0x3FFC];
	_ =	sdelay $0x3  }
0x95: {  	_ =	strace s4  }
0x96: {  	s4 =	sld [smem:$0x3FFD];
	_ =	sdelay $0x3  }
0x97: {  	_ =	strace s4  }
0x98: {  	_ =	strace $0x8FFFFFFF  }
0x99: {  	s19 =	sld [smem:$0x3FDB];
	_ =	sdelay $0x1  }
0x9a: {  	s5 =	simm.s32 $_scs_section_size  }
0x9b: {  	s6 =	simm.s32 $_size__tile_overlayer_lowered;
	s7 =	simm.s32 $_tile_overlayer_lowered  }
0x9c: {  	s22 =	simm.s32 $0x1BFF;
	s21 =	sshll.u32 s7, $0x1;
	s4 =	sadd.s32 s5, s19  }
0x9d: {  	s8 =	simm.s32 $0x0;
	s20 =	sshll.u32 s6, $0x1;
	s6 =	sadd.s32 s21, s4  }
0x9e: {  	[timem:s8], [sflag:s22] =	dma.local [hbm:s6], s20  }
0x9f: {  	_ =	swait.ge [sflag:s22], s20  }
0xa0: {  	s5 =	ssub.s32 $0x0, s20;
	[sflag:s22] =	ssyncset.done $0x0  }
0xa1: {  	[sflag:s22] =	ssyncadd.s32 s5;
	_ =	sdelay $0x1  }
0xa2: {  	s23 =	simm.s32 $0x1B8B  }
0xa3: {  	_ =	swait.ge [sflag:s23], $0x1  }
0xa4: {  	[sflag:s23] =	ssyncset.done $0x0  }
0xa5: {  	s25 =	simm.s32 $0x1B8E;
	s24 =	sld [smem:$0x3FFE];
	[sflag:s23] =	ssyncadd.s32 $0xFFFFFFFF  }
0xa6: {  	s26 =	simm.s32 $execute0_lowered;
	[smem:$0x3FD2] =	sst s25  }
0xa7: {  	s6 =	sshll.u32 s26, $0x1;
	_ =	strace $0x8000004C;
	[dreg:$0x1] =	wrdreg $0xFFFFFFFF  }
0xa8: {  	s28 =	simm.s32 $_size_execute0_lowered;
	s4 =	sadd.s32 s4, s6;
	[dreg:$0x0] =	wrdreg $0x0  }
0xa9: {  	s6 =	sshll.u32 s28, $0x1;
	[dreg:$0x2] =	wrdreg s4  }
0xaa: {  	[dreg:$0x3] =	wrdreg s6  }
0xab: {  	[dreg:$0x4] =	wrdreg $0xC0  }
0xac: {  	_ =	task [dreg:s8], $0x5FFFF  }
0xad: {  	[dreg:$0x1] =	wrdreg $0xFFFFFFFF  }
0xae: {  	[dreg:$0x0] =	wrdreg $0x60  }
0xaf: {  	[dreg:$0x2] =	wrdreg s24  }
0xb0: {  	[dreg:$0x3] =	wrdreg s18  }
0xb1: {  	[dreg:$0x4] =	wrdreg s2  }
0xb2: {  	[dreg:$0x5] =	wrdreg $0x123A00  }
0xb3: {  	[dreg:$0x6] =	wrdreg $0x9  }
0xb4: {  	_ =	task.clear_ibuf [dreg:s8], $0x7FFFF;
	_ =	strace $0x9000004C  }
0xb5: {  	s29 =	simm.s32 $0x9;
	_ =	strace $0x8000004E  }
0xb6: {  	_ =	swait.ge [sflag:s29], $0x1  }
0xb7: {  	[sflag:s29] =	ssyncadd.s32 $0xFFFFFFFF  }
0xb8: {  	_ =	strace $0x9000004E  }
0xb9: {  	_ =	sfence  }
0xba: {  	s30 =	sld [smem:$0x0];
	_ =	sdelay $0x2  }
0xbb: {  	s31 =	sshll.u32 s1, $0xD;
	s1 =	sshrl.u32 s1, $0x2  }
0xbc: {  	s3 =	sand.u32 $0x4000, s31;
	s1 =	sadd.s32 s1, s30  }
0xbd: {  	s0 =	sor.u32 s3, s0;
	s1 =	sshll.u32 s1, $0x11  }
0xbe: {  	s0 =	sor.u32 s1, s0  }
0xbf: {  	s0 =	sadd.s32 $0x8F2B, s0  }
0xc0: {  	[sflag:s0] =	ssyncadd.remote.s32 $0x1  }
0xc1: {  	_ =	sfence.sel $0xFFFF  }
0xc2: {  	[dreg:$0x0] =	wrdreg $0xFFFFFFFF;
	(pc) =	sbr.abs _section_cstart, $3  }
0xc3: {  	[dreg:$0x1] =	wrdreg $0xFFFFFFFF  }
0xc4: {  	_ =	task.clear_ibuf [dreg:s8], $0x2FFFF;
	_ =	strace $0x9FFFFFFF  }
0xc5: {  	(tm) =	ssettm $0x7FFFFFFF  }
tec
execute0_lowered:
.L_overlay_start_1:
0x0: {  	(tag) =	ssettag $0x1  }
0x1: {  	s0 =	rddreg [dreg:$0x0]  }
0x2: {  	s2 =	rddreg [dreg:$0x1]  }
0x3: {  	s5 =	rddreg [dreg:$0x2]  }
0x4: {  	s3 =	srdreg.scid;
	s1 =	rddreg [dreg:$0x3]  }
0x5: {  	s13 =	simm.s32 $0x0;
	s21 =	stileid.u32;
	s12 =	simm.s32 $0x9  }
0x6: {  	s14 =	simm.s32 $0xA280;
	s15 =	simm.s32 $0x64;
	s9 =	smul.u32 $0x4F00, s21  }
0x7: {  	s16 =	simm.s32 $0xF0A0;
	s18 =	simm.s32 $0xFD20;
	s8 =	smul.u32 $0xA28, s21  }
0x8: {  	s19 =	simm.s32 $0x1;
	s20 =	simm.s32 $0x109A0;
	s10 =	smul.u32 $0x13C00, s21  }
0x9: {  	s28 =	simm.s32 $0x4;
	s4 =	sand.u32 $0x1, s3;
	s24 =	smul.u32 $0x9C4, s21  }
0xa: {  	s29 =	simm.s32 $0x7;
	[smem:$0x7FF] =	sst s13;
	s6 =	smul.u32 $0x9C40, s4  }
0xb: {  	s21 =	simm.s32 $0x2;
	s7 =	smul.u32 $0x4F000, s4;
	s4 =	ssub.s32 $0x2, s4  }
0xc: {  	_ =	strace $0x8000004D;
	s11 =	sadd.s32 s8, s0;
	s22 =	sshrl.u32 s4, $0x1  }
0xd: {  	s23 =	sshrl.u32 s10, $0x2;
	s2 =	sadd.s32 s2, s8;
	s26 =	sadd.s32 s5, s24  }
0xe: {  	s30 =	sadd.s32 s9, s1;
	s24 =	simm.s32 $0x3;
	s6 =	sadd.s32 s6, s0  }
0xf: {  	s7 =	sadd.s32 s9, s7;
	s25 =	sadd.s32 $0xB600, s11;
	[dreg:$0x7] =	wrdreg s2  }
0x10: {  	[dreg:$0x8] =	wrdreg s26;
	s11 =	simm.s32 $0x122A0;
	s7 =	sshrl.u32 s7, $0x3  }
.Ltmp0:
0x11: {  	s26 =	simm.s32 $0x6;
	s0 =	sadd.s32 s7, s0;
	(pc) =	sbr.rel .LBB2_1-.Ltmp0, $4  }
0x12: {  	[dreg:$0x6] =	wrdreg s25;
	s7 =	ssub.s32 s4, s22;
	s0 =	sadd.s32 $0x78400, s0  }
0x13: {  	s8 =	sadd.s32 $0x64A00, s6;
	s31 =	smax.u32 s7, $0x1;
	[dreg:$0x9] =	wrdreg s0  }
0x14: {  	s4 =	sadd.s32 s23, s1;
	[dreg:$0xa] =	wrdreg s31;
	s0 =	sshrl.u32 s30, $0x3  }
0x15: {  	v0 =	vimm.f32 $0.0e+00;
	s22 =	simm.s32 $0x5;
	s23 =	simm.s32 $0x11620;
	[dreg:$0xb] =	wrdreg s0  }
.LBB2_14:
0x16: {  	[spmem:s1] =	stream.indirect.scatter.add.f32 [tilespmem:s23], [sflag:$0x8], $0x20, s2, s15, $0xb8;
	[tilespmem:$0x172A0] =	vst v63  }
0x17: {  	s0 =	simm.s32 $0x8  }
0x18: {  	_ =	swait.ge [sflag:s0], $0xC80  }
0x19: {  	[sflag:s0] =	ssyncset.done $0x0  }
0x1a: {  	[sflag:s0] =	ssyncadd.s32 $0xFFFFF380  }
0x1b: {  	s25 =	stileid.u32;
	[bflag:$0x0] =	sbarrier.arrive $0xFFFF  }
0x1c: {  	s0 =	sshll.u32 s25, $0x6;
	s30 =	rddreg [dreg:$0x9]  }
0x1d: {  	s0 =	sor.u32 $0x1C09, s0;
	s3 =	rddreg [dreg:$0xb]  }
0x1e: {  	[hbm:s30], [sflag:s0] =	dma.local [spmem:s3], $0x9E0  }
0x1f: {  	_ =	swait.ge [sflag:s12], $0x9E0  }
0x20: {  	s13 =	rddreg [dreg:$0x5]  }
0x21: {  	s31 =	rddreg [dreg:$0xa];
	s13 =	sadd.s32 $0x1, s13  }
0x22: {  	p0 =	sne.s32 s13, s31  }
.Ltmp1:
0x23: {  	_ = 	snop;
	(pc) =	sbr.rel @!p0 .LBB2_15-.Ltmp1, $3  }
0x24: {  	_ =	sdelay $0x1  }
0x25: {  	[sflag:s12] =	ssyncset.done $0x0  }
0x26: {  	[sflag:s12] =	ssyncadd.s32 $0xFFFFF620  }
.LBB2_1:
0x27: {  	[tilespmem:$0x122A0] =	vst v0  }
0x28: {  	[tilespmem:$0x122B0] =	vst v0  }
0x29: {  	[tilespmem:$0x122C0] =	vst v0  }
0x2a: {  	[tilespmem:$0x122D0] =	vst v0  }
0x2b: {  	[tilespmem:$0x122E0] =	vst v0  }
0x2c: {  	[tilespmem:$0x122F0] =	vst v0  }
0x2d: {  	[tilespmem:$0x12300] =	vst v0  }
0x2e: {  	[tilespmem:$0x12310] =	vst v0  }
0x2f: {  	[tilespmem:$0x12320] =	vst v0  }
0x30: {  	[tilespmem:$0x12330] =	vst v0  }
0x31: {  	[tilespmem:$0x12340] =	vst v0  }
0x32: {  	[tilespmem:$0x12350] =	vst v0  }
0x33: {  	[tilespmem:$0x12360] =	vst v0  }
0x34: {  	[tilespmem:$0x12370] =	vst v0  }
0x35: {  	[tilespmem:$0x12380] =	vst v0  }
0x36: {  	[dreg:$0x5] =	wrdreg s13;
	[tilespmem:$0x12390] =	vst v0;
	s0 =	sadd.s32 $0x0, s4  }
0x37: {  	[spmem:s0] =	stream.linear.scatter [tilespmem:s11], [sflag:$0x9], $0x100, $0x38;
	[tilespmem:$0x172A0] =	vst v63  }
0x38: {  	s0 =	simm.s32 $0x400;
	_ =	swait.ge [sflag:s12], $0x100  }
.LBB2_2:
0x39: {  	s2 =	sshra.s32 s0, $0x2;
	[sflag:s12] =	ssyncset.done $0x0;
	p0 =	sne.s32 s0, $0x13800  }
.Ltmp2:
0x3a: {  	s2 =	sadd.s32 s2, s4;
	[sflag:s12] =	ssyncadd.s32 $0xFFFFFF00;
	(pc) =	sbr.rel @p0 .LBB2_2-.Ltmp2, $3  }
0x3b: {  	[spmem:s2] =	stream.linear.scatter [tilespmem:s11], [sflag:$0x9], $0x100, $0x38;
	[tilespmem:$0x172A0] =	vst v63  }
0x3c: {  	s0 =	sadd.s32 $0x400, s0;
	_ =	sdelay $0x1  }
0x3d: {  	_ =	swait.ge [sflag:s12], $0x100  }
0x3e: {  	[sflag:s12] =	ssyncset.done $0x0  }
0x3f: {  	[sflag:s12] =	ssyncadd.s32 $0xFFFFFF00  }
0x40: {  	[bflag:$0x0] =	sbarrier.arrive $0xFFFF  }
0x41: {  	s31 =	simm.s32 $0x0;
	s0 =	rddreg [dreg:$0x6]  }
0x42: {  	[tilespmem:s31], [sflag:$0x9] =	stream.linear.gather [hbm4b:s0+s31], $0x5140, $0x38;
	[tilespmem:$0x172A0] =	vst v63  }
0x43: {  	_ =	swait.ge [sflag:s12], $0x5140  }
0x44: {  	[sflag:s12] =	ssyncset.done $0x0  }
0x45: {  	s2 =	simm.s32 $0x5140;
	s17 =	rddreg [dreg:$0x7];
	[sflag:s12] =	ssyncadd.s32 $0xFFFFAEC0  }
0x46: {  	[tilespmem:s2], [sflag:$0x9] =	stream.linear.gather [hbm4b:s17+s31], $0x5140, $0x38;
	[tilespmem:$0x172A0] =	vst v63  }
0x47: {  	_ =	swait.ge [sflag:s12], $0x5140  }
0x48: {  	[sflag:s12] =	ssyncset.done $0x0  }
0x49: {  	s25 =	rddreg [dreg:$0x8];
	[sflag:s12] =	ssyncadd.s32 $0xFFFFAEC0  }
0x4a: {  	[tilespmem:s14], [sflag:$0x9] =	stream.linear.gather [hbm4b:s25+s31], $0x4E20, $0x38;
	[tilespmem:$0x172A0] =	vst v63  }
0x4b: {  	_ =	swait.ge [sflag:s12], $0x4E20  }
0x4c: {  	[sflag:s12] =	ssyncset.done $0x0  }
0x4d: {  	[sflag:s12] =	ssyncadd.s32 $0xFFFFB1E0  }
0x4e: {  	[tilespmem:s16], [sflag:$0x1] =	stream.indirect.gather [hbm4b:s8+s15], $0x20, s31, s15, $0xb8;
	[tilespmem:$0x172A0] =	vst v63  }
0x4f: {  	s30 =	simm.s32 $0x68;
	s0 =	simm.s32 $0x0  }
0x50: {  	[tilespmem:s18], [sflag:$0x2] =	stream.indirect.gather [hbm4b:s8+s15], $0x20, s30, s15, $0xb8;
	[tilespmem:$0x172A0] =	vst v63  }
.LBB2_4:
0x51: {  	s2 =	sadd.s32 $0xFFFFFFFC, s31  }
0x52: {  	s5 =	sadd.s32 $0x6, s2  }
0x53: {  	s10 =	sadd.s32 $0x4, s2;
	v1 =	vmov s5  }
0x54: {  	s13 =	sadd.s32 $0x5, s2;
	v2 =	vmov s10;
	v1 =	vand.u32 $0xFFFFFFFE, v1  }
0x55: {  	v3 =	vmov s13;
	v2 =	vand.u32 $0xFFFFFFFC, v2;
	v1 =	vbroadcast v1, $0x0  }
0x56: {  	v3 =	vand.u32 $0xFFFFFFFD, v3;
	v4 =	vbroadcast v2, $0x0  }
0x57: {  	_ =	swait.ge [sflag:s19], $0xC80;
	v3 =	vbroadcast v3, $0x0  }
0x58: {  	[sflag:s19] =	ssyncset.done $0x0;
	s2 =	sadd.s32 $0x7, s2  }
0x59: {  	[sflag:s19] =	ssyncadd.s32 $0xFFFFF380;
	v5 =	vmov s2;
	s2 =	simm.s32 $0xF0E0  }
0x5a: {  	v6 =	vld [tilespmem:s2+$0x10]  }
0x5b: {  	v2 =	vld.idx.msk [tilespmem:v1+s14+$0x0], $0xffff  }
0x5c: {  	v4 =	vld.idx.msk [tilespmem:v4+s14+$0x0], $0xffff  }
0x5d: {  	s17 =	sadd.s32 $0x0, s31;
	v11 =	vld.idx.msk [tilespmem:v3+s14+$0x0], $0xffff  }
0x5e: {  	s6 =	sadd.s32 $0x6, s17;
	v1 =	vld.idx.msk [tilespmem:v5+s14+$0x0], $0xffff  }
0x5f: {  	s25 =	sadd.s32 $0x4, s17;
	s7 =	sadd.s32 $0x5, s17;
	v3 =	vmov s6;
	v5 =	vld [tilespmem:s2+$0xFFFFFFC0]  }
0x60: {  	v8 =	vmov s25;
	v10 =	vmov s7;
	v7 =	vld [tilespmem:s2+$0xFFFFFFD0];
	v3 =	vand.u32 $0xFFFFFFFE, v3  }
0x61: {  	v9 =	vld [tilespmem:s2+$0xFFFFFFE0];
	v8 =	vand.u32 $0xFFFFFFFC, v8;
	v3 =	vbroadcast v3, $0x0;
	v6 =	vmul.f32 v6, v2  }
0x62: {  	v13 =	vld [tilespmem:s2+$0xFFFFFFF0];
	v14 =	vand.u32 $0xFFFFFFFD, v10;
	v10 =	vbroadcast v8, $0x0  }
0x63: {  	v8 =	vbroadcast v14, $0x0;
	[tilespmem:s2+$0x10] =	vst v6;
	v6 =	vld [tilespmem:s2+$0x0]  }
0x64: {  	s30 =	sadd.s32 $0x7, s17;
	v12 =	vmul.f32 v5, v4;
	v5 =	vld [tilespmem:s2+$0x20]  }
0x65: {  	s5 =	simm.s32 $0xF160;
	v15 =	vmul.f32 v7, v4;
	v4 =	vld [tilespmem:s2+$0x30];
	v7 =	vmov s30  }
0x66: {  	[tilespmem:s2+$0xFFFFFFC0] =	vst v12;
	v12 =	vmul.f32 v9, v11;
	v9 =	vld [tilespmem:s5+$0x10]  }
0x67: {  	s6 =	simm.s32 $0x4;
	[tilespmem:s2+$0xFFFFFFD0] =	vst v15;
	v11 =	vmul.f32 v13, v11;
	v3 =	vld.idx.msk [tilespmem:v3+s14+$0x0], $0xffff  }
.LBB2_5:
0x68: {  	s7 =	sadd.s32 s6, s31;
	s6 =	sadd.s32 $0x4, s6;
	v13 =	vld.idx.msk [tilespmem:v10+s14+$0x0], $0xffff;
	[tilespmem:s2+$0xFFFFFFE0] =	vst v12;
	v2 =	vmul.f32 v6, v2  }
0x69: {  	s9 =	sadd.s32 $0x4, s7;
	s10 =	sadd.s32 $0x6, s7;
	p0 =	slt.u32 s6, $0x60;
	v14 =	vld.idx.msk [tilespmem:v8+s14+$0x0], $0xffff;
	[tilespmem:s2+$0xFFFFFFF0] =	vst v11;
	v5 =	vmul.f32 v5, v1  }
0x6a: {  	v6 =	vmov s9;
	s9 =	sadd.s32 $0x5, s7;
	v8 =	vmov s10;
	s7 =	sadd.s32 $0x7, s7;
	[tilespmem:s2+$0x0] =	vst v2;
	v10 =	vmul.f32 v4, v1;
	v1 =	vld.idx.msk [tilespmem:v7+s14+$0x0], $0xffff  }
0x6b: {  	v4 =	vand.u32 $0xFFFFFFFC, v6;
	v6 =	vmov s9;
	v7 =	vand.u32 $0xFFFFFFFE, v8;
	v11 =	vld [tilespmem:s5+$0xFFFFFFC0];
	[tilespmem:s2+$0x20] =	vst v5  }
0x6c: {  	v5 =	vand.u32 $0xFFFFFFFD, v6;
	v12 =	vbroadcast v7, $0x0;
	v15 =	vld [tilespmem:s5+$0xFFFFFFD0];
	v6 =	vmul.f32 v9, v3;
	[tilespmem:s2+$0x30] =	vst v10;
	v2 =	vmovc v3;
	s2 =	smov.u32 s5  }
0x6d: {  	v10 =	vbroadcast v4, $0x0;
	v7 =	vmov s7;
	v8 =	vbroadcast v5, $0x0;
	v9 =	vld [tilespmem:s5+$0xFFFFFFE0]  }
0x6e: {  	v16 =	vld [tilespmem:s5+$0xFFFFFFF0];
	[tilespmem:s5+$0x10] =	vst v6  }
.Ltmp3:
0x6f: {  	v6 =	vld [tilespmem:s5+$0x0];
	(pc) =	sbr.rel @p0 .LBB2_5-.Ltmp3, $4  }
0x70: {  	v11 =	vmul.f32 v11, v13;
	v5 =	vld [tilespmem:s5+$0x20]  }
0x71: {  	v13 =	vmul.f32 v15, v13;
	v4 =	vld [tilespmem:s5+$0x30]  }
0x72: {  	s5 =	sadd.s32 $0x80, s5;
	v3 =	vld.idx.msk [tilespmem:v12+s14+$0x0], $0xffff;
	[tilespmem:s2+$0xFFFFFFC0] =	vst v11;
	v12 =	vmul.f32 v9, v14  }
0x73: {  	v9 =	vld [tilespmem:s5+$0x10];
	[tilespmem:s2+$0xFFFFFFD0] =	vst v13;
	v11 =	vmul.f32 v16, v14  }
0x74: {  	_ =	sdelay $0x3  }
0x75: {  	v10 =	vld.idx.msk [tilespmem:v10+s14+$0x0], $0xffff  }
0x76: {  	v8 =	vld.idx.msk [tilespmem:v8+s14+$0x0], $0xffff  }
0x77: {  	v7 =	vld.idx.msk [tilespmem:v7+s14+$0x0], $0xffff  }
0x78: {  	v13 =	vld [tilespmem:s5+$0xFFFFFFC0]  }
0x79: {  	[tilespmem:s2+$0xFFFFFFE0] =	vst v12;
	v12 =	vld [tilespmem:s5+$0xFFFFFFD0];
	v2 =	vmul.f32 v6, v2  }
0x7a: {  	v6 =	vld [tilespmem:s5+$0xFFFFFFE0];
	[tilespmem:s2+$0xFFFFFFF0] =	vst v11;
	v5 =	vmul.f32 v5, v1  }
0x7b: {  	v11 =	vld [tilespmem:s5+$0xFFFFFFF0];
	[tilespmem:s2+$0x0] =	vst v2;
	v1 =	vmul.f32 v4, v1  }
0x7c: {  	v2 =	vld [tilespmem:s5+$0x0];
	[tilespmem:s2+$0x20] =	vst v5;
	v9 =	vmul.f32 v9, v3  }
0x7d: {  	v5 =	vld [tilespmem:s5+$0x20];
	[tilespmem:s2+$0x30] =	vst v1;
	v4 =	vmul.f32 v13, v10  }
0x7e: {  	v1 =	vmul.f32 v12, v10;
	[tilespmem:s5+$0x10] =	vst v9;
	v9 =	vld [tilespmem:s5+$0x30]  }
0x7f: {  	[tilespmem:s5+$0xFFFFFFC0] =	vst v4;
	v4 =	vmul.f32 v6, v8  }
0x80: {  	[tilespmem:s5+$0xFFFFFFD0] =	vst v1;
	v1 =	vmul.f32 v11, v8  }
0x81: {  	v2 =	vmul.f32 v2, v3;
	[tilespmem:s5+$0xFFFFFFE0] =	vst v4  }
0x82: {  	[tilespmem:s5+$0xFFFFFFF0] =	vst v1;
	v1 =	vmul.f32 v5, v7  }
0x83: {  	[tilespmem:s5+$0x0] =	vst v2;
	v2 =	vmul.f32 v9, v7  }
0x84: {  	p0 =	seq.s32 s0, $0x0;
	s2 =	sshll.u32 s0, $0x2;
	[tilespmem:s5+$0x20] =	vst v1  }
0x85: {  	s6 =	sor.u32 $0x2, s2;
	[tilespmem:s5+$0x30] =	vst v2;
	s5 =	simm.s32 @!p0 $0x8  }
0x86: {  	s10 =	sadd.s32 $0xFFFFFFFC, s31;
	s6 =	smul.u32 $0x1A0, s6;
	_ =	swait.ge @!p0 [sflag:s5], $0xC80  }
0x87: {  	s7 =	sadd.s32 $0x6A, s10;
	s25 =	sadd.s32 $0x68, s10;
	[sflag:s5] =	ssyncset.done @!p0 $0x0  }
0x88: {  	s17 =	sshra.s32 s6, $0x2;
	v1 =	vmov s7;
	[sflag:s5] =	ssyncadd.s32 @!p0 $0xFFFFF380;
	s5 =	smul.u32 $0x680, s0  }
0x89: {  	v1 =	vand.u32 $0xFFFFFFFE, v1;
	[tilespmem:s20], [sflag:$0x3] =	stream.indirect.gather [hbm4b:s8+s15], $0x20, s17, s15, $0xb8;
	[tilespmem:$0x172A0] =	vst v63  }
0x8a: {  	s30 =	sadd.s32 $0x69, s10;
	v2 =	vmov s25;
	v1 =	vbroadcast v1, $0x0;
	s13 =	sshra.s32 s5, $0x2  }
0x8b: {  	v3 =	vmov s30;
	v2 =	vand.u32 $0xFFFFFFFC, v2;
	s9 =	sadd.s32 $0x5140, s13  }
0x8c: {  	v3 =	vand.u32 $0xFFFFFFFD, v3;
	v4 =	vbroadcast v2, $0x0;
	[spmem:s1] =	stream.indirect.scatter.add.f32 [tilespmem:s16], [sflag:$0x5], $0x20, s9, s15, $0xb8;
	[tilespmem:$0x172A0] =	vst v63  }
0x8d: {  	v3 =	vbroadcast v3, $0x0;
	_ =	swait.ge [sflag:s21], $0xC80  }
0x8e: {  	s6 =	sadd.s32 $0x6B, s10;
	[sflag:s21] =	ssyncset.done $0x0  }
0x8f: {  	v5 =	vmov s6;
	[sflag:s21] =	ssyncadd.s32 $0xFFFFF380  }
0x90: {  	s6 =	simm.s32 $0xFD90;
	v2 =	vld.idx.msk [tilespmem:v1+s14+$0x0], $0xffff  }
0x91: {  	v6 =	vld [tilespmem:s6+$0xFFFFFFE0]  }
0x92: {  	v4 =	vld.idx.msk [tilespmem:v4+s14+$0x0], $0xffff  }
0x93: {  	s3 =	sadd.s32 $0x0, s31;
	v11 =	vld.idx.msk [tilespmem:v3+s14+$0x0], $0xffff  }
0x94: {  	s25 =	sadd.s32 $0x6A, s3;
	v1 =	vld.idx.msk [tilespmem:v5+s14+$0x0], $0xffff  }
0x95: {  	s30 =	sadd.s32 $0x68, s3;
	s10 =	sadd.s32 $0x69, s3;
	v3 =	vmov s25;
	v5 =	vld [tilespmem:s6+$0xFFFFFF90]  }
0x96: {  	v8 =	vmov s30;
	v10 =	vmov s10;
	v7 =	vld [tilespmem:s6+$0xFFFFFFA0];
	v3 =	vand.u32 $0xFFFFFFFE, v3  }
0x97: {  	v8 =	vand.u32 $0xFFFFFFFC, v8;
	v9 =	vld [tilespmem:s6+$0xFFFFFFB0];
	v3 =	vbroadcast v3, $0x0;
	v6 =	vmul.f32 v6, v2  }
0x98: {  	v14 =	vand.u32 $0xFFFFFFFD, v10;
	v10 =	vbroadcast v8, $0x0;
	v13 =	vld [tilespmem:s6+$0xFFFFFFC0]  }
0x99: {  	v8 =	vbroadcast v14, $0x0;
	[tilespmem:s6+$0xFFFFFFE0] =	vst v6;
	v6 =	vld [tilespmem:s6+$0xFFFFFFD0]  }
0x9a: {  	s25 =	sadd.s32 $0x6B, s3;
	v12 =	vmul.f32 v5, v4;
	v5 =	vld [tilespmem:s6+$0xFFFFFFF0]  }
0x9b: {  	s9 =	simm.s32 $0xFE10;
	v15 =	vmul.f32 v7, v4;
	v4 =	vld [tilespmem:s6+$0x0];
	v7 =	vmov s25  }
0x9c: {  	[tilespmem:s6+$0xFFFFFF90] =	vst v12;
	v12 =	vmul.f32 v9, v11;
	v9 =	vld [tilespmem:s9+$0xFFFFFFE0]  }
0x9d: {  	s10 =	simm.s32 $0x4;
	s7 =	sor.u32 $0x1, s2;
	[tilespmem:s6+$0xFFFFFFA0] =	vst v15;
	v11 =	vmul.f32 v13, v11;
	v3 =	vld.idx.msk [tilespmem:v3+s14+$0x0], $0xffff  }
.LBB2_7:
0x9e: {  	s25 =	sadd.s32 s10, s31;
	s10 =	sadd.s32 $0x4, s10;
	v13 =	vld.idx.msk [tilespmem:v10+s14+$0x0], $0xffff;
	[tilespmem:s6+$0xFFFFFFB0] =	vst v12;
	v2 =	vmul.f32 v6, v2  }
0x9f: {  	s30 =	sadd.s32 $0x68, s25;
	s3 =	sadd.s32 $0x6A, s25;
	p0 =	slt.u32 s10, $0x60;
	v14 =	vld.idx.msk [tilespmem:v8+s14+$0x0], $0xffff;
	[tilespmem:s6+$0xFFFFFFC0] =	vst v11;
	v5 =	vmul.f32 v5, v1  }
0xa0: {  	v6 =	vmov s30;
	s30 =	sadd.s32 $0x69, s25;
	v8 =	vmov s3;
	s3 =	sadd.s32 $0x6B, s25;
	[tilespmem:s6+$0xFFFFFFD0] =	vst v2;
	v10 =	vmul.f32 v4, v1;
	v1 =	vld.idx.msk [tilespmem:v7+s14+$0x0], $0xffff  }
0xa1: {  	v4 =	vand.u32 $0xFFFFFFFC, v6;
	v6 =	vmov s30;
	v7 =	vand.u32 $0xFFFFFFFE, v8;
	v11 =	vld [tilespmem:s9+$0xFFFFFF90];
	[tilespmem:s6+$0xFFFFFFF0] =	vst v5  }
0xa2: {  	v5 =	vand.u32 $0xFFFFFFFD, v6;
	v12 =	vbroadcast v7, $0x0;
	v15 =	vld [tilespmem:s9+$0xFFFFFFA0];
	v6 =	vmul.f32 v9, v3;
	[tilespmem:s6+$0x0] =	vst v10;
	v2 =	vmovc v3;
	s6 =	smov.u32 s9  }
0xa3: {  	v10 =	vbroadcast v4, $0x0;
	v7 =	vmov s3;
	v8 =	vbroadcast v5, $0x0;
	v9 =	vld [tilespmem:s9+$0xFFFFFFB0]  }
0xa4: {  	v16 =	vld [tilespmem:s9+$0xFFFFFFC0];
	[tilespmem:s9+$0xFFFFFFE0] =	vst v6  }
.Ltmp4:
0xa5: {  	v6 =	vld [tilespmem:s9+$0xFFFFFFD0];
	(pc) =	sbr.rel @p0 .LBB2_7-.Ltmp4, $4  }
0xa6: {  	v11 =	vmul.f32 v11, v13;
	v5 =	vld [tilespmem:s9+$0xFFFFFFF0]  }
0xa7: {  	v13 =	vmul.f32 v15, v13;
	v4 =	vld [tilespmem:s9+$0x0]  }
0xa8: {  	s9 =	sadd.s32 $0x80, s9;
	v3 =	vld.idx.msk [tilespmem:v12+s14+$0x0], $0xffff;
	[tilespmem:s6+$0xFFFFFF90] =	vst v11;
	v12 =	vmul.f32 v9, v14  }
0xa9: {  	v9 =	vld [tilespmem:s9+$0xFFFFFFE0];
	[tilespmem:s6+$0xFFFFFFA0] =	vst v13;
	v11 =	vmul.f32 v16, v14  }
0xaa: {  	_ =	sdelay $0x3  }
0xab: {  	v10 =	vld.idx.msk [tilespmem:v10+s14+$0x0], $0xffff  }
0xac: {  	v8 =	vld.idx.msk [tilespmem:v8+s14+$0x0], $0xffff  }
0xad: {  	v7 =	vld.idx.msk [tilespmem:v7+s14+$0x0], $0xffff  }
0xae: {  	v13 =	vld [tilespmem:s9+$0xFFFFFF90]  }
0xaf: {  	[tilespmem:s6+$0xFFFFFFB0] =	vst v12;
	v12 =	vld [tilespmem:s9+$0xFFFFFFA0];
	v2 =	vmul.f32 v6, v2  }
0xb0: {  	v6 =	vld [tilespmem:s9+$0xFFFFFFB0];
	[tilespmem:s6+$0xFFFFFFC0] =	vst v11;
	v5 =	vmul.f32 v5, v1  }
0xb1: {  	v11 =	vld [tilespmem:s9+$0xFFFFFFC0];
	[tilespmem:s6+$0xFFFFFFD0] =	vst v2;
	v1 =	vmul.f32 v4, v1  }
0xb2: {  	v2 =	vld [tilespmem:s9+$0xFFFFFFD0];
	[tilespmem:s6+$0xFFFFFFF0] =	vst v5;
	v9 =	vmul.f32 v9, v3  }
0xb3: {  	v5 =	vld [tilespmem:s9+$0xFFFFFFF0];
	[tilespmem:s6+$0x0] =	vst v1;
	v4 =	vmul.f32 v13, v10  }
0xb4: {  	v1 =	vmul.f32 v12, v10;
	[tilespmem:s9+$0xFFFFFFE0] =	vst v9;
	v9 =	vld [tilespmem:s9+$0x0]  }
0xb5: {  	[tilespmem:s9+$0xFFFFFF90] =	vst v4;
	v4 =	vmul.f32 v6, v8  }
0xb6: {  	[tilespmem:s9+$0xFFFFFFA0] =	vst v1;
	v1 =	vmul.f32 v11, v8  }
0xb7: {  	v2 =	vmul.f32 v2, v3;
	[tilespmem:s9+$0xFFFFFFB0] =	vst v4  }
0xb8: {  	[tilespmem:s9+$0xFFFFFFC0] =	vst v1;
	v1 =	vmul.f32 v5, v7  }
0xb9: {  	[tilespmem:s9+$0xFFFFFFD0] =	vst v2;
	v2 =	vmul.f32 v9, v7  }
0xba: {  	[tilespmem:s9+$0xFFFFFFF0] =	vst v1  }
0xbb: {  	s2 =	sor.u32 $0x3, s2;
	s3 =	sadd.s32 $0xFFFFFFFC, s31;
	s7 =	smul.u32 $0x1A0, s7;
	[tilespmem:s9+$0x0] =	vst v2  }
0xbc: {  	s2 =	smul.u32 $0x1A0, s2;
	s25 =	sadd.s32 $0xCE, s3;
	_ =	swait.ge [sflag:s22], $0xC80  }
0xbd: {  	s30 =	sadd.s32 $0xCC, s3;
	s7 =	sshra.s32 s7, $0x2;
	v1 =	vmov s25;
	[sflag:s22] =	ssyncset.done $0x0  }
0xbe: {  	s2 =	sshra.s32 s2, $0x2;
	v1 =	vand.u32 $0xFFFFFFFE, v1;
	s9 =	sadd.s32 $0xCD, s3;
	[sflag:s22] =	ssyncadd.s32 $0xFFFFF380  }
0xbf: {  	v2 =	vmov s30;
	v1 =	vbroadcast v1, $0x0;
	[tilespmem:s23], [sflag:$0x4] =	stream.indirect.gather [hbm4b:s8+s15], $0x20, s2, s15, $0xb8;
	[tilespmem:$0x172A0] =	vst v63  }
0xc0: {  	s7 =	sadd.s32 $0x5140, s7;
	v2 =	vand.u32 $0xFFFFFFFC, v2;
	v3 =	vmov s9  }
0xc1: {  	v3 =	vand.u32 $0xFFFFFFFD, v3;
	v4 =	vbroadcast v2, $0x0;
	[spmem:s1] =	stream.indirect.scatter.add.f32 [tilespmem:s18], [sflag:$0x6], $0x20, s7, s15, $0xb8;
	[tilespmem:$0x172A0] =	vst v63  }
0xc2: {  	v3 =	vbroadcast v3, $0x0;
	_ =	swait.ge [sflag:s24], $0xC80  }
0xc3: {  	s3 =	sadd.s32 $0xCF, s3;
	[sflag:s24] =	ssyncset.done $0x0  }
0xc4: {  	v5 =	vmov s3;
	[sflag:s24] =	ssyncadd.s32 $0xFFFFF380  }
0xc5: {  	s6 =	simm.s32 $0x10A10;
	v2 =	vld.idx.msk [tilespmem:v1+s14+$0x0], $0xffff  }
0xc6: {  	v6 =	vld [tilespmem:s6+$0xFFFFFFE0]  }
0xc7: {  	v4 =	vld.idx.msk [tilespmem:v4+s14+$0x0], $0xffff  }
0xc8: {  	s3 =	sadd.s32 $0x0, s31;
	v11 =	vld.idx.msk [tilespmem:v3+s14+$0x0], $0xffff  }
0xc9: {  	s10 =	sadd.s32 $0xCE, s3;
	v1 =	vld.idx.msk [tilespmem:v5+s14+$0x0], $0xffff  }
0xca: {  	s25 =	sadd.s32 $0xCC, s3;
	s30 =	sadd.s32 $0xCD, s3;
	v3 =	vmov s10;
	v5 =	vld [tilespmem:s6+$0xFFFFFF90]  }
0xcb: {  	v8 =	vmov s25;
	v10 =	vmov s30;
	v7 =	vld [tilespmem:s6+$0xFFFFFFA0];
	v3 =	vand.u32 $0xFFFFFFFE, v3  }
0xcc: {  	v8 =	vand.u32 $0xFFFFFFFC, v8;
	v9 =	vld [tilespmem:s6+$0xFFFFFFB0];
	v3 =	vbroadcast v3, $0x0;
	v6 =	vmul.f32 v6, v2  }
0xcd: {  	v14 =	vand.u32 $0xFFFFFFFD, v10;
	v10 =	vbroadcast v8, $0x0;
	v13 =	vld [tilespmem:s6+$0xFFFFFFC0]  }
0xce: {  	v8 =	vbroadcast v14, $0x0;
	[tilespmem:s6+$0xFFFFFFE0] =	vst v6;
	v6 =	vld [tilespmem:s6+$0xFFFFFFD0]  }
0xcf: {  	s3 =	sadd.s32 $0xCF, s3;
	v12 =	vmul.f32 v5, v4;
	v5 =	vld [tilespmem:s6+$0xFFFFFFF0]  }
0xd0: {  	s7 =	simm.s32 $0x10A90;
	v15 =	vmul.f32 v7, v4;
	v4 =	vld [tilespmem:s6+$0x0];
	v7 =	vmov s3  }
0xd1: {  	[tilespmem:s6+$0xFFFFFF90] =	vst v12;
	v12 =	vmul.f32 v9, v11;
	v9 =	vld [tilespmem:s7+$0xFFFFFFE0]  }
0xd2: {  	s9 =	simm.s32 $0x4;
	[tilespmem:s6+$0xFFFFFFA0] =	vst v15;
	v11 =	vmul.f32 v13, v11;
	v3 =	vld.idx.msk [tilespmem:v3+s14+$0x0], $0xffff  }
.LBB2_9:
0xd3: {  	s3 =	sadd.s32 s9, s31;
	s9 =	sadd.s32 $0x4, s9;
	v13 =	vld.idx.msk [tilespmem:v10+s14+$0x0], $0xffff;
	[tilespmem:s6+$0xFFFFFFB0] =	vst v12;
	v2 =	vmul.f32 v6, v2  }
0xd4: {  	s10 =	sadd.s32 $0xCC, s3;
	s25 =	sadd.s32 $0xCE, s3;
	p0 =	slt.u32 s9, $0x60;
	v14 =	vld.idx.msk [tilespmem:v8+s14+$0x0], $0xffff;
	[tilespmem:s6+$0xFFFFFFC0] =	vst v11;
	v5 =	vmul.f32 v5, v1  }
0xd5: {  	v6 =	vmov s10;
	s10 =	sadd.s32 $0xCD, s3;
	v8 =	vmov s25;
	s3 =	sadd.s32 $0xCF, s3;
	[tilespmem:s6+$0xFFFFFFD0] =	vst v2;
	v10 =	vmul.f32 v4, v1;
	v1 =	vld.idx.msk [tilespmem:v7+s14+$0x0], $0xffff  }
0xd6: {  	v4 =	vand.u32 $0xFFFFFFFC, v6;
	v6 =	vmov s10;
	v7 =	vand.u32 $0xFFFFFFFE, v8;
	v11 =	vld [tilespmem:s7+$0xFFFFFF90];
	[tilespmem:s6+$0xFFFFFFF0] =	vst v5  }
0xd7: {  	v5 =	vand.u32 $0xFFFFFFFD, v6;
	v12 =	vbroadcast v7, $0x0;
	v15 =	vld [tilespmem:s7+$0xFFFFFFA0];
	v6 =	vmul.f32 v9, v3;
	[tilespmem:s6+$0x0] =	vst v10;
	v2 =	vmovc v3;
	s6 =	smov.u32 s7  }
0xd8: {  	v10 =	vbroadcast v4, $0x0;
	v7 =	vmov s3;
	v8 =	vbroadcast v5, $0x0;
	v9 =	vld [tilespmem:s7+$0xFFFFFFB0]  }
0xd9: {  	v16 =	vld [tilespmem:s7+$0xFFFFFFC0];
	[tilespmem:s7+$0xFFFFFFE0] =	vst v6  }
.Ltmp5:
0xda: {  	v6 =	vld [tilespmem:s7+$0xFFFFFFD0];
	(pc) =	sbr.rel @p0 .LBB2_9-.Ltmp5, $4  }
0xdb: {  	v11 =	vmul.f32 v11, v13;
	v5 =	vld [tilespmem:s7+$0xFFFFFFF0]  }
0xdc: {  	v13 =	vmul.f32 v15, v13;
	v4 =	vld [tilespmem:s7+$0x0]  }
0xdd: {  	s7 =	sadd.s32 $0x80, s7;
	v3 =	vld.idx.msk [tilespmem:v12+s14+$0x0], $0xffff;
	[tilespmem:s6+$0xFFFFFF90] =	vst v11;
	v12 =	vmul.f32 v9, v14  }
0xde: {  	v9 =	vld [tilespmem:s7+$0xFFFFFFE0];
	[tilespmem:s6+$0xFFFFFFA0] =	vst v13;
	v11 =	vmul.f32 v16, v14  }
0xdf: {  	_ =	sdelay $0x3  }
0xe0: {  	v10 =	vld.idx.msk [tilespmem:v10+s14+$0x0], $0xffff  }
0xe1: {  	v8 =	vld.idx.msk [tilespmem:v8+s14+$0x0], $0xffff  }
0xe2: {  	v7 =	vld.idx.msk [tilespmem:v7+s14+$0x0], $0xffff  }
0xe3: {  	v13 =	vld [tilespmem:s7+$0xFFFFFF90]  }
0xe4: {  	[tilespmem:s6+$0xFFFFFFB0] =	vst v12;
	v12 =	vld [tilespmem:s7+$0xFFFFFFA0];
	v2 =	vmul.f32 v6, v2  }
0xe5: {  	v6 =	vld [tilespmem:s7+$0xFFFFFFB0];
	[tilespmem:s6+$0xFFFFFFC0] =	vst v11;
	v5 =	vmul.f32 v5, v1  }
0xe6: {  	v11 =	vld [tilespmem:s7+$0xFFFFFFC0];
	[tilespmem:s6+$0xFFFFFFD0] =	vst v2;
	v1 =	vmul.f32 v4, v1  }
0xe7: {  	v2 =	vld [tilespmem:s7+$0xFFFFFFD0];
	[tilespmem:s6+$0xFFFFFFF0] =	vst v5;
	v9 =	vmul.f32 v9, v3  }
0xe8: {  	v5 =	vld [tilespmem:s7+$0xFFFFFFF0];
	[tilespmem:s6+$0x0] =	vst v1;
	v4 =	vmul.f32 v13, v10  }
0xe9: {  	v1 =	vmul.f32 v12, v10;
	[tilespmem:s7+$0xFFFFFFE0] =	vst v9;
	v9 =	vld [tilespmem:s7+$0x0]  }
0xea: {  	[tilespmem:s7+$0xFFFFFF90] =	vst v4;
	v4 =	vmul.f32 v6, v8  }
0xeb: {  	[tilespmem:s7+$0xFFFFFFA0] =	vst v1;
	v1 =	vmul.f32 v11, v8  }
0xec: {  	v2 =	vmul.f32 v2, v3;
	[tilespmem:s7+$0xFFFFFFB0] =	vst v4  }
0xed: {  	[tilespmem:s7+$0xFFFFFFC0] =	vst v1;
	v1 =	vmul.f32 v5, v7  }
0xee: {  	[tilespmem:s7+$0xFFFFFFD0] =	vst v2;
	v2 =	vmul.f32 v9, v7  }
0xef: {  	[tilespmem:s7+$0xFFFFFFF0] =	vst v1  }
0xf0: {  	p0 =	seq.s32 s0, $0x31;
	s25 =	sadd.s32 $0xFFFFFFFC, s31;
	[tilespmem:s7+$0x0] =	vst v2  }
0xf1: {  	s3 =	sshra.s32 @!p0 s5, $0x2;
	s9 =	sadd.s32 $0x132, s25;
	_ =	swait.ge [sflag:s26], $0xC80  }
0xf2: {  	s30 =	sadd.s32 $0x130, s25;
	s3 =	sadd.s32 @!p0 $0x1A0, s3;
	v1 =	vmov s9;
	[sflag:s26] =	ssyncset.done $0x0  }
0xf3: {  	s6 =	simm.s32 @!p0 $0x64;
	v1 =	vand.u32 $0xFFFFFFFE, v1;
	s7 =	simm.s32 @!p0 $0xF0A0;
	[sflag:s26] =	ssyncadd.s32 $0xFFFFF380  }
0xf4: {  	v2 =	vmov s30;
	v1 =	vbroadcast v1, $0x0;
	[tilespmem:s7], [sflag:$0x1] =	stream.indirect.gather @!p0 [hbm4b:s8+s6], $0x20, s3, s6, $0xb8;
	[tilespmem:$0x172A0] =	vst v63  }
0xf5: {  	v2 =	vand.u32 $0xFFFFFFFC, v2;
	s6 =	sadd.s32 $0x131, s25;
	s7 =	sadd.s32 $0x5140, s17  }
0xf6: {  	v4 =	vbroadcast v2, $0x0;
	[spmem:s1] =	stream.indirect.scatter.add.f32 [tilespmem:s20], [sflag:$0x7], $0x20, s7, s15, $0xb8;
	[tilespmem:$0x172A0] =	vst v63  }
0xf7: {  	s9 =	sadd.s32 $0x133, s25;
	v3 =	vmov s6;
	_ =	swait.ge [sflag:s28], $0xC80  }
0xf8: {  	v5 =	vmov s9;
	v3 =	vand.u32 $0xFFFFFFFD, v3;
	[sflag:s28] =	ssyncset.done $0x0  }
0xf9: {  	v3 =	vbroadcast v3, $0x0;
	[sflag:s28] =	ssyncadd.s32 $0xFFFFF380  }
0xfa: {  	s5 =	simm.s32 $0x11690;
	v2 =	vld.idx.msk [tilespmem:v1+s14+$0x0], $0xffff  }
0xfb: {  	v6 =	vld [tilespmem:s5+$0xFFFFFFE0]  }
0xfc: {  	v4 =	vld.idx.msk [tilespmem:v4+s14+$0x0], $0xffff  }
0xfd: {  	s10 =	sadd.s32 $0x0, s31;
	v1 =	vld.idx.msk [tilespmem:v5+s14+$0x0], $0xffff  }
0xfe: {  	s17 =	sadd.s32 $0x132, s10;
	v5 =	vld [tilespmem:s5+$0xFFFFFF90]  }
0xff: {  	s30 =	sadd.s32 $0x131, s10;
	s25 =	sadd.s32 $0x130, s10;
	v11 =	vld.idx.msk [tilespmem:v3+s14+$0x0], $0xffff;
	v3 =	vmov s17  }
0x100: {  	v10 =	vmov s30;
	v8 =	vmov s25;
	v7 =	vld [tilespmem:s5+$0xFFFFFFA0];
	v3 =	vand.u32 $0xFFFFFFFE, v3  }
0x101: {  	v8 =	vand.u32 $0xFFFFFFFC, v8;
	v9 =	vld [tilespmem:s5+$0xFFFFFFB0];
	v3 =	vbroadcast v3, $0x0;
	v6 =	vmul.f32 v6, v2  }
0x102: {  	v14 =	vand.u32 $0xFFFFFFFD, v10;
	v10 =	vbroadcast v8, $0x0;
	v13 =	vld [tilespmem:s5+$0xFFFFFFC0]  }
0x103: {  	v8 =	vbroadcast v14, $0x0;
	[tilespmem:s5+$0xFFFFFFE0] =	vst v6;
	v6 =	vld [tilespmem:s5+$0xFFFFFFD0]  }
0x104: {  	s3 =	sadd.s32 $0x133, s10;
	v12 =	vmul.f32 v5, v4;
	v5 =	vld [tilespmem:s5+$0xFFFFFFF0]  }
0x105: {  	s6 =	simm.s32 $0x11710;
	v15 =	vmul.f32 v7, v4;
	v4 =	vld [tilespmem:s5+$0x0];
	v7 =	vmov s3  }
0x106: {  	[tilespmem:s5+$0xFFFFFF90] =	vst v12;
	v12 =	vmul.f32 v9, v11;
	v9 =	vld [tilespmem:s6+$0xFFFFFFE0]  }
0x107: {  	s7 =	simm.s32 $0x4;
	[tilespmem:s5+$0xFFFFFFA0] =	vst v15;
	v11 =	vmul.f32 v13, v11;
	v3 =	vld.idx.msk [tilespmem:v3+s14+$0x0], $0xffff  }
.LBB2_11:
0x108: {  	s3 =	sadd.s32 s7, s31;
	s7 =	sadd.s32 $0x4, s7;
	v13 =	vld.idx.msk [tilespmem:v10+s14+$0x0], $0xffff;
	[tilespmem:s5+$0xFFFFFFB0] =	vst v12;
	v2 =	vmul.f32 v6, v2  }
0x109: {  	s9 =	sadd.s32 $0x130, s3;
	s10 =	sadd.s32 $0x132, s3;
	p1 =	slt.u32 s7, $0x60;
	v14 =	vld.idx.msk [tilespmem:v8+s14+$0x0], $0xffff;
	[tilespmem:s5+$0xFFFFFFC0] =	vst v11;
	v5 =	vmul.f32 v5, v1  }
0x10a: {  	v6 =	vmov s9;
	s9 =	sadd.s32 $0x131, s3;
	v8 =	vmov s10;
	s3 =	sadd.s32 $0x133, s3;
	[tilespmem:s5+$0xFFFFFFD0] =	vst v2;
	v10 =	vmul.f32 v4, v1;
	v1 =	vld.idx.msk [tilespmem:v7+s14+$0x0], $0xffff  }
0x10b: {  	v4 =	vand.u32 $0xFFFFFFFC, v6;
	v6 =	vmov s9;
	v7 =	vand.u32 $0xFFFFFFFE, v8;
	v11 =	vld [tilespmem:s6+$0xFFFFFF90];
	[tilespmem:s5+$0xFFFFFFF0] =	vst v5  }
0x10c: {  	v5 =	vand.u32 $0xFFFFFFFD, v6;
	v12 =	vbroadcast v7, $0x0;
	v15 =	vld [tilespmem:s6+$0xFFFFFFA0];
	v6 =	vmul.f32 v9, v3;
	[tilespmem:s5+$0x0] =	vst v10;
	v2 =	vmovc v3;
	s5 =	smov.u32 s6  }
0x10d: {  	v10 =	vbroadcast v4, $0x0;
	v7 =	vmov s3;
	v8 =	vbroadcast v5, $0x0;
	v9 =	vld [tilespmem:s6+$0xFFFFFFB0]  }
0x10e: {  	v16 =	vld [tilespmem:s6+$0xFFFFFFC0];
	[tilespmem:s6+$0xFFFFFFE0] =	vst v6  }
.Ltmp6:
0x10f: {  	v6 =	vld [tilespmem:s6+$0xFFFFFFD0];
	(pc) =	sbr.rel @p1 .LBB2_11-.Ltmp6, $4  }
0x110: {  	v11 =	vmul.f32 v11, v13;
	v5 =	vld [tilespmem:s6+$0xFFFFFFF0]  }
0x111: {  	v13 =	vmul.f32 v15, v13;
	v4 =	vld [tilespmem:s6+$0x0]  }
0x112: {  	s6 =	sadd.s32 $0x80, s6;
	v3 =	vld.idx.msk [tilespmem:v12+s14+$0x0], $0xffff;
	[tilespmem:s5+$0xFFFFFF90] =	vst v11;
	v12 =	vmul.f32 v9, v14  }
0x113: {  	v9 =	vld [tilespmem:s6+$0xFFFFFFE0];
	[tilespmem:s5+$0xFFFFFFA0] =	vst v13;
	v11 =	vmul.f32 v16, v14  }
0x114: {  	_ =	sdelay $0x3  }
0x115: {  	v10 =	vld.idx.msk [tilespmem:v10+s14+$0x0], $0xffff  }
0x116: {  	v8 =	vld.idx.msk [tilespmem:v8+s14+$0x0], $0xffff  }
0x117: {  	v7 =	vld.idx.msk [tilespmem:v7+s14+$0x0], $0xffff  }
0x118: {  	v13 =	vld [tilespmem:s6+$0xFFFFFF90]  }
0x119: {  	[tilespmem:s5+$0xFFFFFFB0] =	vst v12;
	v57 =	vld [tilespmem:s6+$0xFFFFFFA0];
	v2 =	vmul.f32 v6, v2  }
0x11a: {  	v58 =	vld [tilespmem:s6+$0xFFFFFFB0];
	[tilespmem:s5+$0xFFFFFFC0] =	vst v11;
	v5 =	vmul.f32 v5, v1  }
0x11b: {  	v59 =	vld [tilespmem:s6+$0xFFFFFFC0];
	[tilespmem:s5+$0xFFFFFFD0] =	vst v2;
	v1 =	vmul.f32 v4, v1  }
0x11c: {  	v2 =	vld [tilespmem:s6+$0xFFFFFFD0];
	[tilespmem:s5+$0xFFFFFFF0] =	vst v5;
	v9 =	vmul.f32 v9, v3  }
0x11d: {  	v61 =	vld [tilespmem:s6+$0xFFFFFFF0];
	[tilespmem:s5+$0x0] =	vst v1;
	v60 =	vmul.f32 v13, v10  }
0x11e: {  	v62 =	vld [tilespmem:s6+$0x0];
	v1 =	vmul.f32 v57, v10;
	[tilespmem:s6+$0xFFFFFFE0] =	vst v9  }
0x11f: {  	v63 =	vmul.f32 v58, v8;
	[tilespmem:s6+$0xFFFFFF90] =	vst v60  }
0x120: {  	[tilespmem:s6+$0xFFFFFFA0] =	vst v1;
	v1 =	vmul.f32 v59, v8  }
0x121: {  	[tilespmem:s6+$0xFFFFFFB0] =	vst v63;
	v2 =	vmul.f32 v2, v3  }
0x122: {  	[tilespmem:s6+$0xFFFFFFC0] =	vst v1;
	v1 =	vmul.f32 v61, v7  }
0x123: {  	[tilespmem:s6+$0xFFFFFFD0] =	vst v2;
	v2 =	vmul.f32 v62, v7  }
.Ltmp7:
0x124: {  	[tilespmem:s6+$0xFFFFFFF0] =	vst v1;
	(pc) =	sbr.rel @p0 .LBB2_14-.Ltmp7, $4  }
0x125: {  	[tilespmem:s6+$0x0] =	vst v2  }
0x126: {  	_ =	swait.ge [sflag:s29], $0xC80  }
0x127: {  	[sflag:s29] =	ssyncset.done $0x0  }
0x128: {  	s2 =	sadd.s32 $0x5140, s2;
	[sflag:s29] =	ssyncadd.s32 $0xFFFFF380  }
.Ltmp8:
0x129: {  	(pc) =	sbr.rel .LBB2_4-.Ltmp8, $4  }
0x12a: {  	s3 =	sadd.s32 $0x208, s13  }
0x12b: {  	[tilespmem:s18], [sflag:$0x2] =	stream.indirect.gather [hbm4b:s8+s15], $0x20, s3, s15, $0xb8;
	[tilespmem:$0x172A0] =	vst v63  }
0x12c: {  	s0 =	sadd.s32 $0x1, s0;
	s31 =	sadd.s32 $0x190, s31  }
0x12d: {  	[spmem:s1] =	stream.indirect.scatter.add.f32 [tilespmem:s23], [sflag:$0x8], $0x20, s2, s15, $0xb8;
	[tilespmem:$0x172A0] =	vst v63  }
.LBB2_15:
0x12e: {  	_ =	sfence.sel $0x180000  }
0x12f: {  	[bflag:$0x0] =	sbarrier.arrive $0xFFFF  }
0x130: {  	_ =	strace $0x9000004D  }
0x131: {  	s0 =	stileid.u32;
	[bflag:$0x2] =	sbarrier.arrive $0xFFFF  }
0x132: {  	p0 =	sne.s32 s0, $0x0;
	s0 =	rddreg [dreg:$0x4]  }
0x133: {  	s0 =	sadd.s32 @!p0 $0x100000, s0  }
0x134: {  	[sflag:s0] =	ssyncadd.tile.s32 @!p0 $0x1;
	_ =	shalt  }
.Lfunc_end2:
_tile_overlayer_lowered:
.L_overlay_start_2:
0x135: {  	(tag) =	ssettag $0x2  }
0x136: {  	s0 =	rddreg [dreg:$0x0];
	s2 =	stileid.u32  }
0x137: {  	s1 =	rddreg [dreg:$0x1];
	p0 =	sne.s32 s2, $0x0  }
0x138: {  	s3 =	rddreg [dreg:$0x2];
	[bflag:$0x3] =	sbarrier.arrive $0xFFFF;
	s2 =	simm.s32 @!p0 $0x1C09  }
0x139: {  	[timem:s3], [sflag:s2] =	dma.local @!p0 [hbm:s0], s1  }
0x13a: {  	s0 =	simm.s32 @!p0 $0x9  }
0x13b: {  	_ =	swait.ge @!p0 [sflag:s0], s1  }
0x13c: {  	s1 =	ssub.s32 @!p0 $0x0, s1;
	[sflag:s0] =	ssyncset.done @!p0 $0x0  }
0x13d: {  	[sflag:s0] =	ssyncadd.s32 @!p0 s1  }
0x13e: {  	[bflag:$0x3] =	sbarrier.arrive $0xFFFF  }
0x13f: {  	_ =	shalt  }

// kernel: kernel.8.cloned.1.call-start
scs
__scs_entry_jumppad:
0x0: {  	(pc) =	sbr.rel $0x88, $3  }
0x1: {  	(tag) =	ssettag $0x0;
	lr =	simm.s32 $0x1  }
0x2: {  	[smem:$0x3F9A] =	sst lr;
	_ =	strace $0xD0000000  }
0x3: {  	_ = 	snop  }
0x4: {  	_ = 	snop  }
0x5: {  	_ = 	snop  }
0x6: {  	_ = 	snop  }
0x7: {  	_ = 	snop  }
__scs_overlays_trampoline_lowered:
0x8: {  	[smem:$0x3FA9] =	sst s0  }
0x9: {  	[smem:$0x3FAA] =	sst s1  }
0xa: {  	[smem:$0x3FAB] =	sst s2  }
0xb: {  	[smem:$0x3FAC] =	sst s3  }
0xc: {  	[smem:$0x3FAD] =	sst s4  }
0xd: {  	[smem:$0x3FAE] =	sst s5  }
0xe: {  	[smem:$0x3FAF] =	sst s6  }
0xf: {  	[smem:$0x3FB0] =	sst s7  }
0x10: {  	[smem:$0x3FB1] =	sst s8  }
0x11: {  	[smem:$0x3FB2] =	sst s9;
	s0 =	simm.s32 @!p0 $0x0  }
0x12: {  	s1 =	sld [smem:$0x3F98];
	s0 =	simm.s32 @p0 $0x1  }
0x13: {  	[smem:$0x3FB3] =	sst s0;
	s0 =	simm.s32 @!p1 $0x0  }
0x14: {  	s2 =	sld [smem:$0x3F97];
	s0 =	simm.s32 @p1 $0x1  }
0x15: {  	[smem:$0x3FB4] =	sst s0;
	s0 =	simm.s32 @!p2 $0x0  }
0x16: {  	s3 =	sld [smem:$0x3FDB];
	s0 =	simm.s32 @p2 $0x1  }
0x17: {  	s4 =	simm.s32 $0x1BF5;
	[smem:$0x3FB6] =	sst s0  }
0x18: {  	s0 =	sld [smem:$0x3F99];
	_ =	swait.ge [sflag:s4], $0x0  }
0x19: {  	s7 =	sld [smem:$0x3F9A]  }
0x1a: {  	s8 =	sadd.s32 $0xFFFFE003, lr  }
0x1b: {  	s9 =	sadd.s32 $0xFFFFFEF7, lr;
	s5 =	simm.s32 $0xFFFFFFFF;
	p2 =	slt.u32 s8, $0xFFFFF086  }
0x1c: {  	p1 =	slt.u32 s9, $0xF7A;
	s5 =	simm.s32 @!p2 $0x0  }
0x1d: {  	s5 =	simm.s32 @p1 $0x1;
	p0 =	seq.s32 s7, s2  }
0x1e: {  	s7 =	smul.u32 @!p0 $0xF7A, s2;
	p2 =	seq.s32 @!p0 s5, $0x0  }
0x1f: {  	s9 =	smul.u32 $0xF7A, s1;
	s8 =	simm.s32 @!p0 $0x1BF5;
	p2 =	por !p2, p0  }
0x20: {  	[sflag:s8] =	ssyncset.s32 @!p0 $0xFFFFF086;
	s6 =	sadd.s32 @!p0 s3, s7;
	s7 =	simm.s32 @!p0 $0x108  }
0x21: {  	s3 =	sadd.s32 s3, s9;
	s6 =	sadd.s32 @!p0 $0x88, s6;
	s7 =	simm.s32 @p2 $0x1082  }
0x22: {  	[simem:s7], [sflag:s8] =	dma.local @!p0 [hbm:s6], $0xF7A  }
0x23: {  	s9 =	sor.u32 $0xD0000000, s2;
	s6 =	simm.s32 $0x108;
	_ =	swait.ge @!p0 [sflag:s8], $0x0  }
0x24: {  	s3 =	sadd.s32 $0x88, s3;
	s6 =	simm.s32 @!p1 $0x1082;
	[sflag:s4] =	ssyncset.s32 $0xFFFFF086  }
0x25: {  	[simem:s6], [sflag:s4] =	dma.local [hbm:s3], $0xF7A  }
0x26: {  	[smem:$0x3F9A] =	sst s1;
	(tag) =	ssettag s2;
	_ =	strace s9  }
0x27: {  	s1 =	sld [smem:$0x3FAA]  }
0x28: {  	s2 =	sld [smem:$0x3FAB]  }
0x29: {  	s4 =	sld [smem:$0x3FAD]  }
0x2a: {  	p0 =	seq.s32 s5, $0x0;
	s5 =	sld [smem:$0x3FAE]  }
0x2b: {  	s6 =	sld [smem:$0x3FAF]  }
0x2c: {  	s7 =	sld [smem:$0x3FB0]  }
0x2d: {  	s3 =	simm.s32 $0x108;
	s8 =	sld [smem:$0x3FB1]  }
0x2e: {  	s3 =	simm.s32 @!p0 $0x1082;
	s9 =	sld [smem:$0x3FB2]  }
0x2f: {  	lr =	sadd.s32 s0, s3;
	s0 =	sld [smem:$0x3FA9]  }
0x30: {  	s3 =	sld [smem:$0x3FAC]  }
0x31: {  	[smem:$0x3FB5] =	sst s10  }
0x32: {  	s10 =	sld [smem:$0x3FB3];
	_ =	sdelay $0x3  }
0x33: {  	p0 =	seq.s32 s10, $0x1;
	s10 =	sld [smem:$0x3FB5];
	_ =	sdelay $0x3  }
0x34: {  	[smem:$0x3FB5] =	sst s10  }
0x35: {  	s10 =	sld [smem:$0x3FB4];
	_ =	sdelay $0x3  }
0x36: {  	p1 =	seq.s32 s10, $0x1;
	s10 =	sld [smem:$0x3FB5];
	_ =	sdelay $0x3  }
0x37: {  	[smem:$0x3FB5] =	sst s10  }
0x38: {  	s10 =	sld [smem:$0x3FB6]  }
0x39: {  	_ = 	snop;
	(pc) =	sbr.ind lr, $3  }
0x3a: {  	_ = 	snop  }
0x3b: {  	_ = 	snop  }
0x3c: {  	p2 =	seq.s32 s10, $0x1;
	s10 =	sld [smem:$0x3FB5]  }
0x3d: {  	_ =	shalt  }
0x3e: {  	_ =	shalt  }
0x3f: {  	_ =	shalt  }
0x40: {  	_ =	shalt  }
0x41: {  	_ =	shalt  }
0x42: {  	_ =	shalt  }
0x43: {  	_ =	shalt  }
0x44: {  	_ =	shalt  }
0x45: {  	_ =	shalt  }
0x46: {  	_ =	shalt  }
0x47: {  	_ =	shalt  }
0x48: {  	_ =	shalt  }
0x49: {  	_ =	shalt  }
0x4a: {  	_ =	shalt  }
0x4b: {  	_ =	shalt  }
0x4c: {  	_ =	shalt  }
0x4d: {  	_ =	shalt  }
0x4e: {  	_ =	shalt  }
0x4f: {  	_ =	shalt  }
0x50: {  	_ =	shalt  }
0x51: {  	_ =	shalt  }
0x52: {  	_ =	shalt  }
0x53: {  	_ =	shalt  }
0x54: {  	_ =	shalt  }
0x55: {  	_ =	shalt  }
0x56: {  	_ =	shalt  }
0x57: {  	_ =	shalt  }
0x58: {  	_ =	shalt  }
0x59: {  	_ =	shalt  }
0x5a: {  	_ =	shalt  }
0x5b: {  	_ =	shalt  }
0x5c: {  	_ =	shalt  }
0x5d: {  	_ =	shalt  }
0x5e: {  	_ =	shalt  }
0x5f: {  	_ =	shalt  }
0x60: {  	_ =	shalt  }
0x61: {  	_ =	shalt  }
0x62: {  	_ =	shalt  }
0x63: {  	_ =	shalt  }
0x64: {  	_ =	shalt  }
0x65: {  	_ =	shalt  }
0x66: {  	_ =	shalt  }
0x67: {  	_ =	shalt  }
0x68: {  	_ =	shalt  }
0x69: {  	_ =	shalt  }
0x6a: {  	_ =	shalt  }
0x6b: {  	_ =	shalt  }
0x6c: {  	_ =	shalt  }
0x6d: {  	_ =	shalt  }
0x6e: {  	_ =	shalt  }
0x6f: {  	_ =	shalt  }
0x70: {  	_ =	shalt  }
0x71: {  	_ =	shalt  }
0x72: {  	_ =	shalt  }
0x73: {  	_ =	shalt  }
0x74: {  	_ =	shalt  }
0x75: {  	_ =	shalt  }
0x76: {  	_ =	shalt  }
0x77: {  	_ =	shalt  }
0x78: {  	_ =	shalt  }
0x79: {  	_ =	shalt  }
0x7a: {  	_ =	shalt  }
0x7b: {  	_ =	shalt  }
0x7c: {  	_ =	shalt  }
0x7d: {  	_ =	shalt  }
0x7e: {  	_ =	shalt  }
0x7f: {  	_ =	shalt  }
0x80: {  	_ =	shalt  }
0x81: {  	_ =	shalt  }
0x82: {  	_ =	shalt  }
0x83: {  	_ =	shalt  }
0x84: {  	_ =	shalt  }
0x85: {  	_ =	shalt  }
0x86: {  	_ =	shalt  }
0x87: {  	_ =	shalt  }
.Lfunc_end0:
.L_simem_size_0:
called_computation_lowered:
.L_overlay_start_0:
0x88: {  	s2 =	sld [smem:$0x3FD9]  }
0x89: {  	s3 =	sld [smem:$0x3FFE];
	_ =	sdelay $0x1  }
0x8a: {  	s1 =	srdreg.scid  }
0x8b: {  	s0 =	sand.u32 $0x1, s1  }
0x8c: {  	s17 =	sshll.u32 s0, $0xA;
	s2 =	sadd.s32 s3, s2  }
0x8d: {  	s2 =	sadd.s32 s2, s17  }
0x8e: {  	[smem:$0x3FC1] =	sst s2  }
0x8f: {  	_ = 	snop  }
0x90: {  	s2 =	sld [smem:$0x3FC7]  }
0x91: {  	s18 =	sld [smem:$0x3FD0];
	(tm) =	ssettm $0x1  }
0x92: {  	s4 =	sld [smem:$0x3FFB];
	_ =	sdelay $0x3  }
0x93: {  	_ =	strace s4  }
0x94: {  	s4 =	sld [smem:$0x3FFC];
	_ =	sdelay $0x3  }
0x95: {  	_ =	strace s4  }
0x96: {  	s4 =	sld [smem:$0x3FFD];
	_ =	sdelay $0x3  }
0x97: {  	_ =	strace s4  }
0x98: {  	_ =	strace $0x8FFFFFFF  }
0x99: {  	s19 =	sld [smem:$0x3FDB];
	_ =	sdelay $0x1  }
0x9a: {  	s5 =	simm.s32 $_scs_section_size  }
0x9b: {  	s6 =	simm.s32 $_size__tile_overlayer_lowered;
	s7 =	simm.s32 $_tile_overlayer_lowered  }
0x9c: {  	s22 =	simm.s32 $0x1BFF;
	s21 =	sshll.u32 s7, $0x1;
	s4 =	sadd.s32 s5, s19  }
0x9d: {  	s8 =	simm.s32 $0x0;
	s20 =	sshll.u32 s6, $0x1;
	s6 =	sadd.s32 s21, s4  }
0x9e: {  	[timem:s8], [sflag:s22] =	dma.local [hbm:s6], s20  }
0x9f: {  	_ =	swait.ge [sflag:s22], s20  }
0xa0: {  	s5 =	ssub.s32 $0x0, s20;
	[sflag:s22] =	ssyncset.done $0x0  }
0xa1: {  	[sflag:s22] =	ssyncadd.s32 s5;
	_ =	sdelay $0x1  }
0xa2: {  	s23 =	simm.s32 $0x1B8B  }
0xa3: {  	_ =	swait.ge [sflag:s23], $0x1  }
0xa4: {  	[sflag:s23] =	ssyncset.done $0x0  }
0xa5: {  	s25 =	simm.s32 $0x1B8E;
	s24 =	sld [smem:$0x3FFE];
	[sflag:s23] =	ssyncadd.s32 $0xFFFFFFFF  }
0xa6: {  	s26 =	simm.s32 $execute0_lowered;
	[smem:$0x3FD2] =	sst s25  }
0xa7: {  	s6 =	sshll.u32 s26, $0x1;
	_ =	strace $0x80000046;
	[dreg:$0x1] =	wrdreg $0xFFFFFFFF  }
0xa8: {  	s28 =	simm.s32 $_size_execute0_lowered;
	s4 =	sadd.s32 s4, s6;
	[dreg:$0x0] =	wrdreg $0x0  }
0xa9: {  	s6 =	sshll.u32 s28, $0x1;
	[dreg:$0x2] =	wrdreg s4  }
0xaa: {  	[dreg:$0x3] =	wrdreg s6  }
0xab: {  	[dreg:$0x4] =	wrdreg $0xC0  }
0xac: {  	_ =	task [dreg:s8], $0x5FFFF  }
0xad: {  	[dreg:$0x1] =	wrdreg $0xFFFFFFFF  }
0xae: {  	[dreg:$0x0] =	wrdreg $0x60  }
0xaf: {  	[dreg:$0x2] =	wrdreg s18  }
0xb0: {  	[dreg:$0x3] =	wrdreg s2  }
0xb1: {  	[dreg:$0x4] =	wrdreg s24  }
0xb2: {  	[dreg:$0x5] =	wrdreg $0x5CB00  }
0xb3: {  	[dreg:$0x6] =	wrdreg $0x9  }
0xb4: {  	_ =	task.clear_ibuf [dreg:s8], $0x7FFFF;
	_ =	strace $0x90000046  }
0xb5: {  	s29 =	simm.s32 $0x9;
	_ =	strace $0x80000048  }
0xb6: {  	_ =	swait.ge [sflag:s29], $0x1  }
0xb7: {  	[sflag:s29] =	ssyncadd.s32 $0xFFFFFFFF  }
0xb8: {  	_ =	strace $0x90000048  }
0xb9: {  	_ =	sfence  }
0xba: {  	s30 =	sld [smem:$0x0];
	_ =	sdelay $0x2  }
0xbb: {  	s31 =	sshll.u32 s1, $0xD;
	s1 =	sshrl.u32 s1, $0x2  }
0xbc: {  	s3 =	sand.u32 $0x4000, s31;
	s1 =	sadd.s32 s1, s30  }
0xbd: {  	s0 =	sor.u32 s3, s0;
	s1 =	sshll.u32 s1, $0x11  }
0xbe: {  	s0 =	sor.u32 s1, s0  }
0xbf: {  	s0 =	sadd.s32 $0x8F2B, s0  }
0xc0: {  	[sflag:s0] =	ssyncadd.remote.s32 $0x1  }
0xc1: {  	_ =	sfence.sel $0xFFFF  }
0xc2: {  	[dreg:$0x0] =	wrdreg $0xFFFFFFFF;
	(pc) =	sbr.abs _section_cstart, $3  }
0xc3: {  	[dreg:$0x1] =	wrdreg $0xFFFFFFFF  }
0xc4: {  	_ =	task.clear_ibuf [dreg:s8], $0x2FFFF;
	_ =	strace $0x9FFFFFFF  }
0xc5: {  	(tm) =	ssettm $0x7FFFFFFF  }
tec
execute0_lowered:
.L_overlay_start_1:
0x0: {  	(tag) =	ssettag $0x1  }
0x1: {  	s5 =	rddreg [dreg:$0x0]  }
0x2: {  	s6 =	rddreg [dreg:$0x1]  }
0x3: {  	s4 =	rddreg [dreg:$0x2]  }
0x4: {  	s1 =	rddreg [dreg:$0x3]  }
0x5: {  	s2 =	srdreg.scid;
	s0 =	rddreg [dreg:$0x4];
	s3 =	simm.s32 $0x0  }
0x6: {  	s14 =	simm.s32 $0x55F0;
	s15 =	simm.s32 $0x1;
	s7 =	sand.u32 $0x1, s2  }
0x7: {  	s16 =	simm.s32 $0x2;
	s2 =	stileid.u32;
	s8 =	smul.u32 $0x27800, s7  }
0x8: {  	[smem:$0x7FF] =	sst s3;
	s9 =	smul.u32 $0x2780, s2;
	s10 =	sshll.u32 s7, $0x4  }
0x9: {  	s11 =	smul.u32 $0x9E00, s2;
	s7 =	ssub.s32 $0x2, s7;
	s10 =	sor.u32 s2, s10  }
0xa: {  	_ =	strace $0x80000047;
	s13 =	sshrl.u32 s7, $0x1;
	s12 =	smul.u32 $0x514, s10  }
0xb: {  	s8 =	sadd.s32 s9, s8;
	s10 =	smul.u32 $0x4E2, s10;
	s13 =	ssub.s32 s7, s13  }
0xc: {  	s31 =	sshrl.u32 s11, $0x2;
	s17 =	sadd.s32 s9, s1;
	s9 =	simm.s32 $0x5C30  }
0xd: {  	s11 =	simm.s32 $0x28A0;
	s8 =	sshrl.u32 s8, $0x3;
	s17 =	sshrl.u32 s17, $0x3  }
0xe: {  	s8 =	sadd.s32 s8, s4;
	s4 =	sadd.s32 s31, s1;
	s5 =	sadd.s32 s5, s12  }
0xf: {  	s6 =	sadd.s32 s6, s10;
	s10 =	simm.s32 $0x3;
	s12 =	simm.s32 $0x64  }
0x10: {  	v0 =	vimm.f32 $0.0e+00;
	s7 =	sadd.s32 $0x1800, s8;
	s8 =	smax.u32 s13, $0x1;
	s13 =	simm.s32 $0x4FB0  }
.LBB2_1:
0x11: {  	[tilespmem:$0x5C30] =	vst v0  }
0x12: {  	[tilespmem:$0x5C40] =	vst v0  }
0x13: {  	[tilespmem:$0x5C50] =	vst v0  }
0x14: {  	[tilespmem:$0x5C60] =	vst v0  }
0x15: {  	[tilespmem:$0x5C70] =	vst v0  }
0x16: {  	[tilespmem:$0x5C80] =	vst v0  }
0x17: {  	[tilespmem:$0x5C90] =	vst v0  }
0x18: {  	[tilespmem:$0x5CA0] =	vst v0;
	s18 =	sadd.s32 $0x0, s4  }
0x19: {  	[spmem:s18] =	stream.linear.scatter [tilespmem:s9], [sflag:$0x3], $0x80, $0x38;
	[tilespmem:$0x8430] =	vst v63  }
0x1a: {  	s18 =	simm.s32 $0x200;
	_ =	swait.ge [sflag:s10], $0x80  }
.LBB2_2:
0x1b: {  	s19 =	sshra.s32 s18, $0x2;
	[sflag:s10] =	ssyncset.done $0x0;
	p0 =	sne.s32 s18, $0x9C00  }
.Ltmp0:
0x1c: {  	s19 =	sadd.s32 s19, s4;
	[sflag:s10] =	ssyncadd.s32 $0xFFFFFF80;
	(pc) =	sbr.rel @p0 .LBB2_2-.Ltmp0, $3  }
0x1d: {  	[spmem:s19] =	stream.linear.scatter [tilespmem:s9], [sflag:$0x3], $0x80, $0x38;
	[tilespmem:$0x8430] =	vst v63  }
0x1e: {  	s18 =	sadd.s32 $0x200, s18;
	_ =	sdelay $0x1  }
0x1f: {  	_ =	swait.ge [sflag:s10], $0x80  }
0x20: {  	[sflag:s10] =	ssyncset.done $0x0  }
0x21: {  	[sflag:s10] =	ssyncadd.s32 $0xFFFFFF80  }
0x22: {  	s18 =	simm.s32 $0x0;
	[bflag:$0x0] =	sbarrier.arrive $0xFFFF  }
0x23: {  	[tilespmem:s18], [sflag:$0x3] =	stream.linear.gather [hbm4b:s5+s18], $0x28A0, $0x38;
	[tilespmem:$0x8430] =	vst v63  }
0x24: {  	_ =	swait.ge [sflag:s10], $0x28A0  }
0x25: {  	[sflag:s10] =	ssyncset.done $0x0  }
0x26: {  	[sflag:s10] =	ssyncadd.s32 $0xFFFFD760  }
0x27: {  	[tilespmem:s11], [sflag:$0x3] =	stream.linear.gather [hbm4b:s6+s18], $0x2710, $0x38;
	[tilespmem:$0x8430] =	vst v63  }
0x28: {  	_ =	swait.ge [sflag:s10], $0x2710  }
0x29: {  	[sflag:s10] =	ssyncset.done $0x0  }
0x2a: {  	s19 =	simm.s32 $0x0;
	[sflag:s10] =	ssyncadd.s32 $0xFFFFD8F0  }
.LBB2_4:
0x2b: {  	s20 =	sadd.s32 $0xFFFFFFFC, s18  }
0x2c: {  	s21 =	sadd.s32 $0x4, s20  }
0x2d: {  	s22 =	sadd.s32 $0x6, s20;
	s25 =	sadd.s32 $0x7, s20;
	v1 =	vmov s21  }
0x2e: {  	p0 =	seq.s32 s19, $0x0;
	s20 =	sadd.s32 $0x5, s20;
	v2 =	vmov s22;
	v3 =	vmov s25;
	v1 =	vand.u32 $0xFFFFFFFC, v1  }
0x2f: {  	s21 =	simm.s32 @!p0 $0x1;
	v4 =	vmov s20;
	v2 =	vand.u32 $0xFFFFFFFE, v2;
	v1 =	vbroadcast v1, $0x0  }
0x30: {  	s26 =	sadd.s32 $0x0, s18;
	_ =	swait.ge @!p0 [sflag:s21], $0x640;
	v4 =	vand.u32 $0xFFFFFFFD, v4;
	v5 =	vbroadcast v2, $0x0  }
0x31: {  	s28 =	sadd.s32 $0x4, s26;
	[sflag:s21] =	ssyncset.done @!p0 $0x0;
	v6 =	vbroadcast v4, $0x0  }
0x32: {  	s29 =	sadd.s32 $0x7, s26;
	s20 =	sadd.s32 $0x6, s26;
	v2 =	vmov s28;
	[sflag:s21] =	ssyncadd.s32 @!p0 $0xFFFFF9C0  }
0x33: {  	s23 =	sadd.s32 $0x5, s26;
	v7 =	vmov s29;
	v4 =	vmov s20;
	v2 =	vand.u32 $0xFFFFFFFC, v2;
	v11 =	vld.idx.msk [tilespmem:v3+s11+$0x0], $0xffff  }
0x34: {  	v4 =	vand.u32 $0xFFFFFFFE, v4;
	v2 =	vbroadcast v2, $0x0;
	v3 =	vmov s23  }
0x35: {  	s30 =	sadd.s32 $0x4, s18;
	v4 =	vbroadcast v4, $0x0;
	v8 =	vand.u32 $0xFFFFFFFD, v3;
	v3 =	vld.idx.msk [tilespmem:v1+s11+$0x0], $0xffff  }
0x36: {  	s31 =	sadd.s32 $0x4, s30;
	s24 =	sadd.s32 $0x5, s30;
	s25 =	sadd.s32 $0x6, s30;
	v1 =	vbroadcast v8, $0x0;
	v5 =	vld.idx.msk [tilespmem:v5+s11+$0x0], $0xffff  }
0x37: {  	v10 =	vmov s24;
	s24 =	sadd.s32 $0x7, s30;
	v12 =	vmov s25;
	s21 =	simm.s32 $0x4FD0;
	v6 =	vld.idx.msk [tilespmem:v6+s11+$0x0], $0xffff;
	v8 =	vmov s31  }
0x38: {  	s22 =	simm.s32 $0x4FD0;
	v10 =	vand.u32 $0xFFFFFFFD, v10;
	s20 =	sshll.u32 s19, $0x1;
	s23 =	simm.s32 $0x8;
	v7 =	vld.idx.msk [tilespmem:v7+s11+$0x0], $0xffff;
	v9 =	vand.u32 $0xFFFFFFFC, v8;
	v8 =	vand.u32 $0xFFFFFFFE, v12;
	[tilespmem:s21+$0x10] =	vst v11  }
.LBB2_5:
0x39: {  	v11 =	vmov s24;
	s24 =	smov.u32 s23;
	s23 =	sadd.s32 $0x4, s23  }
0x3a: {  	v10 =	vbroadcast v10, $0x0;
	[tilespmem:s21+$0xFFFFFFE0] =	vst v3;
	v3 =	vld.idx.msk [tilespmem:v2+s11+$0x0], $0xffff;
	v2 =	vbroadcast v9, $0x0;
	s22 =	sadd.s32 $0x40, s22;
	p1 =	slt.u32 s23, $0x60  }
.Ltmp1:
0x3b: {  	[tilespmem:s21+$0x0] =	vst v5;
	v5 =	vld.idx.msk [tilespmem:v4+s11+$0x0], $0xffff;
	v4 =	vbroadcast v8, $0x0;
	(pc) =	sbr.rel @p1 .LBB2_5-.Ltmp1, $4  }
0x3c: {  	s24 =	sadd.s32 s24, s18;
	[tilespmem:s21+$0xFFFFFFF0] =	vst v6;
	v6 =	vld.idx.msk [tilespmem:v1+s11+$0x0], $0xffff;
	v1 =	vmov v10;
	s21 =	smov.u32 s22  }
0x3d: {  	s25 =	sadd.s32 $0x4, s24;
	s26 =	sadd.s32 $0x5, s24;
	s28 =	sadd.s32 $0x6, s24  }
0x3e: {  	s24 =	sadd.s32 $0x7, s24;
	v8 =	vmov s25;
	v10 =	vmov s26;
	v12 =	vmov s28  }
0x3f: {  	v9 =	vand.u32 $0xFFFFFFFC, v8;
	v10 =	vand.u32 $0xFFFFFFFD, v10;
	v8 =	vand.u32 $0xFFFFFFFE, v12;
	[tilespmem:s22+$0x10] =	vst v7;
	v7 =	vld.idx.msk [tilespmem:v11+s11+$0x0], $0xffff  }
0x40: {  	_ =	sdelay $0x1  }
0x41: {  	v9 =	vbroadcast v9, $0x0;
	v11 =	vmov s24  }
0x42: {  	v8 =	vbroadcast v8, $0x0  }
0x43: {  	v10 =	vbroadcast v10, $0x0;
	v2 =	vld.idx.msk [tilespmem:v2+s11+$0x0], $0xffff  }
0x44: {  	[tilespmem:s21+$0xFFFFFFE0] =	vst v3;
	v3 =	vld.idx.msk [tilespmem:v4+s11+$0x0], $0xffff  }
0x45: {  	[tilespmem:s21+$0x0] =	vst v5;
	v1 =	vld.idx.msk [tilespmem:v1+s11+$0x0], $0xffff  }
0x46: {  	s22 =	sadd.s32 $0x40, s22;
	[tilespmem:s21+$0xFFFFFFF0] =	vst v6;
	v4 =	vld.idx.msk [tilespmem:v11+s11+$0x0], $0xffff  }
0x47: {  	[tilespmem:s22+$0x10] =	vst v7;
	v5 =	vld.idx.msk [tilespmem:v9+s11+$0x0], $0xffff  }
0x48: {  	[tilespmem:s22+$0xFFFFFFE0] =	vst v2;
	v2 =	vld.idx.msk [tilespmem:v8+s11+$0x0], $0xffff  }
0x49: {  	[tilespmem:s22+$0x0] =	vst v3;
	v3 =	vld.idx.msk [tilespmem:v10+s11+$0x0], $0xffff  }
0x4a: {  	s25 =	sadd.s32 $0x40, s22;
	[tilespmem:s22+$0xFFFFFFF0] =	vst v1  }
0x4b: {  	s29 =	sadd.s32 $0xFFFFFFFC, s18;
	[tilespmem:s25+$0x10] =	vst v4  }
0x4c: {  	s26 =	smul.u32 $0x340, s19;
	s30 =	sadd.s32 $0x68, s29;
	[tilespmem:s25+$0xFFFFFFE0] =	vst v5  }
0x4d: {  	s23 =	sadd.s32 $0x6A, s29;
	s31 =	sadd.s32 $0x6B, s29;
	v1 =	vmov s30;
	[tilespmem:s25+$0x0] =	vst v2  }
0x4e: {  	s21 =	sadd.s32 $0x69, s29;
	s28 =	sshra.s32 s26, $0x2;
	s22 =	simm.s32 @!p0 $0x2;
	v1 =	vand.u32 $0xFFFFFFFC, v1;
	[tilespmem:s25+$0xFFFFFFF0] =	vst v3;
	v2 =	vmov s23;
	v3 =	vmov s31  }
0x4f: {  	v1 =	vbroadcast v1, $0x0;
	v4 =	vmov s21;
	[spmem:s1] =	stream.indirect.scatter.add.f32 [tilespmem:s13], [sflag:$0x1], $0x10, s28, s12, $0xb8;
	v2 =	vand.u32 $0xFFFFFFFE, v2;
	[tilespmem:$0x8430] =	vst v63  }
0x50: {  	s24 =	sadd.s32 $0x0, s18;
	v4 =	vand.u32 $0xFFFFFFFD, v4;
	_ =	swait.ge @!p0 [sflag:s22], $0x640;
	v5 =	vbroadcast v2, $0x0  }
0x51: {  	s25 =	sadd.s32 $0x68, s24;
	v6 =	vbroadcast v4, $0x0;
	[sflag:s22] =	ssyncset.done @!p0 $0x0  }
0x52: {  	s26 =	sadd.s32 $0x6B, s24;
	s21 =	sadd.s32 $0x6A, s24;
	v2 =	vmov s25;
	[sflag:s22] =	ssyncadd.s32 @!p0 $0xFFFFF9C0  }
0x53: {  	v7 =	vmov s26;
	s28 =	sadd.s32 $0x69, s24;
	v4 =	vmov s21;
	v2 =	vand.u32 $0xFFFFFFFC, v2;
	v11 =	vld.idx.msk [tilespmem:v3+s11+$0x0], $0xffff  }
0x54: {  	v4 =	vand.u32 $0xFFFFFFFE, v4;
	v2 =	vbroadcast v2, $0x0;
	v3 =	vmov s28  }
0x55: {  	s29 =	sadd.s32 $0x4, s18;
	v4 =	vbroadcast v4, $0x0;
	v8 =	vand.u32 $0xFFFFFFFD, v3;
	v3 =	vld.idx.msk [tilespmem:v1+s11+$0x0], $0xffff  }
0x56: {  	s30 =	sadd.s32 $0x68, s29;
	s31 =	sadd.s32 $0x69, s29;
	s25 =	sadd.s32 $0x6A, s29;
	v1 =	vbroadcast v8, $0x0;
	v5 =	vld.idx.msk [tilespmem:v5+s11+$0x0], $0xffff  }
0x57: {  	s20 =	sor.u32 $0x1, s20;
	s21 =	simm.s32 $0x5620;
	v10 =	vmov s31;
	v12 =	vmov s25;
	v6 =	vld.idx.msk [tilespmem:v6+s11+$0x0], $0xffff;
	v8 =	vmov s30  }
0x58: {  	s23 =	simm.s32 $0x8;
	s24 =	sadd.s32 $0x6B, s29;
	v10 =	vand.u32 $0xFFFFFFFD, v10;
	s22 =	simm.s32 $0x5620;
	v7 =	vld.idx.msk [tilespmem:v7+s11+$0x0], $0xffff;
	v9 =	vand.u32 $0xFFFFFFFC, v8;
	v8 =	vand.u32 $0xFFFFFFFE, v12;
	[tilespmem:s21+$0x0] =	vst v11  }
.LBB2_7:
0x59: {  	v11 =	vmov s24;
	s24 =	smov.u32 s23;
	s23 =	sadd.s32 $0x4, s23  }
0x5a: {  	v10 =	vbroadcast v10, $0x0;
	[tilespmem:s21+$0xFFFFFFD0] =	vst v3;
	v3 =	vld.idx.msk [tilespmem:v2+s11+$0x0], $0xffff;
	v2 =	vbroadcast v9, $0x0;
	s22 =	sadd.s32 $0x40, s22;
	p0 =	slt.u32 s23, $0x60  }
.Ltmp2:
0x5b: {  	[tilespmem:s21+$0xFFFFFFF0] =	vst v5;
	v5 =	vld.idx.msk [tilespmem:v4+s11+$0x0], $0xffff;
	v4 =	vbroadcast v8, $0x0;
	(pc) =	sbr.rel @p0 .LBB2_7-.Ltmp2, $4  }
0x5c: {  	s24 =	sadd.s32 s24, s18;
	[tilespmem:s21+$0xFFFFFFE0] =	vst v6;
	v6 =	vld.idx.msk [tilespmem:v1+s11+$0x0], $0xffff;
	v1 =	vmov v10;
	s21 =	smov.u32 s22  }
0x5d: {  	s25 =	sadd.s32 $0x68, s24;
	s26 =	sadd.s32 $0x69, s24;
	s28 =	sadd.s32 $0x6A, s24  }
0x5e: {  	s24 =	sadd.s32 $0x6B, s24;
	v8 =	vmov s25;
	v10 =	vmov s26;
	v12 =	vmov s28  }
0x5f: {  	v9 =	vand.u32 $0xFFFFFFFC, v8;
	v10 =	vand.u32 $0xFFFFFFFD, v10;
	v8 =	vand.u32 $0xFFFFFFFE, v12;
	[tilespmem:s22+$0x0] =	vst v7;
	v7 =	vld.idx.msk [tilespmem:v11+s11+$0x0], $0xffff  }
0x60: {  	_ =	sdelay $0x1  }
0x61: {  	v9 =	vbroadcast v9, $0x0;
	v11 =	vmov s24  }
0x62: {  	v8 =	vbroadcast v8, $0x0  }
0x63: {  	v10 =	vbroadcast v10, $0x0;
	v2 =	vld.idx.msk [tilespmem:v2+s11+$0x0], $0xffff  }
0x64: {  	[tilespmem:s21+$0xFFFFFFD0] =	vst v3;
	v3 =	vld.idx.msk [tilespmem:v4+s11+$0x0], $0xffff  }
0x65: {  	[tilespmem:s21+$0xFFFFFFF0] =	vst v5;
	v1 =	vld.idx.msk [tilespmem:v1+s11+$0x0], $0xffff  }
0x66: {  	s22 =	sadd.s32 $0x40, s22;
	[tilespmem:s21+$0xFFFFFFE0] =	vst v6;
	v62 =	vld.idx.msk [tilespmem:v11+s11+$0x0], $0xffff  }
0x67: {  	[tilespmem:s22+$0x0] =	vst v7;
	v63 =	vld.idx.msk [tilespmem:v9+s11+$0x0], $0xffff  }
0x68: {  	[tilespmem:s22+$0xFFFFFFD0] =	vst v2;
	v2 =	vld.idx.msk [tilespmem:v8+s11+$0x0], $0xffff  }
0x69: {  	s19 =	sadd.s32 $0x1, s19;
	[tilespmem:s22+$0xFFFFFFF0] =	vst v3;
	v3 =	vld.idx.msk [tilespmem:v10+s11+$0x0], $0xffff  }
0x6a: {  	s31 =	sadd.s32 $0x40, s22;
	p0 =	sne.s32 s19, $0x32;
	[tilespmem:s22+$0xFFFFFFE0] =	vst v1  }
.Ltmp3:
0x6b: {  	[tilespmem:s31+$0x0] =	vst v62;
	(pc) =	sbr.rel @p0 .LBB2_4-.Ltmp3, $4  }
0x6c: {  	s20 =	smul.u32 $0x1A0, s20;
	[tilespmem:s31+$0xFFFFFFD0] =	vst v63  }
0x6d: {  	[tilespmem:s31+$0xFFFFFFF0] =	vst v2  }
0x6e: {  	s18 =	sadd.s32 $0xC8, s18;
	s20 =	sshra.s32 s20, $0x2;
	[tilespmem:s31+$0xFFFFFFE0] =	vst v3  }
0x6f: {  	[spmem:s1] =	stream.indirect.scatter.add.f32 [tilespmem:s14], [sflag:$0x2], $0x10, s20, s12, $0xb8;
	[tilespmem:$0x8430] =	vst v63  }
0x70: {  	_ =	swait.ge [sflag:s15], $0x640  }
0x71: {  	[sflag:s15] =	ssyncset.done $0x0  }
0x72: {  	[sflag:s15] =	ssyncadd.s32 $0xFFFFF9C0  }
0x73: {  	_ =	swait.ge [sflag:s16], $0x640  }
0x74: {  	s3 =	sadd.s32 $0x1, s3;
	[sflag:s16] =	ssyncset.done $0x0  }
0x75: {  	s18 =	sshll.u32 s2, $0x6;
	p0 =	sne.s32 s3, s8;
	[sflag:s16] =	ssyncadd.s32 $0xFFFFF9C0  }
.Ltmp4:
0x76: {  	s18 =	sor.u32 $0x1C03, s18;
	[bflag:$0x0] =	sbarrier.arrive $0xFFFF;
	(pc) =	sbr.rel @p0 .LBB2_1-.Ltmp4, $4  }
0x77: {  	[hbm:s7], [sflag:s18] =	dma.local [spmem:s17], $0x4F0  }
0x78: {  	_ =	swait.ge [sflag:s10], $0x4F0  }
0x79: {  	[sflag:s10] =	ssyncset.done $0x0  }
0x7a: {  	[sflag:s10] =	ssyncadd.s32 $0xFFFFFB10  }
0x7b: {  	_ =	sfence.sel $0x180000  }
0x7c: {  	[bflag:$0x0] =	sbarrier.arrive $0xFFFF  }
0x7d: {  	p0 =	sne.s32 s2, $0x0;
	_ =	strace $0x90000047  }
0x7e: {  	s0 =	sadd.s32 @!p0 $0x100000, s0;
	[bflag:$0x2] =	sbarrier.arrive $0xFFFF  }
0x7f: {  	[sflag:s0] =	ssyncadd.tile.s32 @!p0 $0x1;
	_ =	shalt  }
.Lfunc_end2:
_tile_overlayer_lowered:
.L_overlay_start_2:
0x80: {  	(tag) =	ssettag $0x2  }
0x81: {  	s0 =	rddreg [dreg:$0x0];
	s2 =	stileid.u32  }
0x82: {  	s1 =	rddreg [dreg:$0x1];
	p0 =	sne.s32 s2, $0x0  }
0x83: {  	s3 =	rddreg [dreg:$0x2];
	[bflag:$0x3] =	sbarrier.arrive $0xFFFF;
	s2 =	simm.s32 @!p0 $0x1C03  }
0x84: {  	[timem:s3], [sflag:s2] =	dma.local @!p0 [hbm:s0], s1  }
0x85: {  	s0 =	simm.s32 @!p0 $0x3  }
0x86: {  	_ =	swait.ge @!p0 [sflag:s0], s1  }
0x87: {  	s1 =	ssub.s32 @!p0 $0x0, s1;
	[sflag:s0] =	ssyncset.done @!p0 $0x0  }
0x88: {  	[sflag:s0] =	ssyncadd.s32 @!p0 s1  }
0x89: {  	[bflag:$0x3] =	sbarrier.arrive $0xFFFF  }
0x8a: {  	_ =	shalt  }

</sc_bundles>
